<compile_context>
chip_gen: v7x
topology: tpu7x:2x2x1
jax: 0.10.2.dev20260603
libtpu: 0.0.44.dev20260713+nightly
codegen_flags: <defaults>
</compile_context>

<pallas_src>
import jax
import jax.numpy as jnp
from jax import lax
from jax.experimental import pallas as pl
from jax.experimental.pallas import tpu as pltpu
from jax.experimental.pallas import tpu_sc as plsc

_SEQ = 4
_DIM = 512
_BATCH = 16384
_NC, _NS = 2, 16
_NW = _NC * _NS
_BCHUNK = 8
_PER_W = _BATCH // _NW
_NDMA = _PER_W // _BCHUNK


def _sc_body(table_hbm, out_hbm, buf, spmem, sem):
    cid = lax.axis_index("c")
    sid = lax.axis_index("s")

    srow = sid * _BCHUNK
    pltpu.sync_copy(table_hbm, buf.at[0])
    n = 1
    while n < _BCHUNK:
        pltpu.sync_copy(buf.at[pl.ds(0, n)], spmem.at[pl.ds(srow + n, n)])
        pltpu.sync_copy(spmem.at[pl.ds(srow + n, n)], buf.at[pl.ds(n, n)])
        n *= 2

    wid = sid * _NC + cid
    copies = [
        pltpu.async_copy(
            buf,
            out_hbm.at[pl.ds((j * _NW + wid) * _BCHUNK, _BCHUNK)],
            sem,
        )
        for j in range(_NDMA)
    ]
    for cp in copies:
        cp.wait()


def kernel(sequence_length, table):
    batch = sequence_length.shape[0]
    mesh = plsc.VectorSubcoreMesh(core_axis_name="c", subcore_axis_name="s")
    sc_fill = pl.kernel(
        _sc_body,
        mesh=mesh,
        out_type=jax.ShapeDtypeStruct((batch, _SEQ, _DIM), jnp.float32),
        scratch_types=[
            pltpu.VMEM((_BCHUNK, _SEQ, _DIM), jnp.float32),
            pltpu.VMEM_SHARED((_NS * _BCHUNK, _SEQ, _DIM), jnp.float32),
            pltpu.SemaphoreType.DMA,
        ],
    )
    return sc_fill(table)

# --- scband reference (transcript-rebuilt; emitter-appended) ---
"""Pipeline reference for scband-positional-embedding-79826262164063 (READ-ONLY COPY).

The authoritative reference and input builder live on the scoring server;
editing this copy changes nothing except your own understanding.
"""

import jax, jax.numpy as jnp
import numpy as np

NEIGHBOR_KERNEL = [(0, -1), (1, -1), (2, -1), (-1, 0)]
SEQ_LEN_MINUS_1 = len(NEIGHBOR_KERNEL)  # 4
EMBED_DIM = 512
BATCH = 16384


def setup_inputs(seed: int = 0) -> dict:
    key = jax.random.key(seed)
    k1, k2 = jax.random.split(key)
    # the forward arg 'sequence_length' is a tensor used only for its leading dim and device
    sequence_length = jax.random.randint(k1, (BATCH,), 0, 100, dtype=jnp.int64)
    # learned embedding table: nn.Embedding(sequence_length - 1, embedding_dim)
    table = jax.random.normal(k2, (SEQ_LEN_MINUS_1, EMBED_DIM), dtype=jnp.float32)
    return {"sequence_length": sequence_length, "table": table}


def reference(sequence_length, table):
    # position_to_idx maps each kernel position to its enumeration index, so the
    # gathered indices are simply [0, 1, 2, 3]
    idx = jnp.arange(SEQ_LEN_MINUS_1, dtype=jnp.int32)
    indices = jnp.tile(idx[None, :], (sequence_length.shape[0], 1))  # [B, 4]
    # embedding lookup -> gather rows of the table
    return jnp.take(table, indices, axis=0)  # [B, 4, EMBED_DIM]

if __name__ == "__main__":
    import jax
    _d = setup_inputs()
    print(jax.jit(kernel)(*tuple(_d.values())))

</pallas_src>

<mosaic_0001>
#map = affine_map<(d0, d1) -> (0, 0)>
#map1 = affine_map<(d0, d1) -> (0, 0, 0)>
module attributes {stable_mosaic.version = 14 : i64} {
  func.func @_sc_body(%arg0: i32, %arg1: i32, %arg2: memref<4x512xf32, #tpu.memory_space<hbm>>, %arg3: memref<16384x4x512xf32, #tpu.memory_space<hbm>>, %arg4: memref<8x4x512xf32, #tpu.memory_space<vmem>>, %arg5: memref<128x4x512xf32, #tpu.memory_space<vmem_shared>>, %arg6: memref<!tpu.dma_semaphore, #tpu.memory_space<semaphore_mem>>) attributes {dimension_semantics = [#tpu.dimension_semantics<core_parallel>, #tpu.dimension_semantics<subcore_parallel>], iteration_bounds = array<i64: 2, 16>, scalar_prefetch = 0 : i64, scratch_operands = 3 : i64, tpu.core_type = #tpu.core_type<sc_vector_subcore>, window_params = [{transform_indices = #map}, {transform_indices = #map1}]} {
    %mul3A = arith.constant 8 : i32
    %mul3A_0 = arith.muli %arg1, %mul3A : i32
    %run_scoped3A = arith.constant 0 : i32
    "tpu.region"() ({
      %run_scoped3A_1037 = tpu.sem_alloc : memref<!tpu.dma_semaphore, #tpu.memory_space<semaphore_mem>>
      %dma_start3A_1038 = arith.constant 0 : i32
      %dma_start3A_1039 = arith.constant 0 : i32
      %dma_start3A_1040 = tpu.memref_slice %arg4[%run_scoped3A, %dma_start3A_1038, %dma_start3A_1039] : memref<8x4x512xf32, #tpu.memory_space<vmem>> -> memref<1x4x512xf32, #tpu.memory_space<vmem>>
      %dma_start3A_1041 = tpu.memref_squeeze %dma_start3A_1040 : memref<1x4x512xf32, #tpu.memory_space<vmem>> -> memref<4x512xf32, #tpu.memory_space<vmem>>
      %dma_start3A_1042 = arith.constant 0 : i32
      %dma_start3A_1043 = arith.constant 0 : i32
      %dma_start3A_1044 = tpu.memref_slice %arg4[%run_scoped3A, %dma_start3A_1042, %dma_start3A_1043] : memref<8x4x512xf32, #tpu.memory_space<vmem>> -> memref<1x4x512xf32, #tpu.memory_space<vmem>>
      %dma_start3A_1045 = tpu.memref_squeeze %dma_start3A_1044 : memref<1x4x512xf32, #tpu.memory_space<vmem>> -> memref<4x512xf32, #tpu.memory_space<vmem>>
      tpu.enqueue_dma source(%arg2 : memref<4x512xf32, #tpu.memory_space<hbm>>) target(%dma_start3A_1045 : memref<4x512xf32, #tpu.memory_space<vmem>>) target_semaphore(%run_scoped3A_1037 : memref<!tpu.dma_semaphore, #tpu.memory_space<semaphore_mem>>)
      %dma_wait3A_1046 = arith.constant 0 : i32
      %dma_wait3A_1047 = arith.constant 0 : i32
      %dma_wait3A_1048 = tpu.memref_slice %arg4[%run_scoped3A, %dma_wait3A_1046, %dma_wait3A_1047] : memref<8x4x512xf32, #tpu.memory_space<vmem>> -> memref<1x4x512xf32, #tpu.memory_space<vmem>>
      %dma_wait3A_1049 = tpu.memref_squeeze %dma_wait3A_1048 : memref<1x4x512xf32, #tpu.memory_space<vmem>> -> memref<4x512xf32, #tpu.memory_space<vmem>>
      %dma_wait3A_1050 = arith.constant 0 : i32
      %dma_wait3A_1051 = arith.constant 0 : i32
      %dma_wait3A_1052 = tpu.memref_slice %arg4[%run_scoped3A, %dma_wait3A_1050, %dma_wait3A_1051] : memref<8x4x512xf32, #tpu.memory_space<vmem>> -> memref<1x4x512xf32, #tpu.memory_space<vmem>>
      %dma_wait3A_1053 = tpu.memref_squeeze %dma_wait3A_1052 : memref<1x4x512xf32, #tpu.memory_space<vmem>> -> memref<4x512xf32, #tpu.memory_space<vmem>>
      tpu.wait_dma2 semaphore(%run_scoped3A_1037 : memref<!tpu.dma_semaphore, #tpu.memory_space<semaphore_mem>>) src(%arg2 : memref<4x512xf32, #tpu.memory_space<hbm>>) dst(%dma_wait3A_1053 : memref<4x512xf32, #tpu.memory_space<vmem>>)
      tpu.yield
    }) : () -> ()
    %add3A = arith.constant 1 : i32
    %add3A_1 = arith.addi %mul3A_0, %add3A : i32
    "tpu.region"() ({
      %run_scoped3A_1037 = tpu.sem_alloc : memref<!tpu.dma_semaphore, #tpu.memory_space<semaphore_mem>>
      %dma_start3A_1038 = arith.constant 0 : i32
      %dma_start3A_1039 = arith.constant 0 : i32
      %dma_start3A_1040 = arith.constant 0 : i32
      %dma_start3A_1041 = tpu.memref_slice %arg4[%dma_start3A_1038, %dma_start3A_1039, %dma_start3A_1040] : memref<8x4x512xf32, #tpu.memory_space<vmem>> -> memref<1x4x512xf32, #tpu.memory_space<vmem>>
      %dma_start3A_1042 = arith.constant 0 : i32
      %dma_start3A_1043 = arith.constant 0 : i32
      %dma_start3A_1044 = tpu.memref_slice %arg5[%add3A_1, %dma_start3A_1042, %dma_start3A_1043] : memref<128x4x512xf32, #tpu.memory_space<vmem_shared>> -> memref<1x4x512xf32, #tpu.memory_space<vmem_shared>>
      %dma_start3A_1045 = arith.constant 0 : i32
      %dma_start3A_1046 = arith.constant 0 : i32
      %dma_start3A_1047 = tpu.memref_slice %arg5[%add3A_1, %dma_start3A_1045, %dma_start3A_1046] : memref<128x4x512xf32, #tpu.memory_space<vmem_shared>> -> memref<1x4x512xf32, #tpu.memory_space<vmem_shared>>
      %dma_start3A_1048 = arith.constant 0 : i32
      %dma_start3A_1049 = arith.constant 0 : i32
      %dma_start3A_1050 = arith.constant 0 : i32
      %dma_start3A_1051 = tpu.memref_slice %arg4[%dma_start3A_1048, %dma_start3A_1049, %dma_start3A_1050] : memref<8x4x512xf32, #tpu.memory_space<vmem>> -> memref<1x4x512xf32, #tpu.memory_space<vmem>>
      tpu.enqueue_dma source(%dma_start3A_1051 : memref<1x4x512xf32, #tpu.memory_space<vmem>>) target(%dma_start3A_1047 : memref<1x4x512xf32, #tpu.memory_space<vmem_shared>>) target_semaphore(%run_scoped3A_1037 : memref<!tpu.dma_semaphore, #tpu.memory_space<semaphore_mem>>)
      %dma_wait3A_1052 = arith.constant 0 : i32
      %dma_wait3A_1053 = arith.constant 0 : i32
      %dma_wait3A_1054 = arith.constant 0 : i32
      %dma_wait3A_1055 = tpu.memref_slice %arg4[%dma_wait3A_1052, %dma_wait3A_1053, %dma_wait3A_1054] : memref<8x4x512xf32, #tpu.memory_space<vmem>> -> memref<1x4x512xf32, #tpu.memory_space<vmem>>
      %dma_wait3A_1056 = arith.constant 0 : i32
      %dma_wait3A_1057 = arith.constant 0 : i32
      %dma_wait3A_1058 = tpu.memref_slice %arg5[%add3A_1, %dma_wait3A_1056, %dma_wait3A_1057] : memref<128x4x512xf32, #tpu.memory_space<vmem_shared>> -> memref<1x4x512xf32, #tpu.memory_space<vmem_shared>>
      %dma_wait3A_1059 = arith.constant 0 : i32
      %dma_wait3A_1060 = arith.constant 0 : i32
      %dma_wait3A_1061 = tpu.memref_slice %arg5[%add3A_1, %dma_wait3A_1059, %dma_wait3A_1060] : memref<128x4x512xf32, #tpu.memory_space<vmem_shared>> -> memref<1x4x512xf32, #tpu.memory_space<vmem_shared>>
      %dma_wait3A_1062 = arith.constant 0 : i32
      %dma_wait3A_1063 = arith.constant 0 : i32
      %dma_wait3A_1064 = arith.constant 0 : i32
      %dma_wait3A_1065 = tpu.memref_slice %arg4[%dma_wait3A_1062, %dma_wait3A_1063, %dma_wait3A_1064] : memref<8x4x512xf32, #tpu.memory_space<vmem>> -> memref<1x4x512xf32, #tpu.memory_space<vmem>>
      tpu.wait_dma2 semaphore(%run_scoped3A_1037 : memref<!tpu.dma_semaphore, #tpu.memory_space<semaphore_mem>>) src(%dma_wait3A_1065 : memref<1x4x512xf32, #tpu.memory_space<vmem>>) dst(%dma_wait3A_1061 : memref<1x4x512xf32, #tpu.memory_space<vmem_shared>>)
      tpu.yield
    }) : () -> ()
    %add3A_2 = arith.constant 1 : i32
    %add3A_3 = arith.addi %mul3A_0, %add3A_2 : i32
    "tpu.region"() ({
      %run_scoped3A_1037 = tpu.sem_alloc : memref<!tpu.dma_semaphore, #tpu.memory_space<semaphore_mem>>
      %dma_start3A_1038 = arith.constant 1 : i32
      %dma_start3A_1039 = arith.constant 0 : i32
      %dma_start3A_1040 = arith.constant 0 : i32
      %dma_start3A_1041 = tpu.memref_slice %arg4[%dma_start3A_1038, %dma_start3A_1039, %dma_start3A_1040] : memref<8x4x512xf32, #tpu.memory_space<vmem>> -> memref<1x4x512xf32, #tpu.memory_space<vmem>>
      %dma_start3A_1042 = arith.constant 0 : i32
      %dma_start3A_1043 = arith.constant 0 : i32
      %dma_start3A_1044 = tpu.memref_slice %arg5[%add3A_3, %dma_start3A_1042, %dma_start3A_1043] : memref<128x4x512xf32, #tpu.memory_space<vmem_shared>> -> memref<1x4x512xf32, #tpu.memory_space<vmem_shared>>
      %dma_start3A_1045 = arith.constant 1 : i32
      %dma_start3A_1046 = arith.constant 0 : i32
      %dma_start3A_1047 = arith.constant 0 : i32
      %dma_start3A_1048 = tpu.memref_slice %arg4[%dma_start3A_1045, %dma_start3A_1046, %dma_start3A_1047] : memref<8x4x512xf32, #tpu.memory_space<vmem>> -> memref<1x4x512xf32, #tpu.memory_space<vmem>>
      %dma_start3A_1049 = arith.constant 0 : i32
      %dma_start3A_1050 = arith.constant 0 : i32
      %dma_start3A_1051 = tpu.memref_slice %arg5[%add3A_3, %dma_start3A_1049, %dma_start3A_1050] : memref<128x4x512xf32, #tpu.memory_space<vmem_shared>> -> memref<1x4x512xf32, #tpu.memory_space<vmem_shared>>
      tpu.enqueue_dma source(%dma_start3A_1051 : memref<1x4x512xf32, #tpu.memory_space<vmem_shared>>) target(%dma_start3A_1048 : memref<1x4x512xf32, #tpu.memory_space<vmem>>) target_semaphore(%run_scoped3A_1037 : memref<!tpu.dma_semaphore, #tpu.memory_space<semaphore_mem>>)
      %dma_wait3A_1052 = arith.constant 1 : i32
      %dma_wait3A_1053 = arith.constant 0 : i32
      %dma_wait3A_1054 = arith.constant 0 : i32
      %dma_wait3A_1055 = tpu.memref_slice %arg4[%dma_wait3A_1052, %dma_wait3A_1053, %dma_wait3A_1054] : memref<8x4x512xf32, #tpu.memory_space<vmem>> -> memref<1x4x512xf32, #tpu.memory_space<vmem>>
      %dma_wait3A_1056 = arith.constant 0 : i32
      %dma_wait3A_1057 = arith.constant 0 : i32
      %dma_wait3A_1058 = tpu.memref_slice %arg5[%add3A_3, %dma_wait3A_1056, %dma_wait3A_1057] : memref<128x4x512xf32, #tpu.memory_space<vmem_shared>> -> memref<1x4x512xf32, #tpu.memory_space<vmem_shared>>
      %dma_wait3A_1059 = arith.constant 1 : i32
      %dma_wait3A_1060 = arith.constant 0 : i32
      %dma_wait3A_1061 = arith.constant 0 : i32
      %dma_wait3A_1062 = tpu.memref_slice %arg4[%dma_wait3A_1059, %dma_wait3A_1060, %dma_wait3A_1061] : memref<8x4x512xf32, #tpu.memory_space<vmem>> -> memref<1x4x512xf32, #tpu.memory_space<vmem>>
      %dma_wait3A_1063 = arith.constant 0 : i32
      %dma_wait3A_1064 = arith.constant 0 : i32
      %dma_wait3A_1065 = tpu.memref_slice %arg5[%add3A_3, %dma_wait3A_1063, %dma_wait3A_1064] : memref<128x4x512xf32, #tpu.memory_space<vmem_shared>> -> memref<1x4x512xf32, #tpu.memory_space<vmem_shared>>
      tpu.wait_dma2 semaphore(%run_scoped3A_1037 : memref<!tpu.dma_semaphore, #tpu.memory_space<semaphore_mem>>) src(%dma_wait3A_1065 : memref<1x4x512xf32, #tpu.memory_space<vmem_shared>>) dst(%dma_wait3A_1062 : memref<1x4x512xf32, #tpu.memory_space<vmem>>)
      tpu.yield
    }) : () -> ()
    %add3A_4 = arith.constant 2 : i32
    %add3A_5 = arith.addi %mul3A_0, %add3A_4 : i32
    "tpu.region"() ({
      %run_scoped3A_1037 = tpu.sem_alloc : memref<!tpu.dma_semaphore, #tpu.memory_space<semaphore_mem>>
      %dma_start3A_1038 = arith.constant 0 : i32
      %dma_start3A_1039 = arith.constant 0 : i32
      %dma_start3A_1040 = arith.constant 0 : i32
      %dma_start3A_1041 = tpu.memref_slice %arg4[%dma_start3A_1038, %dma_start3A_1039, %dma_start3A_1040] : memref<8x4x512xf32, #tpu.memory_space<vmem>> -> memref<2x4x512xf32, #tpu.memory_space<vmem>>
      %dma_start3A_1042 = arith.constant 0 : i32
      %dma_start3A_1043 = arith.constant 0 : i32
      %dma_start3A_1044 = tpu.memref_slice %arg5[%add3A_5, %dma_start3A_1042, %dma_start3A_1043] : memref<128x4x512xf32, #tpu.memory_space<vmem_shared>> -> memref<2x4x512xf32, #tpu.memory_space<vmem_shared>>
      %dma_start3A_1045 = arith.constant 0 : i32
      %dma_start3A_1046 = arith.constant 0 : i32
      %dma_start3A_1047 = tpu.memref_slice %arg5[%add3A_5, %dma_start3A_1045, %dma_start3A_1046] : memref<128x4x512xf32, #tpu.memory_space<vmem_shared>> -> memref<2x4x512xf32, #tpu.memory_space<vmem_shared>>
      %dma_start3A_1048 = arith.constant 0 : i32
      %dma_start3A_1049 = arith.constant 0 : i32
      %dma_start3A_1050 = arith.constant 0 : i32
      %dma_start3A_1051 = tpu.memref_slice %arg4[%dma_start3A_1048, %dma_start3A_1049, %dma_start3A_1050] : memref<8x4x512xf32, #tpu.memory_space<vmem>> -> memref<2x4x512xf32, #tpu.memory_space<vmem>>
      tpu.enqueue_dma source(%dma_start3A_1051 : memref<2x4x512xf32, #tpu.memory_space<vmem>>) target(%dma_start3A_1047 : memref<2x4x512xf32, #tpu.memory_space<vmem_shared>>) target_semaphore(%run_scoped3A_1037 : memref<!tpu.dma_semaphore, #tpu.memory_space<semaphore_mem>>)
      %dma_wait3A_1052 = arith.constant 0 : i32
      %dma_wait3A_1053 = arith.constant 0 : i32
      %dma_wait3A_1054 = arith.constant 0 : i32
      %dma_wait3A_1055 = tpu.memref_slice %arg4[%dma_wait3A_1052, %dma_wait3A_1053, %dma_wait3A_1054] : memref<8x4x512xf32, #tpu.memory_space<vmem>> -> memref<2x4x512xf32, #tpu.memory_space<vmem>>
      %dma_wait3A_1056 = arith.constant 0 : i32
      %dma_wait3A_1057 = arith.constant 0 : i32
      %dma_wait3A_1058 = tpu.memref_slice %arg5[%add3A_5, %dma_wait3A_1056, %dma_wait3A_1057] : memref<128x4x512xf32, #tpu.memory_space<vmem_shared>> -> memref<2x4x512xf32, #tpu.memory_space<vmem_shared>>
      %dma_wait3A_1059 = arith.constant 0 : i32
      %dma_wait3A_1060 = arith.constant 0 : i32
      %dma_wait3A_1061 = tpu.memref_slice %arg5[%add3A_5, %dma_wait3A_1059, %dma_wait3A_1060] : memref<128x4x512xf32, #tpu.memory_space<vmem_shared>> -> memref<2x4x512xf32, #tpu.memory_space<vmem_shared>>
      %dma_wait3A_1062 = arith.constant 0 : i32
      %dma_wait3A_1063 = arith.constant 0 : i32
      %dma_wait3A_1064 = arith.constant 0 : i32
      %dma_wait3A_1065 = tpu.memref_slice %arg4[%dma_wait3A_1062, %dma_wait3A_1063, %dma_wait3A_1064] : memref<8x4x512xf32, #tpu.memory_space<vmem>> -> memref<2x4x512xf32, #tpu.memory_space<vmem>>
      tpu.wait_dma2 semaphore(%run_scoped3A_1037 : memref<!tpu.dma_semaphore, #tpu.memory_space<semaphore_mem>>) src(%dma_wait3A_1065 : memref<2x4x512xf32, #tpu.memory_space<vmem>>) dst(%dma_wait3A_1061 : memref<2x4x512xf32, #tpu.memory_space<vmem_shared>>)
      tpu.yield
    }) : () -> ()
    %add3A_6 = arith.constant 2 : i32
    %add3A_7 = arith.addi %mul3A_0, %add3A_6 : i32
    "tpu.region"() ({
      %run_scoped3A_1037 = tpu.sem_alloc : memref<!tpu.dma_semaphore, #tpu.memory_space<semaphore_mem>>
      %dma_start3A_1038 = arith.constant 2 : i32
      %dma_start3A_1039 = arith.constant 0 : i32
      %dma_start3A_1040 = arith.constant 0 : i32
      %dma_start3A_1041 = tpu.memref_slice %arg4[%dma_start3A_1038, %dma_start3A_1039, %dma_start3A_1040] : memref<8x4x512xf32, #tpu.memory_space<vmem>> -> memref<2x4x512xf32, #tpu.memory_space<vmem>>
      %dma_start3A_1042 = arith.constant 0 : i32
      %dma_start3A_1043 = arith.constant 0 : i32
      %dma_start3A_1044 = tpu.memref_slice %arg5[%add3A_7, %dma_start3A_1042, %dma_start3A_1043] : memref<128x4x512xf32, #tpu.memory_space<vmem_shared>> -> memref<2x4x512xf32, #tpu.memory_space<vmem_shared>>
      %dma_start3A_1045 = arith.constant 2 : i32
      %dma_start3A_1046 = arith.constant 0 : i32
      %dma_start3A_1047 = arith.constant 0 : i32
      %dma_start3A_1048 = tpu.memref_slice %arg4[%dma_start3A_1045, %dma_start3A_1046, %dma_start3A_1047] : memref<8x4x512xf32, #tpu.memory_space<vmem>> -> memref<2x4x512xf32, #tpu.memory_space<vmem>>
      %dma_start3A_1049 = arith.constant 0 : i32
      %dma_start3A_1050 = arith.constant 0 : i32
      %dma_start3A_1051 = tpu.memref_slice %arg5[%add3A_7, %dma_start3A_1049, %dma_start3A_1050] : memref<128x4x512xf32, #tpu.memory_space<vmem_shared>> -> memref<2x4x512xf32, #tpu.memory_space<vmem_shared>>
      tpu.enqueue_dma source(%dma_start3A_1051 : memref<2x4x512xf32, #tpu.memory_space<vmem_shared>>) target(%dma_start3A_1048 : memref<2x4x512xf32, #tpu.memory_space<vmem>>) target_semaphore(%run_scoped3A_1037 : memref<!tpu.dma_semaphore, #tpu.memory_space<semaphore_mem>>)
      %dma_wait3A_1052 = arith.constant 2 : i32
      %dma_wait3A_1053 = arith.constant 0 : i32
      %dma_wait3A_1054 = arith.constant 0 : i32
      %dma_wait3A_1055 = tpu.memref_slice %arg4[%dma_wait3A_1052, %dma_wait3A_1053, %dma_wait3A_1054] : memref<8x4x512xf32, #tpu.memory_space<vmem>> -> memref<2x4x512xf32, #tpu.memory_space<vmem>>
      %dma_wait3A_1056 = arith.constant 0 : i32
      %dma_wait3A_1057 = arith.constant 0 : i32
      %dma_wait3A_1058 = tpu.memref_slice %arg5[%add3A_7, %dma_wait3A_1056, %dma_wait3A_1057] : memref<128x4x512xf32, #tpu.memory_space<vmem_shared>> -> memref<2x4x512xf32, #tpu.memory_space<vmem_shared>>
      %dma_wait3A_1059 = arith.constant 2 : i32
      %dma_wait3A_1060 = arith.constant 0 : i32
      %dma_wait3A_1061 = arith.constant 0 : i32
      %dma_wait3A_1062 = tpu.memref_slice %arg4[%dma_wait3A_1059, %dma_wait3A_1060, %dma_wait3A_1061] : memref<8x4x512xf32, #tpu.memory_space<vmem>> -> memref<2x4x512xf32, #tpu.memory_space<vmem>>
      %dma_wait3A_1063 = arith.constant 0 : i32
      %dma_wait3A_1064 = arith.constant 0 : i32
      %dma_wait3A_1065 = tpu.memref_slice %arg5[%add3A_7, %dma_wait3A_1063, %dma_wait3A_1064] : memref<128x4x512xf32, #tpu.memory_space<vmem_shared>> -> memref<2x4x512xf32, #tpu.memory_space<vmem_shared>>
      tpu.wait_dma2 semaphore(%run_scoped3A_1037 : memref<!tpu.dma_semaphore, #tpu.memory_space<semaphore_mem>>) src(%dma_wait3A_1065 : memref<2x4x512xf32, #tpu.memory_space<vmem_shared>>) dst(%dma_wait3A_1062 : memref<2x4x512xf32, #tpu.memory_space<vmem>>)
      tpu.yield
    }) : () -> ()
    %add3A_8 = arith.constant 4 : i32
    %add3A_9 = arith.addi %mul3A_0, %add3A_8 : i32
    "tpu.region"() ({
      %run_scoped3A_1037 = tpu.sem_alloc : memref<!tpu.dma_semaphore, #tpu.memory_space<semaphore_mem>>
      %dma_start3A_1038 = arith.constant 0 : i32
      %dma_start3A_1039 = arith.constant 0 : i32
      %dma_start3A_1040 = arith.constant 0 : i32
      %dma_start3A_1041 = tpu.memref_slice %arg4[%dma_start3A_1038, %dma_start3A_1039, %dma_start3A_1040] : memref<8x4x512xf32, #tpu.memory_space<vmem>> -> memref<4x4x512xf32, #tpu.memory_space<vmem>>
      %dma_start3A_1042 = arith.constant 0 : i32
      %dma_start3A_1043 = arith.constant 0 : i32
      %dma_start3A_1044 = tpu.memref_slice %arg5[%add3A_9, %dma_start3A_1042, %dma_start3A_1043] : memref<128x4x512xf32, #tpu.memory_space<vmem_shared>> -> memref<4x4x512xf32, #tpu.memory_space<vmem_shared>>
      %dma_start3A_1045 = arith.constant 0 : i32
      %dma_start3A_1046 = arith.constant 0 : i32
      %dma_start3A_1047 = tpu.memref_slice %arg5[%add3A_9, %dma_start3A_1045, %dma_start3A_1046] : memref<128x4x512xf32, #tpu.memory_space<vmem_shared>> -> memref<4x4x512xf32, #tpu.memory_space<vmem_shared>>
      %dma_start3A_1048 = arith.constant 0 : i32
      %dma_start3A_1049 = arith.constant 0 : i32
      %dma_start3A_1050 = arith.constant 0 : i32
      %dma_start3A_1051 = tpu.memref_slice %arg4[%dma_start3A_1048, %dma_start3A_1049, %dma_start3A_1050] : memref<8x4x512xf32, #tpu.memory_space<vmem>> -> memref<4x4x512xf32, #tpu.memory_space<vmem>>
      tpu.enqueue_dma source(%dma_start3A_1051 : memref<4x4x512xf32, #tpu.memory_space<vmem>>) target(%dma_start3A_1047 : memref<4x4x512xf32, #tpu.memory_space<vmem_shared>>) target_semaphore(%run_scoped3A_1037 : memref<!tpu.dma_semaphore, #tpu.memory_space<semaphore_mem>>)
      %dma_wait3A_1052 = arith.constant 0 : i32
      %dma_wait3A_1053 = arith.constant 0 : i32
      %dma_wait3A_1054 = arith.constant 0 : i32
      %dma_wait3A_1055 = tpu.memref_slice %arg4[%dma_wait3A_1052, %dma_wait3A_1053, %dma_wait3A_1054] : memref<8x4x512xf32, #tpu.memory_space<vmem>> -> memref<4x4x512xf32, #tpu.memory_space<vmem>>
      %dma_wait3A_1056 = arith.constant 0 : i32
      %dma_wait3A_1057 = arith.constant 0 : i32
      %dma_wait3A_1058 = tpu.memref_slice %arg5[%add3A_9, %dma_wait3A_1056, %dma_wait3A_1057] : memref<128x4x512xf32, #tpu.memory_space<vmem_shared>> -> memref<4x4x512xf32, #tpu.memory_space<vmem_shared>>
      %dma_wait3A_1059 = arith.constant 0 : i32
      %dma_wait3A_1060 = arith.constant 0 : i32
      %dma_wait3A_1061 = tpu.memref_slice %arg5[%add3A_9, %dma_wait3A_1059, %dma_wait3A_1060] : memref<128x4x512xf32, #tpu.memory_space<vmem_shared>> -> memref<4x4x512xf32, #tpu.memory_space<vmem_shared>>
      %dma_wait3A_1062 = arith.constant 0 : i32
      %dma_wait3A_1063 = arith.constant 0 : i32
      %dma_wait3A_1064 = arith.constant 0 : i32
      %dma_wait3A_1065 = tpu.memref_slice %arg4[%dma_wait3A_1062, %dma_wait3A_1063, %dma_wait3A_1064] : memref<8x4x512xf32, #tpu.memory_space<vmem>> -> memref<4x4x512xf32, #tpu.memory_space<vmem>>
      tpu.wait_dma2 semaphore(%run_scoped3A_1037 : memref<!tpu.dma_semaphore, #tpu.memory_space<semaphore_mem>>) src(%dma_wait3A_1065 : memref<4x4x512xf32, #tpu.memory_space<vmem>>) dst(%dma_wait3A_1061 : memref<4x4x512xf32, #tpu.memory_space<vmem_shared>>)
      tpu.yield
    }) : () -> ()
    %add3A_10 = arith.constant 4 : i32
    %add3A_11 = arith.addi %mul3A_0, %add3A_10 : i32
    "tpu.region"() ({
      %run_scoped3A_1037 = tpu.sem_alloc : memref<!tpu.dma_semaphore, #tpu.memory_space<semaphore_mem>>
      %dma_start3A_1038 = arith.constant 4 : i32
      %dma_start3A_1039 = arith.constant 0 : i32
      %dma_start3A_1040 = arith.constant 0 : i32
      %dma_start3A_1041 = tpu.memref_slice %arg4[%dma_start3A_1038, %dma_start3A_1039, %dma_start3A_1040] : memref<8x4x512xf32, #tpu.memory_space<vmem>> -> memref<4x4x512xf32, #tpu.memory_space<vmem>>
      %dma_start3A_1042 = arith.constant 0 : i32
      %dma_start3A_1043 = arith.constant 0 : i32
      %dma_start3A_1044 = tpu.memref_slice %arg5[%add3A_11, %dma_start3A_1042, %dma_start3A_1043] : memref<128x4x512xf32, #tpu.memory_space<vmem_shared>> -> memref<4x4x512xf32, #tpu.memory_space<vmem_shared>>
      %dma_start3A_1045 = arith.constant 4 : i32
      %dma_start3A_1046 = arith.constant 0 : i32
      %dma_start3A_1047 = arith.constant 0 : i32
      %dma_start3A_1048 = tpu.memref_slice %arg4[%dma_start3A_1045, %dma_start3A_1046, %dma_start3A_1047] : memref<8x4x512xf32, #tpu.memory_space<vmem>> -> memref<4x4x512xf32, #tpu.memory_space<vmem>>
      %dma_start3A_1049 = arith.constant 0 : i32
      %dma_start3A_1050 = arith.constant 0 : i32
      %dma_start3A_1051 = tpu.memref_slice %arg5[%add3A_11, %dma_start3A_1049, %dma_start3A_1050] : memref<128x4x512xf32, #tpu.memory_space<vmem_shared>> -> memref<4x4x512xf32, #tpu.memory_space<vmem_shared>>
      tpu.enqueue_dma source(%dma_start3A_1051 : memref<4x4x512xf32, #tpu.memory_space<vmem_shared>>) target(%dma_start3A_1048 : memref<4x4x512xf32, #tpu.memory_space<vmem>>) target_semaphore(%run_scoped3A_1037 : memref<!tpu.dma_semaphore, #tpu.memory_space<semaphore_mem>>)
      %dma_wait3A_1052 = arith.constant 4 : i32
      %dma_wait3A_1053 = arith.constant 0 : i32
      %dma_wait3A_1054 = arith.constant 0 : i32
      %dma_wait3A_1055 = tpu.memref_slice %arg4[%dma_wait3A_1052, %dma_wait3A_1053, %dma_wait3A_1054] : memref<8x4x512xf32, #tpu.memory_space<vmem>> -> memref<4x4x512xf32, #tpu.memory_space<vmem>>
      %dma_wait3A_1056 = arith.constant 0 : i32
      %dma_wait3A_1057 = arith.constant 0 : i32
      %dma_wait3A_1058 = tpu.memref_slice %arg5[%add3A_11, %dma_wait3A_1056, %dma_wait3A_1057] : memref<128x4x512xf32, #tpu.memory_space<vmem_shared>> -> memref<4x4x512xf32, #tpu.memory_space<vmem_shared>>
      %dma_wait3A_1059 = arith.constant 4 : i32
      %dma_wait3A_1060 = arith.constant 0 : i32
      %dma_wait3A_1061 = arith.constant 0 : i32
      %dma_wait3A_1062 = tpu.memref_slice %arg4[%dma_wait3A_1059, %dma_wait3A_1060, %dma_wait3A_1061] : memref<8x4x512xf32, #tpu.memory_space<vmem>> -> memref<4x4x512xf32, #tpu.memory_space<vmem>>
      %dma_wait3A_1063 = arith.constant 0 : i32
      %dma_wait3A_1064 = arith.constant 0 : i32
      %dma_wait3A_1065 = tpu.memref_slice %arg5[%add3A_11, %dma_wait3A_1063, %dma_wait3A_1064] : memref<128x4x512xf32, #tpu.memory_space<vmem_shared>> -> memref<4x4x512xf32, #tpu.memory_space<vmem_shared>>
      tpu.wait_dma2 semaphore(%run_scoped3A_1037 : memref<!tpu.dma_semaphore, #tpu.memory_space<semaphore_mem>>) src(%dma_wait3A_1065 : memref<4x4x512xf32, #tpu.memory_space<vmem_shared>>) dst(%dma_wait3A_1062 : memref<4x4x512xf32, #tpu.memory_space<vmem>>)
      tpu.yield
    }) : () -> ()
    %mul3A_12 = arith.constant 2 : i32
    %mul3A_13 = arith.muli %arg1, %mul3A_12 : i32
    %add3A_14 = arith.addi %mul3A_13, %arg0 : i32
    %add3A_15 = arith.constant 0 : i32
    %add3A_16 = arith.addi %add3A_15, %add3A_14 : i32
    %mul3A_17 = arith.constant 8 : i32
    %mul3A_18 = arith.muli %add3A_16, %mul3A_17 : i32
    %dma_start3A = arith.constant 0 : i32
    %dma_start3A_19 = arith.constant 0 : i32
    %dma_start3A_20 = tpu.memref_slice %arg3[%mul3A_18, %dma_start3A, %dma_start3A_19] : memref<16384x4x512xf32, #tpu.memory_space<hbm>> -> memref<8x4x512xf32, #tpu.memory_space<hbm>>
    %dma_start3A_21 = arith.constant 0 : i32
    %dma_start3A_22 = arith.constant 0 : i32
    %dma_start3A_23 = tpu.memref_slice %arg3[%mul3A_18, %dma_start3A_21, %dma_start3A_22] : memref<16384x4x512xf32, #tpu.memory_space<hbm>> -> memref<8x4x512xf32, #tpu.memory_space<hbm>>
    tpu.enqueue_dma source(%arg4 : memref<8x4x512xf32, #tpu.memory_space<vmem>>) target(%dma_start3A_23 : memref<8x4x512xf32, #tpu.memory_space<hbm>>) target_semaphore(%arg6 : memref<!tpu.dma_semaphore, #tpu.memory_space<semaphore_mem>>)
    %add3A_24 = arith.constant 32 : i32
    %add3A_25 = arith.addi %add3A_24, %add3A_14 : i32
    %mul3A_26 = arith.constant 8 : i32
    %mul3A_27 = arith.muli %add3A_25, %mul3A_26 : i32
    %dma_start3A_28 = arith.constant 0 : i32
    %dma_start3A_29 = arith.constant 0 : i32
    %dma_start3A_30 = tpu.memref_slice %arg3[%mul3A_27, %dma_start3A_28, %dma_start3A_29] : memref<16384x4x512xf32, #tpu.memory_space<hbm>> -> memref<8x4x512xf32, #tpu.memory_space<hbm>>
    %dma_start3A_31 = arith.constant 0 : i32
    %dma_start3A_32 = arith.constant 0 : i32
    %dma_start3A_33 = tpu.memref_slice %arg3[%mul3A_27, %dma_start3A_31, %dma_start3A_32] : memref<16384x4x512xf32, #tpu.memory_space<hbm>> -> memref<8x4x512xf32, #tpu.memory_space<hbm>>
    tpu.enqueue_dma source(%arg4 : memref<8x4x512xf32, #tpu.memory_space<vmem>>) target(%dma_start3A_33 : memref<8x4x512xf32, #tpu.memory_space<hbm>>) target_semaphore(%arg6 : memref<!tpu.dma_semaphore, #tpu.memory_space<semaphore_mem>>)
    %add3A_34 = arith.constant 64 : i32
    %add3A_35 = arith.addi %add3A_34, %add3A_14 : i32
    %mul3A_36 = arith.constant 8 : i32
    %mul3A_37 = arith.muli %add3A_35, %mul3A_36 : i32
    %dma_start3A_38 = arith.constant 0 : i32
    %dma_start3A_39 = arith.constant 0 : i32
    %dma_start3A_40 = tpu.memref_slice %arg3[%mul3A_37, %dma_start3A_38, %dma_start3A_39] : memref<16384x4x512xf32, #tpu.memory_space<hbm>> -> memref<8x4x512xf32, #tpu.memory_space<hbm>>
    %dma_start3A_41 = arith.constant 0 : i32
    %dma_start3A_42 = arith.constant 0 : i32
    %dma_start3A_43 = tpu.memref_slice %arg3[%mul3A_37, %dma_start3A_41, %dma_start3A_42] : memref<16384x4x512xf32, #tpu.memory_space<hbm>> -> memref<8x4x512xf32, #tpu.memory_space<hbm>>
    tpu.enqueue_dma source(%arg4 : memref<8x4x512xf32, #tpu.memory_space<vmem>>) target(%dma_start3A_43 : memref<8x4x512xf32, #tpu.memory_space<hbm>>) target_semaphore(%arg6 : memref<!tpu.dma_semaphore, #tpu.memory_space<semaphore_mem>>)
    %add3A_44 = arith.constant 96 : i32
    %add3A_45 = arith.addi %add3A_44, %add3A_14 : i32
    %mul3A_46 = arith.constant 8 : i32
    %mul3A_47 = arith.muli %add3A_45, %mul3A_46 : i32
    %dma_start3A_48 = arith.constant 0 : i32
    %dma_start3A_49 = arith.constant 0 : i32
    %dma_start3A_50 = tpu.memref_slice %arg3[%mul3A_47, %dma_start3A_48, %dma_start3A_49] : memref<16384x4x512xf32, #tpu.memory_space<hbm>> -> memref<8x4x512xf32, #tpu.memory_space<hbm>>
    %dma_start3A_51 = arith.constant 0 : i32
    %dma_start3A_52 = arith.constant 0 : i32
    %dma_start3A_53 = tpu.memref_slice %arg3[%mul3A_47, %dma_start3A_51, %dma_start3A_52] : memref<16384x4x512xf32, #tpu.memory_space<hbm>> -> memref<8x4x512xf32, #tpu.memory_space<hbm>>
    tpu.enqueue_dma source(%arg4 : memref<8x4x512xf32, #tpu.memory_space<vmem>>) target(%dma_start3A_53 : memref<8x4x512xf32, #tpu.memory_space<hbm>>) target_semaphore(%arg6 : memref<!tpu.dma_semaphore, #tpu.memory_space<semaphore_mem>>)
    %add3A_54 = arith.constant 128 : i32
    %add3A_55 = arith.addi %add3A_54, %add3A_14 : i32
    %mul3A_56 = arith.constant 8 : i32
    %mul3A_57 = arith.muli %add3A_55, %mul3A_56 : i32
    %dma_start3A_58 = arith.constant 0 : i32
    %dma_start3A_59 = arith.constant 0 : i32
    %dma_start3A_60 = tpu.memref_slice %arg3[%mul3A_57, %dma_start3A_58, %dma_start3A_59] : memref<16384x4x512xf32, #tpu.memory_space<hbm>> -> memref<8x4x512xf32, #tpu.memory_space<hbm>>
    %dma_start3A_61 = arith.constant 0 : i32
    %dma_start3A_62 = arith.constant 0 : i32
    %dma_start3A_63 = tpu.memref_slice %arg3[%mul3A_57, %dma_start3A_61, %dma_start3A_62] : memref<16384x4x512xf32, #tpu.memory_space<hbm>> -> memref<8x4x512xf32, #tpu.memory_space<hbm>>
    tpu.enqueue_dma source(%arg4 : memref<8x4x512xf32, #tpu.memory_space<vmem>>) target(%dma_start3A_63 : memref<8x4x512xf32, #tpu.memory_space<hbm>>) target_semaphore(%arg6 : memref<!tpu.dma_semaphore, #tpu.memory_space<semaphore_mem>>)
    %add3A_64 = arith.constant 160 : i32
    %add3A_65 = arith.addi %add3A_64, %add3A_14 : i32
    %mul3A_66 = arith.constant 8 : i32
    %mul3A_67 = arith.muli %add3A_65, %mul3A_66 : i32
    %dma_start3A_68 = arith.constant 0 : i32
    %dma_start3A_69 = arith.constant 0 : i32
    %dma_start3A_70 = tpu.memref_slice %arg3[%mul3A_67, %dma_start3A_68, %dma_start3A_69] : memref<16384x4x512xf32, #tpu.memory_space<hbm>> -> memref<8x4x512xf32, #tpu.memory_space<hbm>>
    %dma_start3A_71 = arith.constant 0 : i32
    %dma_start3A_72 = arith.constant 0 : i32
    %dma_start3A_73 = tpu.memref_slice %arg3[%mul3A_67, %dma_start3A_71, %dma_start3A_72] : memref<16384x4x512xf32, #tpu.memory_space<hbm>> -> memref<8x4x512xf32, #tpu.memory_space<hbm>>
    tpu.enqueue_dma source(%arg4 : memref<8x4x512xf32, #tpu.memory_space<vmem>>) target(%dma_start3A_73 : memref<8x4x512xf32, #tpu.memory_space<hbm>>) target_semaphore(%arg6 : memref<!tpu.dma_semaphore, #tpu.memory_space<semaphore_mem>>)
    %add3A_74 = arith.constant 192 : i32
    %add3A_75 = arith.addi %add3A_74, %add3A_14 : i32
    %mul3A_76 = arith.constant 8 : i32
    %mul3A_77 = arith.muli %add3A_75, %mul3A_76 : i32
    %dma_start3A_78 = arith.constant 0 : i32
    %dma_start3A_79 = arith.constant 0 : i32
    %dma_start3A_80 = tpu.memref_slice %arg3[%mul3A_77, %dma_start3A_78, %dma_start3A_79] : memref<16384x4x512xf32, #tpu.memory_space<hbm>> -> memref<8x4x512xf32, #tpu.memory_space<hbm>>
    %dma_start3A_81 = arith.constant 0 : i32
    %dma_start3A_82 = arith.constant 0 : i32
    %dma_start3A_83 = tpu.memref_slice %arg3[%mul3A_77, %dma_start3A_81, %dma_start3A_82] : memref<16384x4x512xf32, #tpu.memory_space<hbm>> -> memref<8x4x512xf32, #tpu.memory_space<hbm>>
    tpu.enqueue_dma source(%arg4 : memref<8x4x512xf32, #tpu.memory_space<vmem>>) target(%dma_start3A_83 : memref<8x4x512xf32, #tpu.memory_space<hbm>>) target_semaphore(%arg6 : memref<!tpu.dma_semaphore, #tpu.memory_space<semaphore_mem>>)
    %add3A_84 = arith.constant 224 : i32
    %add3A_85 = arith.addi %add3A_84, %add3A_14 : i32
    %mul3A_86 = arith.constant 8 : i32
    %mul3A_87 = arith.muli %add3A_85, %mul3A_86 : i32
    %dma_start3A_88 = arith.constant 0 : i32
    %dma_start3A_89 = arith.constant 0 : i32
    %dma_start3A_90 = tpu.memref_slice %arg3[%mul3A_87, %dma_start3A_88, %dma_start3A_89] : memref<16384x4x512xf32, #tpu.memory_space<hbm>> -> memref<8x4x512xf32, #tpu.memory_space<hbm>>
    %dma_start3A_91 = arith.constant 0 : i32
    %dma_start3A_92 = arith.constant 0 : i32
    %dma_start3A_93 = tpu.memref_slice %arg3[%mul3A_87, %dma_start3A_91, %dma_start3A_92] : memref<16384x4x512xf32, #tpu.memory_space<hbm>> -> memref<8x4x512xf32, #tpu.memory_space<hbm>>
    tpu.enqueue_dma source(%arg4 : memref<8x4x512xf32, #tpu.memory_space<vmem>>) target(%dma_start3A_93 : memref<8x4x512xf32, #tpu.memory_space<hbm>>) target_semaphore(%arg6 : memref<!tpu.dma_semaphore, #tpu.memory_space<semaphore_mem>>)
    %add3A_94 = arith.constant 256 : i32
    %add3A_95 = arith.addi %add3A_94, %add3A_14 : i32
    %mul3A_96 = arith.constant 8 : i32
    %mul3A_97 = arith.muli %add3A_95, %mul3A_96 : i32
    %dma_start3A_98 = arith.constant 0 : i32
    %dma_start3A_99 = arith.constant 0 : i32
    %dma_start3A_100 = tpu.memref_slice %arg3[%mul3A_97, %dma_start3A_98, %dma_start3A_99] : memref<16384x4x512xf32, #tpu.memory_space<hbm>> -> memref<8x4x512xf32, #tpu.memory_space<hbm>>
    %dma_start3A_101 = arith.constant 0 : i32
    %dma_start3A_102 = arith.constant 0 : i32
    %dma_start3A_103 = tpu.memref_slice %arg3[%mul3A_97, %dma_start3A_101, %dma_start3A_102] : memref<16384x4x512xf32, #tpu.memory_space<hbm>> -> memref<8x4x512xf32, #tpu.memory_space<hbm>>
    tpu.enqueue_dma source(%arg4 : memref<8x4x512xf32, #tpu.memory_space<vmem>>) target(%dma_start3A_103 : memref<8x4x512xf32, #tpu.memory_space<hbm>>) target_semaphore(%arg6 : memref<!tpu.dma_semaphore, #tpu.memory_space<semaphore_mem>>)
    %add3A_104 = arith.constant 288 : i32
    %add3A_105 = arith.addi %add3A_104, %add3A_14 : i32
    %mul3A_106 = arith.constant 8 : i32
    %mul3A_107 = arith.muli %add3A_105, %mul3A_106 : i32
    %dma_start3A_108 = arith.constant 0 : i32
    %dma_start3A_109 = arith.constant 0 : i32
    %dma_start3A_110 = tpu.memref_slice %arg3[%mul3A_107, %dma_start3A_108, %dma_start3A_109] : memref<16384x4x512xf32, #tpu.memory_space<hbm>> -> memref<8x4x512xf32, #tpu.memory_space<hbm>>
    %dma_start3A_111 = arith.constant 0 : i32
    %dma_start3A_112 = arith.constant 0 : i32
    %dma_start3A_113 = tpu.memref_slice %arg3[%mul3A_107, %dma_start3A_111, %dma_start3A_112] : memref<16384x4x512xf32, #tpu.memory_space<hbm>> -> memref<8x4x512xf32, #tpu.memory_space<hbm>>
    tpu.enqueue_dma source(%arg4 : memref<8x4x512xf32, #tpu.memory_space<vmem>>) target(%dma_start3A_113 : memref<8x4x512xf32, #tpu.memory_space<hbm>>) target_semaphore(%arg6 : memref<!tpu.dma_semaphore, #tpu.memory_space<semaphore_mem>>)
    %add3A_114 = arith.constant 320 : i32
    %add3A_115 = arith.addi %add3A_114, %add3A_14 : i32
    %mul3A_116 = arith.constant 8 : i32
    %mul3A_117 = arith.muli %add3A_115, %mul3A_116 : i32
    %dma_start3A_118 = arith.constant 0 : i32
    %dma_start3A_119 = arith.constant 0 : i32
    %dma_start3A_120 = tpu.memref_slice %arg3[%mul3A_117, %dma_start3A_118, %dma_start3A_119] : memref<16384x4x512xf32, #tpu.memory_space<hbm>> -> memref<8x4x512xf32, #tpu.memory_space<hbm>>
    %dma_start3A_121 = arith.constant 0 : i32
    %dma_start3A_122 = arith.constant 0 : i32
    %dma_start3A_123 = tpu.memref_slice %arg3[%mul3A_117, %dma_start3A_121, %dma_start3A_122] : memref<16384x4x512xf32, #tpu.memory_space<hbm>> -> memref<8x4x512xf32, #tpu.memory_space<hbm>>
    tpu.enqueue_dma source(%arg4 : memref<8x4x512xf32, #tpu.memory_space<vmem>>) target(%dma_start3A_123 : memref<8x4x512xf32, #tpu.memory_space<hbm>>) target_semaphore(%arg6 : memref<!tpu.dma_semaphore, #tpu.memory_space<semaphore_mem>>)
    %add3A_124 = arith.constant 352 : i32
    %add3A_125 = arith.addi %add3A_124, %add3A_14 : i32
    %mul3A_126 = arith.constant 8 : i32
    %mul3A_127 = arith.muli %add3A_125, %mul3A_126 : i32
    %dma_start3A_128 = arith.constant 0 : i32
    %dma_start3A_129 = arith.constant 0 : i32
    %dma_start3A_130 = tpu.memref_slice %arg3[%mul3A_127, %dma_start3A_128, %dma_start3A_129] : memref<16384x4x512xf32, #tpu.memory_space<hbm>> -> memref<8x4x512xf32, #tpu.memory_space<hbm>>
    %dma_start3A_131 = arith.constant 0 : i32
    %dma_start3A_132 = arith.constant 0 : i32
    %dma_start3A_133 = tpu.memref_slice %arg3[%mul3A_127, %dma_start3A_131, %dma_start3A_132] : memref<16384x4x512xf32, #tpu.memory_space<hbm>> -> memref<8x4x512xf32, #tpu.memory_space<hbm>>
    tpu.enqueue_dma source(%arg4 : memref<8x4x512xf32, #tpu.memory_space<vmem>>) target(%dma_start3A_133 : memref<8x4x512xf32, #tpu.memory_space<hbm>>) target_semaphore(%arg6 : memref<!tpu.dma_semaphore, #tpu.memory_space<semaphore_mem>>)
    %add3A_134 = arith.constant 384 : i32
    %add3A_135 = arith.addi %add3A_134, %add3A_14 : i32
    %mul3A_136 = arith.constant 8 : i32
    %mul3A_137 = arith.muli %add3A_135, %mul3A_136 : i32
    %dma_start3A_138 = arith.constant 0 : i32
    %dma_start3A_139 = arith.constant 0 : i32
    %dma_start3A_140 = tpu.memref_slice %arg3[%mul3A_137, %dma_start3A_138, %dma_start3A_139] : memref<16384x4x512xf32, #tpu.memory_space<hbm>> -> memref<8x4x512xf32, #tpu.memory_space<hbm>>
    %dma_start3A_141 = arith.constant 0 : i32
    %dma_start3A_142 = arith.constant 0 : i32
    %dma_start3A_143 = tpu.memref_slice %arg3[%mul3A_137, %dma_start3A_141, %dma_start3A_142] : memref<16384x4x512xf32, #tpu.memory_space<hbm>> -> memref<8x4x512xf32, #tpu.memory_space<hbm>>
    tpu.enqueue_dma source(%arg4 : memref<8x4x512xf32, #tpu.memory_space<vmem>>) target(%dma_start3A_143 : memref<8x4x512xf32, #tpu.memory_space<hbm>>) target_semaphore(%arg6 : memref<!tpu.dma_semaphore, #tpu.memory_space<semaphore_mem>>)
    %add3A_144 = arith.constant 416 : i32
    %add3A_145 = arith.addi %add3A_144, %add3A_14 : i32
    %mul3A_146 = arith.constant 8 : i32
    %mul3A_147 = arith.muli %add3A_145, %mul3A_146 : i32
    %dma_start3A_148 = arith.constant 0 : i32
    %dma_start3A_149 = arith.constant 0 : i32
    %dma_start3A_150 = tpu.memref_slice %arg3[%mul3A_147, %dma_start3A_148, %dma_start3A_149] : memref<16384x4x512xf32, #tpu.memory_space<hbm>> -> memref<8x4x512xf32, #tpu.memory_space<hbm>>
    %dma_start3A_151 = arith.constant 0 : i32
    %dma_start3A_152 = arith.constant 0 : i32
    %dma_start3A_153 = tpu.memref_slice %arg3[%mul3A_147, %dma_start3A_151, %dma_start3A_152] : memref<16384x4x512xf32, #tpu.memory_space<hbm>> -> memref<8x4x512xf32, #tpu.memory_space<hbm>>
    tpu.enqueue_dma source(%arg4 : memref<8x4x512xf32, #tpu.memory_space<vmem>>) target(%dma_start3A_153 : memref<8x4x512xf32, #tpu.memory_space<hbm>>) target_semaphore(%arg6 : memref<!tpu.dma_semaphore, #tpu.memory_space<semaphore_mem>>)
    %add3A_154 = arith.constant 448 : i32
    %add3A_155 = arith.addi %add3A_154, %add3A_14 : i32
    %mul3A_156 = arith.constant 8 : i32
    %mul3A_157 = arith.muli %add3A_155, %mul3A_156 : i32
    %dma_start3A_158 = arith.constant 0 : i32
    %dma_start3A_159 = arith.constant 0 : i32
    %dma_start3A_160 = tpu.memref_slice %arg3[%mul3A_157, %dma_start3A_158, %dma_start3A_159] : memref<16384x4x512xf32, #tpu.memory_space<hbm>> -> memref<8x4x512xf32, #tpu.memory_space<hbm>>
    %dma_start3A_161 = arith.constant 0 : i32
    %dma_start3A_162 = arith.constant 0 : i32
    %dma_start3A_163 = tpu.memref_slice %arg3[%mul3A_157, %dma_start3A_161, %dma_start3A_162] : memref<16384x4x512xf32, #tpu.memory_space<hbm>> -> memref<8x4x512xf32, #tpu.memory_space<hbm>>
    tpu.enqueue_dma source(%arg4 : memref<8x4x512xf32, #tpu.memory_space<vmem>>) target(%dma_start3A_163 : memref<8x4x512xf32, #tpu.memory_space<hbm>>) target_semaphore(%arg6 : memref<!tpu.dma_semaphore, #tpu.memory_space<semaphore_mem>>)
    %add3A_164 = arith.constant 480 : i32
    %add3A_165 = arith.addi %add3A_164, %add3A_14 : i32
    %mul3A_166 = arith.constant 8 : i32
    %mul3A_167 = arith.muli %add3A_165, %mul3A_166 : i32
    %dma_start3A_168 = arith.constant 0 : i32
    %dma_start3A_169 = arith.constant 0 : i32
    %dma_start3A_170 = tpu.memref_slice %arg3[%mul3A_167, %dma_start3A_168, %dma_start3A_169] : memref<16384x4x512xf32, #tpu.memory_space<hbm>> -> memref<8x4x512xf32, #tpu.memory_space<hbm>>
    %dma_start3A_171 = arith.constant 0 : i32
    %dma_start3A_172 = arith.constant 0 : i32
    %dma_start3A_173 = tpu.memref_slice %arg3[%mul3A_167, %dma_start3A_171, %dma_start3A_172] : memref<16384x4x512xf32, #tpu.memory_space<hbm>> -> memref<8x4x512xf32, #tpu.memory_space<hbm>>
    tpu.enqueue_dma source(%arg4 : memref<8x4x512xf32, #tpu.memory_space<vmem>>) target(%dma_start3A_173 : memref<8x4x512xf32, #tpu.memory_space<hbm>>) target_semaphore(%arg6 : memref<!tpu.dma_semaphore, #tpu.memory_space<semaphore_mem>>)
    %add3A_174 = arith.constant 512 : i32
    %add3A_175 = arith.addi %add3A_174, %add3A_14 : i32
    %mul3A_176 = arith.constant 8 : i32
    %mul3A_177 = arith.muli %add3A_175, %mul3A_176 : i32
    %dma_start3A_178 = arith.constant 0 : i32
    %dma_start3A_179 = arith.constant 0 : i32
    %dma_start3A_180 = tpu.memref_slice %arg3[%mul3A_177, %dma_start3A_178, %dma_start3A_179] : memref<16384x4x512xf32, #tpu.memory_space<hbm>> -> memref<8x4x512xf32, #tpu.memory_space<hbm>>
    %dma_start3A_181 = arith.constant 0 : i32
    %dma_start3A_182 = arith.constant 0 : i32
    %dma_start3A_183 = tpu.memref_slice %arg3[%mul3A_177, %dma_start3A_181, %dma_start3A_182] : memref<16384x4x512xf32, #tpu.memory_space<hbm>> -> memref<8x4x512xf32, #tpu.memory_space<hbm>>
    tpu.enqueue_dma source(%arg4 : memref<8x4x512xf32, #tpu.memory_space<vmem>>) target(%dma_start3A_183 : memref<8x4x512xf32, #tpu.memory_space<hbm>>) target_semaphore(%arg6 : memref<!tpu.dma_semaphore, #tpu.memory_space<semaphore_mem>>)
    %add3A_184 = arith.constant 544 : i32
    %add3A_185 = arith.addi %add3A_184, %add3A_14 : i32
    %mul3A_186 = arith.constant 8 : i32
    %mul3A_187 = arith.muli %add3A_185, %mul3A_186 : i32
    %dma_start3A_188 = arith.constant 0 : i32
    %dma_start3A_189 = arith.constant 0 : i32
    %dma_start3A_190 = tpu.memref_slice %arg3[%mul3A_187, %dma_start3A_188, %dma_start3A_189] : memref<16384x4x512xf32, #tpu.memory_space<hbm>> -> memref<8x4x512xf32, #tpu.memory_space<hbm>>
    %dma_start3A_191 = arith.constant 0 : i32
    %dma_start3A_192 = arith.constant 0 : i32
    %dma_start3A_193 = tpu.memref_slice %arg3[%mul3A_187, %dma_start3A_191, %dma_start3A_192] : memref<16384x4x512xf32, #tpu.memory_space<hbm>> -> memref<8x4x512xf32, #tpu.memory_space<hbm>>
    tpu.enqueue_dma source(%arg4 : memref<8x4x512xf32, #tpu.memory_space<vmem>>) target(%dma_start3A_193 : memref<8x4x512xf32, #tpu.memory_space<hbm>>) target_semaphore(%arg6 : memref<!tpu.dma_semaphore, #tpu.memory_space<semaphore_mem>>)
    %add3A_194 = arith.constant 576 : i32
    %add3A_195 = arith.addi %add3A_194, %add3A_14 : i32
    %mul3A_196 = arith.constant 8 : i32
    %mul3A_197 = arith.muli %add3A_195, %mul3A_196 : i32
    %dma_start3A_198 = arith.constant 0 : i32
    %dma_start3A_199 = arith.constant 0 : i32
    %dma_start3A_200 = tpu.memref_slice %arg3[%mul3A_197, %dma_start3A_198, %dma_start3A_199] : memref<16384x4x512xf32, #tpu.memory_space<hbm>> -> memref<8x4x512xf32, #tpu.memory_space<hbm>>
    %dma_start3A_201 = arith.constant 0 : i32
    %dma_start3A_202 = arith.constant 0 : i32
    %dma_start3A_203 = tpu.memref_slice %arg3[%mul3A_197, %dma_start3A_201, %dma_start3A_202] : memref<16384x4x512xf32, #tpu.memory_space<hbm>> -> memref<8x4x512xf32, #tpu.memory_space<hbm>>
    tpu.enqueue_dma source(%arg4 : memref<8x4x512xf32, #tpu.memory_space<vmem>>) target(%dma_start3A_203 : memref<8x4x512xf32, #tpu.memory_space<hbm>>) target_semaphore(%arg6 : memref<!tpu.dma_semaphore, #tpu.memory_space<semaphore_mem>>)
    %add3A_204 = arith.constant 608 : i32
    %add3A_205 = arith.addi %add3A_204, %add3A_14 : i32
    %mul3A_206 = arith.constant 8 : i32
    %mul3A_207 = arith.muli %add3A_205, %mul3A_206 : i32
    %dma_start3A_208 = arith.constant 0 : i32
    %dma_start3A_209 = arith.constant 0 : i32
    %dma_start3A_210 = tpu.memref_slice %arg3[%mul3A_207, %dma_start3A_208, %dma_start3A_209] : memref<16384x4x512xf32, #tpu.memory_space<hbm>> -> memref<8x4x512xf32, #tpu.memory_space<hbm>>
    %dma_start3A_211 = arith.constant 0 : i32
    %dma_start3A_212 = arith.constant 0 : i32
    %dma_start3A_213 = tpu.memref_slice %arg3[%mul3A_207, %dma_start3A_211, %dma_start3A_212] : memref<16384x4x512xf32, #tpu.memory_space<hbm>> -> memref<8x4x512xf32, #tpu.memory_space<hbm>>
    tpu.enqueue_dma source(%arg4 : memref<8x4x512xf32, #tpu.memory_space<vmem>>) target(%dma_start3A_213 : memref<8x4x512xf32, #tpu.memory_space<hbm>>) target_semaphore(%arg6 : memref<!tpu.dma_semaphore, #tpu.memory_space<semaphore_mem>>)
    %add3A_214 = arith.constant 640 : i32
    %add3A_215 = arith.addi %add3A_214, %add3A_14 : i32
    %mul3A_216 = arith.constant 8 : i32
    %mul3A_217 = arith.muli %add3A_215, %mul3A_216 : i32
    %dma_start3A_218 = arith.constant 0 : i32
    %dma_start3A_219 = arith.constant 0 : i32
    %dma_start3A_220 = tpu.memref_slice %arg3[%mul3A_217, %dma_start3A_218, %dma_start3A_219] : memref<16384x4x512xf32, #tpu.memory_space<hbm>> -> memref<8x4x512xf32, #tpu.memory_space<hbm>>
    %dma_start3A_221 = arith.constant 0 : i32
    %dma_start3A_222 = arith.constant 0 : i32
    %dma_start3A_223 = tpu.memref_slice %arg3[%mul3A_217, %dma_start3A_221, %dma_start3A_222] : memref<16384x4x512xf32, #tpu.memory_space<hbm>> -> memref<8x4x512xf32, #tpu.memory_space<hbm>>
    tpu.enqueue_dma source(%arg4 : memref<8x4x512xf32, #tpu.memory_space<vmem>>) target(%dma_start3A_223 : memref<8x4x512xf32, #tpu.memory_space<hbm>>) target_semaphore(%arg6 : memref<!tpu.dma_semaphore, #tpu.memory_space<semaphore_mem>>)
    %add3A_224 = arith.constant 672 : i32
    %add3A_225 = arith.addi %add3A_224, %add3A_14 : i32
    %mul3A_226 = arith.constant 8 : i32
    %mul3A_227 = arith.muli %add3A_225, %mul3A_226 : i32
    %dma_start3A_228 = arith.constant 0 : i32
    %dma_start3A_229 = arith.constant 0 : i32
    %dma_start3A_230 = tpu.memref_slice %arg3[%mul3A_227, %dma_start3A_228, %dma_start3A_229] : memref<16384x4x512xf32, #tpu.memory_space<hbm>> -> memref<8x4x512xf32, #tpu.memory_space<hbm>>
    %dma_start3A_231 = arith.constant 0 : i32
    %dma_start3A_232 = arith.constant 0 : i32
    %dma_start3A_233 = tpu.memref_slice %arg3[%mul3A_227, %dma_start3A_231, %dma_start3A_232] : memref<16384x4x512xf32, #tpu.memory_space<hbm>> -> memref<8x4x512xf32, #tpu.memory_space<hbm>>
    tpu.enqueue_dma source(%arg4 : memref<8x4x512xf32, #tpu.memory_space<vmem>>) target(%dma_start3A_233 : memref<8x4x512xf32, #tpu.memory_space<hbm>>) target_semaphore(%arg6 : memref<!tpu.dma_semaphore, #tpu.memory_space<semaphore_mem>>)
    %add3A_234 = arith.constant 704 : i32
    %add3A_235 = arith.addi %add3A_234, %add3A_14 : i32
    %mul3A_236 = arith.constant 8 : i32
    %mul3A_237 = arith.muli %add3A_235, %mul3A_236 : i32
    %dma_start3A_238 = arith.constant 0 : i32
    %dma_start3A_239 = arith.constant 0 : i32
    %dma_start3A_240 = tpu.memref_slice %arg3[%mul3A_237, %dma_start3A_238, %dma_start3A_239] : memref<16384x4x512xf32, #tpu.memory_space<hbm>> -> memref<8x4x512xf32, #tpu.memory_space<hbm>>
    %dma_start3A_241 = arith.constant 0 : i32
    %dma_start3A_242 = arith.constant 0 : i32
    %dma_start3A_243 = tpu.memref_slice %arg3[%mul3A_237, %dma_start3A_241, %dma_start3A_242] : memref<16384x4x512xf32, #tpu.memory_space<hbm>> -> memref<8x4x512xf32, #tpu.memory_space<hbm>>
    tpu.enqueue_dma source(%arg4 : memref<8x4x512xf32, #tpu.memory_space<vmem>>) target(%dma_start3A_243 : memref<8x4x512xf32, #tpu.memory_space<hbm>>) target_semaphore(%arg6 : memref<!tpu.dma_semaphore, #tpu.memory_space<semaphore_mem>>)
    %add3A_244 = arith.constant 736 : i32
    %add3A_245 = arith.addi %add3A_244, %add3A_14 : i32
    %mul3A_246 = arith.constant 8 : i32
    %mul3A_247 = arith.muli %add3A_245, %mul3A_246 : i32
    %dma_start3A_248 = arith.constant 0 : i32
    %dma_start3A_249 = arith.constant 0 : i32
    %dma_start3A_250 = tpu.memref_slice %arg3[%mul3A_247, %dma_start3A_248, %dma_start3A_249] : memref<16384x4x512xf32, #tpu.memory_space<hbm>> -> memref<8x4x512xf32, #tpu.memory_space<hbm>>
    %dma_start3A_251 = arith.constant 0 : i32
    %dma_start3A_252 = arith.constant 0 : i32
    %dma_start3A_253 = tpu.memref_slice %arg3[%mul3A_247, %dma_start3A_251, %dma_start3A_252] : memref<16384x4x512xf32, #tpu.memory_space<hbm>> -> memref<8x4x512xf32, #tpu.memory_space<hbm>>
    tpu.enqueue_dma source(%arg4 : memref<8x4x512xf32, #tpu.memory_space<vmem>>) target(%dma_start3A_253 : memref<8x4x512xf32, #tpu.memory_space<hbm>>) target_semaphore(%arg6 : memref<!tpu.dma_semaphore, #tpu.memory_space<semaphore_mem>>)
    %add3A_254 = arith.constant 768 : i32
    %add3A_255 = arith.addi %add3A_254, %add3A_14 : i32
    %mul3A_256 = arith.constant 8 : i32
    %mul3A_257 = arith.muli %add3A_255, %mul3A_256 : i32
    %dma_start3A_258 = arith.constant 0 : i32
    %dma_start3A_259 = arith.constant 0 : i32
    %dma_start3A_260 = tpu.memref_slice %arg3[%mul3A_257, %dma_start3A_258, %dma_start3A_259] : memref<16384x4x512xf32, #tpu.memory_space<hbm>> -> memref<8x4x512xf32, #tpu.memory_space<hbm>>
    %dma_start3A_261 = arith.constant 0 : i32
    %dma_start3A_262 = arith.constant 0 : i32
    %dma_start3A_263 = tpu.memref_slice %arg3[%mul3A_257, %dma_start3A_261, %dma_start3A_262] : memref<16384x4x512xf32, #tpu.memory_space<hbm>> -> memref<8x4x512xf32, #tpu.memory_space<hbm>>
    tpu.enqueue_dma source(%arg4 : memref<8x4x512xf32, #tpu.memory_space<vmem>>) target(%dma_start3A_263 : memref<8x4x512xf32, #tpu.memory_space<hbm>>) target_semaphore(%arg6 : memref<!tpu.dma_semaphore, #tpu.memory_space<semaphore_mem>>)
    %add3A_264 = arith.constant 800 : i32
    %add3A_265 = arith.addi %add3A_264, %add3A_14 : i32
    %mul3A_266 = arith.constant 8 : i32
    %mul3A_267 = arith.muli %add3A_265, %mul3A_266 : i32
    %dma_start3A_268 = arith.constant 0 : i32
    %dma_start3A_269 = arith.constant 0 : i32
    %dma_start3A_270 = tpu.memref_slice %arg3[%mul3A_267, %dma_start3A_268, %dma_start3A_269] : memref<16384x4x512xf32, #tpu.memory_space<hbm>> -> memref<8x4x512xf32, #tpu.memory_space<hbm>>
    %dma_start3A_271 = arith.constant 0 : i32
    %dma_start3A_272 = arith.constant 0 : i32
    %dma_start3A_273 = tpu.memref_slice %arg3[%mul3A_267, %dma_start3A_271, %dma_start3A_272] : memref<16384x4x512xf32, #tpu.memory_space<hbm>> -> memref<8x4x512xf32, #tpu.memory_space<hbm>>
    tpu.enqueue_dma source(%arg4 : memref<8x4x512xf32, #tpu.memory_space<vmem>>) target(%dma_start3A_273 : memref<8x4x512xf32, #tpu.memory_space<hbm>>) target_semaphore(%arg6 : memref<!tpu.dma_semaphore, #tpu.memory_space<semaphore_mem>>)
    %add3A_274 = arith.constant 832 : i32
    %add3A_275 = arith.addi %add3A_274, %add3A_14 : i32
    %mul3A_276 = arith.constant 8 : i32
    %mul3A_277 = arith.muli %add3A_275, %mul3A_276 : i32
    %dma_start3A_278 = arith.constant 0 : i32
    %dma_start3A_279 = arith.constant 0 : i32
    %dma_start3A_280 = tpu.memref_slice %arg3[%mul3A_277, %dma_start3A_278, %dma_start3A_279] : memref<16384x4x512xf32, #tpu.memory_space<hbm>> -> memref<8x4x512xf32, #tpu.memory_space<hbm>>
    %dma_start3A_281 = arith.constant 0 : i32
    %dma_start3A_282 = arith.constant 0 : i32
    %dma_start3A_283 = tpu.memref_slice %arg3[%mul3A_277, %dma_start3A_281, %dma_start3A_282] : memref<16384x4x512xf32, #tpu.memory_space<hbm>> -> memref<8x4x512xf32, #tpu.memory_space<hbm>>
    tpu.enqueue_dma source(%arg4 : memref<8x4x512xf32, #tpu.memory_space<vmem>>) target(%dma_start3A_283 : memref<8x4x512xf32, #tpu.memory_space<hbm>>) target_semaphore(%arg6 : memref<!tpu.dma_semaphore, #tpu.memory_space<semaphore_mem>>)
    %add3A_284 = arith.constant 864 : i32
    %add3A_285 = arith.addi %add3A_284, %add3A_14 : i32
    %mul3A_286 = arith.constant 8 : i32
    %mul3A_287 = arith.muli %add3A_285, %mul3A_286 : i32
    %dma_start3A_288 = arith.constant 0 : i32
    %dma_start3A_289 = arith.constant 0 : i32
    %dma_start3A_290 = tpu.memref_slice %arg3[%mul3A_287, %dma_start3A_288, %dma_start3A_289] : memref<16384x4x512xf32, #tpu.memory_space<hbm>> -> memref<8x4x512xf32, #tpu.memory_space<hbm>>
    %dma_start3A_291 = arith.constant 0 : i32
    %dma_start3A_292 = arith.constant 0 : i32
    %dma_start3A_293 = tpu.memref_slice %arg3[%mul3A_287, %dma_start3A_291, %dma_start3A_292] : memref<16384x4x512xf32, #tpu.memory_space<hbm>> -> memref<8x4x512xf32, #tpu.memory_space<hbm>>
    tpu.enqueue_dma source(%arg4 : memref<8x4x512xf32, #tpu.memory_space<vmem>>) target(%dma_start3A_293 : memref<8x4x512xf32, #tpu.memory_space<hbm>>) target_semaphore(%arg6 : memref<!tpu.dma_semaphore, #tpu.memory_space<semaphore_mem>>)
    %add3A_294 = arith.constant 896 : i32
    %add3A_295 = arith.addi %add3A_294, %add3A_14 : i32
    %mul3A_296 = arith.constant 8 : i32
    %mul3A_297 = arith.muli %add3A_295, %mul3A_296 : i32
    %dma_start3A_298 = arith.constant 0 : i32
    %dma_start3A_299 = arith.constant 0 : i32
    %dma_start3A_300 = tpu.memref_slice %arg3[%mul3A_297, %dma_start3A_298, %dma_start3A_299] : memref<16384x4x512xf32, #tpu.memory_space<hbm>> -> memref<8x4x512xf32, #tpu.memory_space<hbm>>
    %dma_start3A_301 = arith.constant 0 : i32
    %dma_start3A_302 = arith.constant 0 : i32
    %dma_start3A_303 = tpu.memref_slice %arg3[%mul3A_297, %dma_start3A_301, %dma_start3A_302] : memref<16384x4x512xf32, #tpu.memory_space<hbm>> -> memref<8x4x512xf32, #tpu.memory_space<hbm>>
    tpu.enqueue_dma source(%arg4 : memref<8x4x512xf32, #tpu.memory_space<vmem>>) target(%dma_start3A_303 : memref<8x4x512xf32, #tpu.memory_space<hbm>>) target_semaphore(%arg6 : memref<!tpu.dma_semaphore, #tpu.memory_space<semaphore_mem>>)
    %add3A_304 = arith.constant 928 : i32
    %add3A_305 = arith.addi %add3A_304, %add3A_14 : i32
    %mul3A_306 = arith.constant 8 : i32
    %mul3A_307 = arith.muli %add3A_305, %mul3A_306 : i32
    %dma_start3A_308 = arith.constant 0 : i32
    %dma_start3A_309 = arith.constant 0 : i32
    %dma_start3A_310 = tpu.memref_slice %arg3[%mul3A_307, %dma_start3A_308, %dma_start3A_309] : memref<16384x4x512xf32, #tpu.memory_space<hbm>> -> memref<8x4x512xf32, #tpu.memory_space<hbm>>
    %dma_start3A_311 = arith.constant 0 : i32
    %dma_start3A_312 = arith.constant 0 : i32
    %dma_start3A_313 = tpu.memref_slice %arg3[%mul3A_307, %dma_start3A_311, %dma_start3A_312] : memref<16384x4x512xf32, #tpu.memory_space<hbm>> -> memref<8x4x512xf32, #tpu.memory_space<hbm>>
    tpu.enqueue_dma source(%arg4 : memref<8x4x512xf32, #tpu.memory_space<vmem>>) target(%dma_start3A_313 : memref<8x4x512xf32, #tpu.memory_space<hbm>>) target_semaphore(%arg6 : memref<!tpu.dma_semaphore, #tpu.memory_space<semaphore_mem>>)
    %add3A_314 = arith.constant 960 : i32
    %add3A_315 = arith.addi %add3A_314, %add3A_14 : i32
    %mul3A_316 = arith.constant 8 : i32
    %mul3A_317 = arith.muli %add3A_315, %mul3A_316 : i32
    %dma_start3A_318 = arith.constant 0 : i32
    %dma_start3A_319 = arith.constant 0 : i32
    %dma_start3A_320 = tpu.memref_slice %arg3[%mul3A_317, %dma_start3A_318, %dma_start3A_319] : memref<16384x4x512xf32, #tpu.memory_space<hbm>> -> memref<8x4x512xf32, #tpu.memory_space<hbm>>
    %dma_start3A_321 = arith.constant 0 : i32
    %dma_start3A_322 = arith.constant 0 : i32
    %dma_start3A_323 = tpu.memref_slice %arg3[%mul3A_317, %dma_start3A_321, %dma_start3A_322] : memref<16384x4x512xf32, #tpu.memory_space<hbm>> -> memref<8x4x512xf32, #tpu.memory_space<hbm>>
    tpu.enqueue_dma source(%arg4 : memref<8x4x512xf32, #tpu.memory_space<vmem>>) target(%dma_start3A_323 : memref<8x4x512xf32, #tpu.memory_space<hbm>>) target_semaphore(%arg6 : memref<!tpu.dma_semaphore, #tpu.memory_space<semaphore_mem>>)
    %add3A_324 = arith.constant 992 : i32
    %add3A_325 = arith.addi %add3A_324, %add3A_14 : i32
    %mul3A_326 = arith.constant 8 : i32
    %mul3A_327 = arith.muli %add3A_325, %mul3A_326 : i32
    %dma_start3A_328 = arith.constant 0 : i32
    %dma_start3A_329 = arith.constant 0 : i32
    %dma_start3A_330 = tpu.memref_slice %arg3[%mul3A_327, %dma_start3A_328, %dma_start3A_329] : memref<16384x4x512xf32, #tpu.memory_space<hbm>> -> memref<8x4x512xf32, #tpu.memory_space<hbm>>
    %dma_start3A_331 = arith.constant 0 : i32
    %dma_start3A_332 = arith.constant 0 : i32
    %dma_start3A_333 = tpu.memref_slice %arg3[%mul3A_327, %dma_start3A_331, %dma_start3A_332] : memref<16384x4x512xf32, #tpu.memory_space<hbm>> -> memref<8x4x512xf32, #tpu.memory_space<hbm>>
    tpu.enqueue_dma source(%arg4 : memref<8x4x512xf32, #tpu.memory_space<vmem>>) target(%dma_start3A_333 : memref<8x4x512xf32, #tpu.memory_space<hbm>>) target_semaphore(%arg6 : memref<!tpu.dma_semaphore, #tpu.memory_space<semaphore_mem>>)
    %add3A_334 = arith.constant 1024 : i32
    %add3A_335 = arith.addi %add3A_334, %add3A_14 : i32
    %mul3A_336 = arith.constant 8 : i32
    %mul3A_337 = arith.muli %add3A_335, %mul3A_336 : i32
    %dma_start3A_338 = arith.constant 0 : i32
    %dma_start3A_339 = arith.constant 0 : i32
    %dma_start3A_340 = tpu.memref_slice %arg3[%mul3A_337, %dma_start3A_338, %dma_start3A_339] : memref<16384x4x512xf32, #tpu.memory_space<hbm>> -> memref<8x4x512xf32, #tpu.memory_space<hbm>>
    %dma_start3A_341 = arith.constant 0 : i32
    %dma_start3A_342 = arith.constant 0 : i32
    %dma_start3A_343 = tpu.memref_slice %arg3[%mul3A_337, %dma_start3A_341, %dma_start3A_342] : memref<16384x4x512xf32, #tpu.memory_space<hbm>> -> memref<8x4x512xf32, #tpu.memory_space<hbm>>
    tpu.enqueue_dma source(%arg4 : memref<8x4x512xf32, #tpu.memory_space<vmem>>) target(%dma_start3A_343 : memref<8x4x512xf32, #tpu.memory_space<hbm>>) target_semaphore(%arg6 : memref<!tpu.dma_semaphore, #tpu.memory_space<semaphore_mem>>)
    %add3A_344 = arith.constant 1056 : i32
    %add3A_345 = arith.addi %add3A_344, %add3A_14 : i32
    %mul3A_346 = arith.constant 8 : i32
    %mul3A_347 = arith.muli %add3A_345, %mul3A_346 : i32
    %dma_start3A_348 = arith.constant 0 : i32
    %dma_start3A_349 = arith.constant 0 : i32
    %dma_start3A_350 = tpu.memref_slice %arg3[%mul3A_347, %dma_start3A_348, %dma_start3A_349] : memref<16384x4x512xf32, #tpu.memory_space<hbm>> -> memref<8x4x512xf32, #tpu.memory_space<hbm>>
    %dma_start3A_351 = arith.constant 0 : i32
    %dma_start3A_352 = arith.constant 0 : i32
    %dma_start3A_353 = tpu.memref_slice %arg3[%mul3A_347, %dma_start3A_351, %dma_start3A_352] : memref<16384x4x512xf32, #tpu.memory_space<hbm>> -> memref<8x4x512xf32, #tpu.memory_space<hbm>>
    tpu.enqueue_dma source(%arg4 : memref<8x4x512xf32, #tpu.memory_space<vmem>>) target(%dma_start3A_353 : memref<8x4x512xf32, #tpu.memory_space<hbm>>) target_semaphore(%arg6 : memref<!tpu.dma_semaphore, #tpu.memory_space<semaphore_mem>>)
    %add3A_354 = arith.constant 1088 : i32
    %add3A_355 = arith.addi %add3A_354, %add3A_14 : i32
    %mul3A_356 = arith.constant 8 : i32
    %mul3A_357 = arith.muli %add3A_355, %mul3A_356 : i32
    %dma_start3A_358 = arith.constant 0 : i32
    %dma_start3A_359 = arith.constant 0 : i32
    %dma_start3A_360 = tpu.memref_slice %arg3[%mul3A_357, %dma_start3A_358, %dma_start3A_359] : memref<16384x4x512xf32, #tpu.memory_space<hbm>> -> memref<8x4x512xf32, #tpu.memory_space<hbm>>
    %dma_start3A_361 = arith.constant 0 : i32
    %dma_start3A_362 = arith.constant 0 : i32
    %dma_start3A_363 = tpu.memref_slice %arg3[%mul3A_357, %dma_start3A_361, %dma_start3A_362] : memref<16384x4x512xf32, #tpu.memory_space<hbm>> -> memref<8x4x512xf32, #tpu.memory_space<hbm>>
    tpu.enqueue_dma source(%arg4 : memref<8x4x512xf32, #tpu.memory_space<vmem>>) target(%dma_start3A_363 : memref<8x4x512xf32, #tpu.memory_space<hbm>>) target_semaphore(%arg6 : memref<!tpu.dma_semaphore, #tpu.memory_space<semaphore_mem>>)
    %add3A_364 = arith.constant 1120 : i32
    %add3A_365 = arith.addi %add3A_364, %add3A_14 : i32
    %mul3A_366 = arith.constant 8 : i32
    %mul3A_367 = arith.muli %add3A_365, %mul3A_366 : i32
    %dma_start3A_368 = arith.constant 0 : i32
    %dma_start3A_369 = arith.constant 0 : i32
    %dma_start3A_370 = tpu.memref_slice %arg3[%mul3A_367, %dma_start3A_368, %dma_start3A_369] : memref<16384x4x512xf32, #tpu.memory_space<hbm>> -> memref<8x4x512xf32, #tpu.memory_space<hbm>>
    %dma_start3A_371 = arith.constant 0 : i32
    %dma_start3A_372 = arith.constant 0 : i32
    %dma_start3A_373 = tpu.memref_slice %arg3[%mul3A_367, %dma_start3A_371, %dma_start3A_372] : memref<16384x4x512xf32, #tpu.memory_space<hbm>> -> memref<8x4x512xf32, #tpu.memory_space<hbm>>
    tpu.enqueue_dma source(%arg4 : memref<8x4x512xf32, #tpu.memory_space<vmem>>) target(%dma_start3A_373 : memref<8x4x512xf32, #tpu.memory_space<hbm>>) target_semaphore(%arg6 : memref<!tpu.dma_semaphore, #tpu.memory_space<semaphore_mem>>)
    %add3A_374 = arith.constant 1152 : i32
    %add3A_375 = arith.addi %add3A_374, %add3A_14 : i32
    %mul3A_376 = arith.constant 8 : i32
    %mul3A_377 = arith.muli %add3A_375, %mul3A_376 : i32
    %dma_start3A_378 = arith.constant 0 : i32
    %dma_start3A_379 = arith.constant 0 : i32
    %dma_start3A_380 = tpu.memref_slice %arg3[%mul3A_377, %dma_start3A_378, %dma_start3A_379] : memref<16384x4x512xf32, #tpu.memory_space<hbm>> -> memref<8x4x512xf32, #tpu.memory_space<hbm>>
    %dma_start3A_381 = arith.constant 0 : i32
    %dma_start3A_382 = arith.constant 0 : i32
    %dma_start3A_383 = tpu.memref_slice %arg3[%mul3A_377, %dma_start3A_381, %dma_start3A_382] : memref<16384x4x512xf32, #tpu.memory_space<hbm>> -> memref<8x4x512xf32, #tpu.memory_space<hbm>>
    tpu.enqueue_dma source(%arg4 : memref<8x4x512xf32, #tpu.memory_space<vmem>>) target(%dma_start3A_383 : memref<8x4x512xf32, #tpu.memory_space<hbm>>) target_semaphore(%arg6 : memref<!tpu.dma_semaphore, #tpu.memory_space<semaphore_mem>>)
    %add3A_384 = arith.constant 1184 : i32
    %add3A_385 = arith.addi %add3A_384, %add3A_14 : i32
    %mul3A_386 = arith.constant 8 : i32
    %mul3A_387 = arith.muli %add3A_385, %mul3A_386 : i32
    %dma_start3A_388 = arith.constant 0 : i32
    %dma_start3A_389 = arith.constant 0 : i32
    %dma_start3A_390 = tpu.memref_slice %arg3[%mul3A_387, %dma_start3A_388, %dma_start3A_389] : memref<16384x4x512xf32, #tpu.memory_space<hbm>> -> memref<8x4x512xf32, #tpu.memory_space<hbm>>
    %dma_start3A_391 = arith.constant 0 : i32
    %dma_start3A_392 = arith.constant 0 : i32
    %dma_start3A_393 = tpu.memref_slice %arg3[%mul3A_387, %dma_start3A_391, %dma_start3A_392] : memref<16384x4x512xf32, #tpu.memory_space<hbm>> -> memref<8x4x512xf32, #tpu.memory_space<hbm>>
    tpu.enqueue_dma source(%arg4 : memref<8x4x512xf32, #tpu.memory_space<vmem>>) target(%dma_start3A_393 : memref<8x4x512xf32, #tpu.memory_space<hbm>>) target_semaphore(%arg6 : memref<!tpu.dma_semaphore, #tpu.memory_space<semaphore_mem>>)
    %add3A_394 = arith.constant 1216 : i32
    %add3A_395 = arith.addi %add3A_394, %add3A_14 : i32
    %mul3A_396 = arith.constant 8 : i32
    %mul3A_397 = arith.muli %add3A_395, %mul3A_396 : i32
    %dma_start3A_398 = arith.constant 0 : i32
    %dma_start3A_399 = arith.constant 0 : i32
    %dma_start3A_400 = tpu.memref_slice %arg3[%mul3A_397, %dma_start3A_398, %dma_start3A_399] : memref<16384x4x512xf32, #tpu.memory_space<hbm>> -> memref<8x4x512xf32, #tpu.memory_space<hbm>>
    %dma_start3A_401 = arith.constant 0 : i32
    %dma_start3A_402 = arith.constant 0 : i32
    %dma_start3A_403 = tpu.memref_slice %arg3[%mul3A_397, %dma_start3A_401, %dma_start3A_402] : memref<16384x4x512xf32, #tpu.memory_space<hbm>> -> memref<8x4x512xf32, #tpu.memory_space<hbm>>
    tpu.enqueue_dma source(%arg4 : memref<8x4x512xf32, #tpu.memory_space<vmem>>) target(%dma_start3A_403 : memref<8x4x512xf32, #tpu.memory_space<hbm>>) target_semaphore(%arg6 : memref<!tpu.dma_semaphore, #tpu.memory_space<semaphore_mem>>)
    %add3A_404 = arith.constant 1248 : i32
    %add3A_405 = arith.addi %add3A_404, %add3A_14 : i32
    %mul3A_406 = arith.constant 8 : i32
    %mul3A_407 = arith.muli %add3A_405, %mul3A_406 : i32
    %dma_start3A_408 = arith.constant 0 : i32
    %dma_start3A_409 = arith.constant 0 : i32
    %dma_start3A_410 = tpu.memref_slice %arg3[%mul3A_407, %dma_start3A_408, %dma_start3A_409] : memref<16384x4x512xf32, #tpu.memory_space<hbm>> -> memref<8x4x512xf32, #tpu.memory_space<hbm>>
    %dma_start3A_411 = arith.constant 0 : i32
    %dma_start3A_412 = arith.constant 0 : i32
    %dma_start3A_413 = tpu.memref_slice %arg3[%mul3A_407, %dma_start3A_411, %dma_start3A_412] : memref<16384x4x512xf32, #tpu.memory_space<hbm>> -> memref<8x4x512xf32, #tpu.memory_space<hbm>>
    tpu.enqueue_dma source(%arg4 : memref<8x4x512xf32, #tpu.memory_space<vmem>>) target(%dma_start3A_413 : memref<8x4x512xf32, #tpu.memory_space<hbm>>) target_semaphore(%arg6 : memref<!tpu.dma_semaphore, #tpu.memory_space<semaphore_mem>>)
    %add3A_414 = arith.constant 1280 : i32
    %add3A_415 = arith.addi %add3A_414, %add3A_14 : i32
    %mul3A_416 = arith.constant 8 : i32
    %mul3A_417 = arith.muli %add3A_415, %mul3A_416 : i32
    %dma_start3A_418 = arith.constant 0 : i32
    %dma_start3A_419 = arith.constant 0 : i32
    %dma_start3A_420 = tpu.memref_slice %arg3[%mul3A_417, %dma_start3A_418, %dma_start3A_419] : memref<16384x4x512xf32, #tpu.memory_space<hbm>> -> memref<8x4x512xf32, #tpu.memory_space<hbm>>
    %dma_start3A_421 = arith.constant 0 : i32
    %dma_start3A_422 = arith.constant 0 : i32
    %dma_start3A_423 = tpu.memref_slice %arg3[%mul3A_417, %dma_start3A_421, %dma_start3A_422] : memref<16384x4x512xf32, #tpu.memory_space<hbm>> -> memref<8x4x512xf32, #tpu.memory_space<hbm>>
    tpu.enqueue_dma source(%arg4 : memref<8x4x512xf32, #tpu.memory_space<vmem>>) target(%dma_start3A_423 : memref<8x4x512xf32, #tpu.memory_space<hbm>>) target_semaphore(%arg6 : memref<!tpu.dma_semaphore, #tpu.memory_space<semaphore_mem>>)
    %add3A_424 = arith.constant 1312 : i32
    %add3A_425 = arith.addi %add3A_424, %add3A_14 : i32
    %mul3A_426 = arith.constant 8 : i32
    %mul3A_427 = arith.muli %add3A_425, %mul3A_426 : i32
    %dma_start3A_428 = arith.constant 0 : i32
    %dma_start3A_429 = arith.constant 0 : i32
    %dma_start3A_430 = tpu.memref_slice %arg3[%mul3A_427, %dma_start3A_428, %dma_start3A_429] : memref<16384x4x512xf32, #tpu.memory_space<hbm>> -> memref<8x4x512xf32, #tpu.memory_space<hbm>>
    %dma_start3A_431 = arith.constant 0 : i32
    %dma_start3A_432 = arith.constant 0 : i32
    %dma_start3A_433 = tpu.memref_slice %arg3[%mul3A_427, %dma_start3A_431, %dma_start3A_432] : memref<16384x4x512xf32, #tpu.memory_space<hbm>> -> memref<8x4x512xf32, #tpu.memory_space<hbm>>
    tpu.enqueue_dma source(%arg4 : memref<8x4x512xf32, #tpu.memory_space<vmem>>) target(%dma_start3A_433 : memref<8x4x512xf32, #tpu.memory_space<hbm>>) target_semaphore(%arg6 : memref<!tpu.dma_semaphore, #tpu.memory_space<semaphore_mem>>)
    %add3A_434 = arith.constant 1344 : i32
    %add3A_435 = arith.addi %add3A_434, %add3A_14 : i32
    %mul3A_436 = arith.constant 8 : i32
    %mul3A_437 = arith.muli %add3A_435, %mul3A_436 : i32
    %dma_start3A_438 = arith.constant 0 : i32
    %dma_start3A_439 = arith.constant 0 : i32
    %dma_start3A_440 = tpu.memref_slice %arg3[%mul3A_437, %dma_start3A_438, %dma_start3A_439] : memref<16384x4x512xf32, #tpu.memory_space<hbm>> -> memref<8x4x512xf32, #tpu.memory_space<hbm>>
    %dma_start3A_441 = arith.constant 0 : i32
    %dma_start3A_442 = arith.constant 0 : i32
    %dma_start3A_443 = tpu.memref_slice %arg3[%mul3A_437, %dma_start3A_441, %dma_start3A_442] : memref<16384x4x512xf32, #tpu.memory_space<hbm>> -> memref<8x4x512xf32, #tpu.memory_space<hbm>>
    tpu.enqueue_dma source(%arg4 : memref<8x4x512xf32, #tpu.memory_space<vmem>>) target(%dma_start3A_443 : memref<8x4x512xf32, #tpu.memory_space<hbm>>) target_semaphore(%arg6 : memref<!tpu.dma_semaphore, #tpu.memory_space<semaphore_mem>>)
    %add3A_444 = arith.constant 1376 : i32
    %add3A_445 = arith.addi %add3A_444, %add3A_14 : i32
    %mul3A_446 = arith.constant 8 : i32
    %mul3A_447 = arith.muli %add3A_445, %mul3A_446 : i32
    %dma_start3A_448 = arith.constant 0 : i32
    %dma_start3A_449 = arith.constant 0 : i32
    %dma_start3A_450 = tpu.memref_slice %arg3[%mul3A_447, %dma_start3A_448, %dma_start3A_449] : memref<16384x4x512xf32, #tpu.memory_space<hbm>> -> memref<8x4x512xf32, #tpu.memory_space<hbm>>
    %dma_start3A_451 = arith.constant 0 : i32
    %dma_start3A_452 = arith.constant 0 : i32
    %dma_start3A_453 = tpu.memref_slice %arg3[%mul3A_447, %dma_start3A_451, %dma_start3A_452] : memref<16384x4x512xf32, #tpu.memory_space<hbm>> -> memref<8x4x512xf32, #tpu.memory_space<hbm>>
    tpu.enqueue_dma source(%arg4 : memref<8x4x512xf32, #tpu.memory_space<vmem>>) target(%dma_start3A_453 : memref<8x4x512xf32, #tpu.memory_space<hbm>>) target_semaphore(%arg6 : memref<!tpu.dma_semaphore, #tpu.memory_space<semaphore_mem>>)
    %add3A_454 = arith.constant 1408 : i32
    %add3A_455 = arith.addi %add3A_454, %add3A_14 : i32
    %mul3A_456 = arith.constant 8 : i32
    %mul3A_457 = arith.muli %add3A_455, %mul3A_456 : i32
    %dma_start3A_458 = arith.constant 0 : i32
    %dma_start3A_459 = arith.constant 0 : i32
    %dma_start3A_460 = tpu.memref_slice %arg3[%mul3A_457, %dma_start3A_458, %dma_start3A_459] : memref<16384x4x512xf32, #tpu.memory_space<hbm>> -> memref<8x4x512xf32, #tpu.memory_space<hbm>>
    %dma_start3A_461 = arith.constant 0 : i32
    %dma_start3A_462 = arith.constant 0 : i32
    %dma_start3A_463 = tpu.memref_slice %arg3[%mul3A_457, %dma_start3A_461, %dma_start3A_462] : memref<16384x4x512xf32, #tpu.memory_space<hbm>> -> memref<8x4x512xf32, #tpu.memory_space<hbm>>
    tpu.enqueue_dma source(%arg4 : memref<8x4x512xf32, #tpu.memory_space<vmem>>) target(%dma_start3A_463 : memref<8x4x512xf32, #tpu.memory_space<hbm>>) target_semaphore(%arg6 : memref<!tpu.dma_semaphore, #tpu.memory_space<semaphore_mem>>)
    %add3A_464 = arith.constant 1440 : i32
    %add3A_465 = arith.addi %add3A_464, %add3A_14 : i32
    %mul3A_466 = arith.constant 8 : i32
    %mul3A_467 = arith.muli %add3A_465, %mul3A_466 : i32
    %dma_start3A_468 = arith.constant 0 : i32
    %dma_start3A_469 = arith.constant 0 : i32
    %dma_start3A_470 = tpu.memref_slice %arg3[%mul3A_467, %dma_start3A_468, %dma_start3A_469] : memref<16384x4x512xf32, #tpu.memory_space<hbm>> -> memref<8x4x512xf32, #tpu.memory_space<hbm>>
    %dma_start3A_471 = arith.constant 0 : i32
    %dma_start3A_472 = arith.constant 0 : i32
    %dma_start3A_473 = tpu.memref_slice %arg3[%mul3A_467, %dma_start3A_471, %dma_start3A_472] : memref<16384x4x512xf32, #tpu.memory_space<hbm>> -> memref<8x4x512xf32, #tpu.memory_space<hbm>>
    tpu.enqueue_dma source(%arg4 : memref<8x4x512xf32, #tpu.memory_space<vmem>>) target(%dma_start3A_473 : memref<8x4x512xf32, #tpu.memory_space<hbm>>) target_semaphore(%arg6 : memref<!tpu.dma_semaphore, #tpu.memory_space<semaphore_mem>>)
    %add3A_474 = arith.constant 1472 : i32
    %add3A_475 = arith.addi %add3A_474, %add3A_14 : i32
    %mul3A_476 = arith.constant 8 : i32
    %mul3A_477 = arith.muli %add3A_475, %mul3A_476 : i32
    %dma_start3A_478 = arith.constant 0 : i32
    %dma_start3A_479 = arith.constant 0 : i32
    %dma_start3A_480 = tpu.memref_slice %arg3[%mul3A_477, %dma_start3A_478, %dma_start3A_479] : memref<16384x4x512xf32, #tpu.memory_space<hbm>> -> memref<8x4x512xf32, #tpu.memory_space<hbm>>
    %dma_start3A_481 = arith.constant 0 : i32
    %dma_start3A_482 = arith.constant 0 : i32
    %dma_start3A_483 = tpu.memref_slice %arg3[%mul3A_477, %dma_start3A_481, %dma_start3A_482] : memref<16384x4x512xf32, #tpu.memory_space<hbm>> -> memref<8x4x512xf32, #tpu.memory_space<hbm>>
    tpu.enqueue_dma source(%arg4 : memref<8x4x512xf32, #tpu.memory_space<vmem>>) target(%dma_start3A_483 : memref<8x4x512xf32, #tpu.memory_space<hbm>>) target_semaphore(%arg6 : memref<!tpu.dma_semaphore, #tpu.memory_space<semaphore_mem>>)
    %add3A_484 = arith.constant 1504 : i32
    %add3A_485 = arith.addi %add3A_484, %add3A_14 : i32
    %mul3A_486 = arith.constant 8 : i32
    %mul3A_487 = arith.muli %add3A_485, %mul3A_486 : i32
    %dma_start3A_488 = arith.constant 0 : i32
    %dma_start3A_489 = arith.constant 0 : i32
    %dma_start3A_490 = tpu.memref_slice %arg3[%mul3A_487, %dma_start3A_488, %dma_start3A_489] : memref<16384x4x512xf32, #tpu.memory_space<hbm>> -> memref<8x4x512xf32, #tpu.memory_space<hbm>>
    %dma_start3A_491 = arith.constant 0 : i32
    %dma_start3A_492 = arith.constant 0 : i32
    %dma_start3A_493 = tpu.memref_slice %arg3[%mul3A_487, %dma_start3A_491, %dma_start3A_492] : memref<16384x4x512xf32, #tpu.memory_space<hbm>> -> memref<8x4x512xf32, #tpu.memory_space<hbm>>
    tpu.enqueue_dma source(%arg4 : memref<8x4x512xf32, #tpu.memory_space<vmem>>) target(%dma_start3A_493 : memref<8x4x512xf32, #tpu.memory_space<hbm>>) target_semaphore(%arg6 : memref<!tpu.dma_semaphore, #tpu.memory_space<semaphore_mem>>)
    %add3A_494 = arith.constant 1536 : i32
    %add3A_495 = arith.addi %add3A_494, %add3A_14 : i32
    %mul3A_496 = arith.constant 8 : i32
    %mul3A_497 = arith.muli %add3A_495, %mul3A_496 : i32
    %dma_start3A_498 = arith.constant 0 : i32
    %dma_start3A_499 = arith.constant 0 : i32
    %dma_start3A_500 = tpu.memref_slice %arg3[%mul3A_497, %dma_start3A_498, %dma_start3A_499] : memref<16384x4x512xf32, #tpu.memory_space<hbm>> -> memref<8x4x512xf32, #tpu.memory_space<hbm>>
    %dma_start3A_501 = arith.constant 0 : i32
    %dma_start3A_502 = arith.constant 0 : i32
    %dma_start3A_503 = tpu.memref_slice %arg3[%mul3A_497, %dma_start3A_501, %dma_start3A_502] : memref<16384x4x512xf32, #tpu.memory_space<hbm>> -> memref<8x4x512xf32, #tpu.memory_space<hbm>>
    tpu.enqueue_dma source(%arg4 : memref<8x4x512xf32, #tpu.memory_space<vmem>>) target(%dma_start3A_503 : memref<8x4x512xf32, #tpu.memory_space<hbm>>) target_semaphore(%arg6 : memref<!tpu.dma_semaphore, #tpu.memory_space<semaphore_mem>>)
    %add3A_504 = arith.constant 1568 : i32
    %add3A_505 = arith.addi %add3A_504, %add3A_14 : i32
    %mul3A_506 = arith.constant 8 : i32
    %mul3A_507 = arith.muli %add3A_505, %mul3A_506 : i32
    %dma_start3A_508 = arith.constant 0 : i32
    %dma_start3A_509 = arith.constant 0 : i32
    %dma_start3A_510 = tpu.memref_slice %arg3[%mul3A_507, %dma_start3A_508, %dma_start3A_509] : memref<16384x4x512xf32, #tpu.memory_space<hbm>> -> memref<8x4x512xf32, #tpu.memory_space<hbm>>
    %dma_start3A_511 = arith.constant 0 : i32
    %dma_start3A_512 = arith.constant 0 : i32
    %dma_start3A_513 = tpu.memref_slice %arg3[%mul3A_507, %dma_start3A_511, %dma_start3A_512] : memref<16384x4x512xf32, #tpu.memory_space<hbm>> -> memref<8x4x512xf32, #tpu.memory_space<hbm>>
    tpu.enqueue_dma source(%arg4 : memref<8x4x512xf32, #tpu.memory_space<vmem>>) target(%dma_start3A_513 : memref<8x4x512xf32, #tpu.memory_space<hbm>>) target_semaphore(%arg6 : memref<!tpu.dma_semaphore, #tpu.memory_space<semaphore_mem>>)
    %add3A_514 = arith.constant 1600 : i32
    %add3A_515 = arith.addi %add3A_514, %add3A_14 : i32
    %mul3A_516 = arith.constant 8 : i32
    %mul3A_517 = arith.muli %add3A_515, %mul3A_516 : i32
    %dma_start3A_518 = arith.constant 0 : i32
    %dma_start3A_519 = arith.constant 0 : i32
    %dma_start3A_520 = tpu.memref_slice %arg3[%mul3A_517, %dma_start3A_518, %dma_start3A_519] : memref<16384x4x512xf32, #tpu.memory_space<hbm>> -> memref<8x4x512xf32, #tpu.memory_space<hbm>>
    %dma_start3A_521 = arith.constant 0 : i32
    %dma_start3A_522 = arith.constant 0 : i32
    %dma_start3A_523 = tpu.memref_slice %arg3[%mul3A_517, %dma_start3A_521, %dma_start3A_522] : memref<16384x4x512xf32, #tpu.memory_space<hbm>> -> memref<8x4x512xf32, #tpu.memory_space<hbm>>
    tpu.enqueue_dma source(%arg4 : memref<8x4x512xf32, #tpu.memory_space<vmem>>) target(%dma_start3A_523 : memref<8x4x512xf32, #tpu.memory_space<hbm>>) target_semaphore(%arg6 : memref<!tpu.dma_semaphore, #tpu.memory_space<semaphore_mem>>)
    %add3A_524 = arith.constant 1632 : i32
    %add3A_525 = arith.addi %add3A_524, %add3A_14 : i32
    %mul3A_526 = arith.constant 8 : i32
    %mul3A_527 = arith.muli %add3A_525, %mul3A_526 : i32
    %dma_start3A_528 = arith.constant 0 : i32
    %dma_start3A_529 = arith.constant 0 : i32
    %dma_start3A_530 = tpu.memref_slice %arg3[%mul3A_527, %dma_start3A_528, %dma_start3A_529] : memref<16384x4x512xf32, #tpu.memory_space<hbm>> -> memref<8x4x512xf32, #tpu.memory_space<hbm>>
    %dma_start3A_531 = arith.constant 0 : i32
    %dma_start3A_532 = arith.constant 0 : i32
    %dma_start3A_533 = tpu.memref_slice %arg3[%mul3A_527, %dma_start3A_531, %dma_start3A_532] : memref<16384x4x512xf32, #tpu.memory_space<hbm>> -> memref<8x4x512xf32, #tpu.memory_space<hbm>>
    tpu.enqueue_dma source(%arg4 : memref<8x4x512xf32, #tpu.memory_space<vmem>>) target(%dma_start3A_533 : memref<8x4x512xf32, #tpu.memory_space<hbm>>) target_semaphore(%arg6 : memref<!tpu.dma_semaphore, #tpu.memory_space<semaphore_mem>>)
    %add3A_534 = arith.constant 1664 : i32
    %add3A_535 = arith.addi %add3A_534, %add3A_14 : i32
    %mul3A_536 = arith.constant 8 : i32
    %mul3A_537 = arith.muli %add3A_535, %mul3A_536 : i32
    %dma_start3A_538 = arith.constant 0 : i32
    %dma_start3A_539 = arith.constant 0 : i32
    %dma_start3A_540 = tpu.memref_slice %arg3[%mul3A_537, %dma_start3A_538, %dma_start3A_539] : memref<16384x4x512xf32, #tpu.memory_space<hbm>> -> memref<8x4x512xf32, #tpu.memory_space<hbm>>
    %dma_start3A_541 = arith.constant 0 : i32
    %dma_start3A_542 = arith.constant 0 : i32
    %dma_start3A_543 = tpu.memref_slice %arg3[%mul3A_537, %dma_start3A_541, %dma_start3A_542] : memref<16384x4x512xf32, #tpu.memory_space<hbm>> -> memref<8x4x512xf32, #tpu.memory_space<hbm>>
    tpu.enqueue_dma source(%arg4 : memref<8x4x512xf32, #tpu.memory_space<vmem>>) target(%dma_start3A_543 : memref<8x4x512xf32, #tpu.memory_space<hbm>>) target_semaphore(%arg6 : memref<!tpu.dma_semaphore, #tpu.memory_space<semaphore_mem>>)
    %add3A_544 = arith.constant 1696 : i32
    %add3A_545 = arith.addi %add3A_544, %add3A_14 : i32
    %mul3A_546 = arith.constant 8 : i32
    %mul3A_547 = arith.muli %add3A_545, %mul3A_546 : i32
    %dma_start3A_548 = arith.constant 0 : i32
    %dma_start3A_549 = arith.constant 0 : i32
    %dma_start3A_550 = tpu.memref_slice %arg3[%mul3A_547, %dma_start3A_548, %dma_start3A_549] : memref<16384x4x512xf32, #tpu.memory_space<hbm>> -> memref<8x4x512xf32, #tpu.memory_space<hbm>>
    %dma_start3A_551 = arith.constant 0 : i32
    %dma_start3A_552 = arith.constant 0 : i32
    %dma_start3A_553 = tpu.memref_slice %arg3[%mul3A_547, %dma_start3A_551, %dma_start3A_552] : memref<16384x4x512xf32, #tpu.memory_space<hbm>> -> memref<8x4x512xf32, #tpu.memory_space<hbm>>
    tpu.enqueue_dma source(%arg4 : memref<8x4x512xf32, #tpu.memory_space<vmem>>) target(%dma_start3A_553 : memref<8x4x512xf32, #tpu.memory_space<hbm>>) target_semaphore(%arg6 : memref<!tpu.dma_semaphore, #tpu.memory_space<semaphore_mem>>)
    %add3A_554 = arith.constant 1728 : i32
    %add3A_555 = arith.addi %add3A_554, %add3A_14 : i32
    %mul3A_556 = arith.constant 8 : i32
    %mul3A_557 = arith.muli %add3A_555, %mul3A_556 : i32
    %dma_start3A_558 = arith.constant 0 : i32
    %dma_start3A_559 = arith.constant 0 : i32
    %dma_start3A_560 = tpu.memref_slice %arg3[%mul3A_557, %dma_start3A_558, %dma_start3A_559] : memref<16384x4x512xf32, #tpu.memory_space<hbm>> -> memref<8x4x512xf32, #tpu.memory_space<hbm>>
    %dma_start3A_561 = arith.constant 0 : i32
    %dma_start3A_562 = arith.constant 0 : i32
    %dma_start3A_563 = tpu.memref_slice %arg3[%mul3A_557, %dma_start3A_561, %dma_start3A_562] : memref<16384x4x512xf32, #tpu.memory_space<hbm>> -> memref<8x4x512xf32, #tpu.memory_space<hbm>>
    tpu.enqueue_dma source(%arg4 : memref<8x4x512xf32, #tpu.memory_space<vmem>>) target(%dma_start3A_563 : memref<8x4x512xf32, #tpu.memory_space<hbm>>) target_semaphore(%arg6 : memref<!tpu.dma_semaphore, #tpu.memory_space<semaphore_mem>>)
    %add3A_564 = arith.constant 1760 : i32
    %add3A_565 = arith.addi %add3A_564, %add3A_14 : i32
    %mul3A_566 = arith.constant 8 : i32
    %mul3A_567 = arith.muli %add3A_565, %mul3A_566 : i32
    %dma_start3A_568 = arith.constant 0 : i32
    %dma_start3A_569 = arith.constant 0 : i32
    %dma_start3A_570 = tpu.memref_slice %arg3[%mul3A_567, %dma_start3A_568, %dma_start3A_569] : memref<16384x4x512xf32, #tpu.memory_space<hbm>> -> memref<8x4x512xf32, #tpu.memory_space<hbm>>
    %dma_start3A_571 = arith.constant 0 : i32
    %dma_start3A_572 = arith.constant 0 : i32
    %dma_start3A_573 = tpu.memref_slice %arg3[%mul3A_567, %dma_start3A_571, %dma_start3A_572] : memref<16384x4x512xf32, #tpu.memory_space<hbm>> -> memref<8x4x512xf32, #tpu.memory_space<hbm>>
    tpu.enqueue_dma source(%arg4 : memref<8x4x512xf32, #tpu.memory_space<vmem>>) target(%dma_start3A_573 : memref<8x4x512xf32, #tpu.memory_space<hbm>>) target_semaphore(%arg6 : memref<!tpu.dma_semaphore, #tpu.memory_space<semaphore_mem>>)
    %add3A_574 = arith.constant 1792 : i32
    %add3A_575 = arith.addi %add3A_574, %add3A_14 : i32
    %mul3A_576 = arith.constant 8 : i32
    %mul3A_577 = arith.muli %add3A_575, %mul3A_576 : i32
    %dma_start3A_578 = arith.constant 0 : i32
    %dma_start3A_579 = arith.constant 0 : i32
    %dma_start3A_580 = tpu.memref_slice %arg3[%mul3A_577, %dma_start3A_578, %dma_start3A_579] : memref<16384x4x512xf32, #tpu.memory_space<hbm>> -> memref<8x4x512xf32, #tpu.memory_space<hbm>>
    %dma_start3A_581 = arith.constant 0 : i32
    %dma_start3A_582 = arith.constant 0 : i32
    %dma_start3A_583 = tpu.memref_slice %arg3[%mul3A_577, %dma_start3A_581, %dma_start3A_582] : memref<16384x4x512xf32, #tpu.memory_space<hbm>> -> memref<8x4x512xf32, #tpu.memory_space<hbm>>
    tpu.enqueue_dma source(%arg4 : memref<8x4x512xf32, #tpu.memory_space<vmem>>) target(%dma_start3A_583 : memref<8x4x512xf32, #tpu.memory_space<hbm>>) target_semaphore(%arg6 : memref<!tpu.dma_semaphore, #tpu.memory_space<semaphore_mem>>)
    %add3A_584 = arith.constant 1824 : i32
    %add3A_585 = arith.addi %add3A_584, %add3A_14 : i32
    %mul3A_586 = arith.constant 8 : i32
    %mul3A_587 = arith.muli %add3A_585, %mul3A_586 : i32
    %dma_start3A_588 = arith.constant 0 : i32
    %dma_start3A_589 = arith.constant 0 : i32
    %dma_start3A_590 = tpu.memref_slice %arg3[%mul3A_587, %dma_start3A_588, %dma_start3A_589] : memref<16384x4x512xf32, #tpu.memory_space<hbm>> -> memref<8x4x512xf32, #tpu.memory_space<hbm>>
    %dma_start3A_591 = arith.constant 0 : i32
    %dma_start3A_592 = arith.constant 0 : i32
    %dma_start3A_593 = tpu.memref_slice %arg3[%mul3A_587, %dma_start3A_591, %dma_start3A_592] : memref<16384x4x512xf32, #tpu.memory_space<hbm>> -> memref<8x4x512xf32, #tpu.memory_space<hbm>>
    tpu.enqueue_dma source(%arg4 : memref<8x4x512xf32, #tpu.memory_space<vmem>>) target(%dma_start3A_593 : memref<8x4x512xf32, #tpu.memory_space<hbm>>) target_semaphore(%arg6 : memref<!tpu.dma_semaphore, #tpu.memory_space<semaphore_mem>>)
    %add3A_594 = arith.constant 1856 : i32
    %add3A_595 = arith.addi %add3A_594, %add3A_14 : i32
    %mul3A_596 = arith.constant 8 : i32
    %mul3A_597 = arith.muli %add3A_595, %mul3A_596 : i32
    %dma_start3A_598 = arith.constant 0 : i32
    %dma_start3A_599 = arith.constant 0 : i32
    %dma_start3A_600 = tpu.memref_slice %arg3[%mul3A_597, %dma_start3A_598, %dma_start3A_599] : memref<16384x4x512xf32, #tpu.memory_space<hbm>> -> memref<8x4x512xf32, #tpu.memory_space<hbm>>
    %dma_start3A_601 = arith.constant 0 : i32
    %dma_start3A_602 = arith.constant 0 : i32
    %dma_start3A_603 = tpu.memref_slice %arg3[%mul3A_597, %dma_start3A_601, %dma_start3A_602] : memref<16384x4x512xf32, #tpu.memory_space<hbm>> -> memref<8x4x512xf32, #tpu.memory_space<hbm>>
    tpu.enqueue_dma source(%arg4 : memref<8x4x512xf32, #tpu.memory_space<vmem>>) target(%dma_start3A_603 : memref<8x4x512xf32, #tpu.memory_space<hbm>>) target_semaphore(%arg6 : memref<!tpu.dma_semaphore, #tpu.memory_space<semaphore_mem>>)
    %add3A_604 = arith.constant 1888 : i32
    %add3A_605 = arith.addi %add3A_604, %add3A_14 : i32
    %mul3A_606 = arith.constant 8 : i32
    %mul3A_607 = arith.muli %add3A_605, %mul3A_606 : i32
    %dma_start3A_608 = arith.constant 0 : i32
    %dma_start3A_609 = arith.constant 0 : i32
    %dma_start3A_610 = tpu.memref_slice %arg3[%mul3A_607, %dma_start3A_608, %dma_start3A_609] : memref<16384x4x512xf32, #tpu.memory_space<hbm>> -> memref<8x4x512xf32, #tpu.memory_space<hbm>>
    %dma_start3A_611 = arith.constant 0 : i32
    %dma_start3A_612 = arith.constant 0 : i32
    %dma_start3A_613 = tpu.memref_slice %arg3[%mul3A_607, %dma_start3A_611, %dma_start3A_612] : memref<16384x4x512xf32, #tpu.memory_space<hbm>> -> memref<8x4x512xf32, #tpu.memory_space<hbm>>
    tpu.enqueue_dma source(%arg4 : memref<8x4x512xf32, #tpu.memory_space<vmem>>) target(%dma_start3A_613 : memref<8x4x512xf32, #tpu.memory_space<hbm>>) target_semaphore(%arg6 : memref<!tpu.dma_semaphore, #tpu.memory_space<semaphore_mem>>)
    %add3A_614 = arith.constant 1920 : i32
    %add3A_615 = arith.addi %add3A_614, %add3A_14 : i32
    %mul3A_616 = arith.constant 8 : i32
    %mul3A_617 = arith.muli %add3A_615, %mul3A_616 : i32
    %dma_start3A_618 = arith.constant 0 : i32
    %dma_start3A_619 = arith.constant 0 : i32
    %dma_start3A_620 = tpu.memref_slice %arg3[%mul3A_617, %dma_start3A_618, %dma_start3A_619] : memref<16384x4x512xf32, #tpu.memory_space<hbm>> -> memref<8x4x512xf32, #tpu.memory_space<hbm>>
    %dma_start3A_621 = arith.constant 0 : i32
    %dma_start3A_622 = arith.constant 0 : i32
    %dma_start3A_623 = tpu.memref_slice %arg3[%mul3A_617, %dma_start3A_621, %dma_start3A_622] : memref<16384x4x512xf32, #tpu.memory_space<hbm>> -> memref<8x4x512xf32, #tpu.memory_space<hbm>>
    tpu.enqueue_dma source(%arg4 : memref<8x4x512xf32, #tpu.memory_space<vmem>>) target(%dma_start3A_623 : memref<8x4x512xf32, #tpu.memory_space<hbm>>) target_semaphore(%arg6 : memref<!tpu.dma_semaphore, #tpu.memory_space<semaphore_mem>>)
    %add3A_624 = arith.constant 1952 : i32
    %add3A_625 = arith.addi %add3A_624, %add3A_14 : i32
    %mul3A_626 = arith.constant 8 : i32
    %mul3A_627 = arith.muli %add3A_625, %mul3A_626 : i32
    %dma_start3A_628 = arith.constant 0 : i32
    %dma_start3A_629 = arith.constant 0 : i32
    %dma_start3A_630 = tpu.memref_slice %arg3[%mul3A_627, %dma_start3A_628, %dma_start3A_629] : memref<16384x4x512xf32, #tpu.memory_space<hbm>> -> memref<8x4x512xf32, #tpu.memory_space<hbm>>
    %dma_start3A_631 = arith.constant 0 : i32
    %dma_start3A_632 = arith.constant 0 : i32
    %dma_start3A_633 = tpu.memref_slice %arg3[%mul3A_627, %dma_start3A_631, %dma_start3A_632] : memref<16384x4x512xf32, #tpu.memory_space<hbm>> -> memref<8x4x512xf32, #tpu.memory_space<hbm>>
    tpu.enqueue_dma source(%arg4 : memref<8x4x512xf32, #tpu.memory_space<vmem>>) target(%dma_start3A_633 : memref<8x4x512xf32, #tpu.memory_space<hbm>>) target_semaphore(%arg6 : memref<!tpu.dma_semaphore, #tpu.memory_space<semaphore_mem>>)
    %add3A_634 = arith.constant 1984 : i32
    %add3A_635 = arith.addi %add3A_634, %add3A_14 : i32
    %mul3A_636 = arith.constant 8 : i32
    %mul3A_637 = arith.muli %add3A_635, %mul3A_636 : i32
    %dma_start3A_638 = arith.constant 0 : i32
    %dma_start3A_639 = arith.constant 0 : i32
    %dma_start3A_640 = tpu.memref_slice %arg3[%mul3A_637, %dma_start3A_638, %dma_start3A_639] : memref<16384x4x512xf32, #tpu.memory_space<hbm>> -> memref<8x4x512xf32, #tpu.memory_space<hbm>>
    %dma_start3A_641 = arith.constant 0 : i32
    %dma_start3A_642 = arith.constant 0 : i32
    %dma_start3A_643 = tpu.memref_slice %arg3[%mul3A_637, %dma_start3A_641, %dma_start3A_642] : memref<16384x4x512xf32, #tpu.memory_space<hbm>> -> memref<8x4x512xf32, #tpu.memory_space<hbm>>
    tpu.enqueue_dma source(%arg4 : memref<8x4x512xf32, #tpu.memory_space<vmem>>) target(%dma_start3A_643 : memref<8x4x512xf32, #tpu.memory_space<hbm>>) target_semaphore(%arg6 : memref<!tpu.dma_semaphore, #tpu.memory_space<semaphore_mem>>)
    %add3A_644 = arith.constant 2016 : i32
    %add3A_645 = arith.addi %add3A_644, %add3A_14 : i32
    %mul3A_646 = arith.constant 8 : i32
    %mul3A_647 = arith.muli %add3A_645, %mul3A_646 : i32
    %dma_start3A_648 = arith.constant 0 : i32
    %dma_start3A_649 = arith.constant 0 : i32
    %dma_start3A_650 = tpu.memref_slice %arg3[%mul3A_647, %dma_start3A_648, %dma_start3A_649] : memref<16384x4x512xf32, #tpu.memory_space<hbm>> -> memref<8x4x512xf32, #tpu.memory_space<hbm>>
    %dma_start3A_651 = arith.constant 0 : i32
    %dma_start3A_652 = arith.constant 0 : i32
    %dma_start3A_653 = tpu.memref_slice %arg3[%mul3A_647, %dma_start3A_651, %dma_start3A_652] : memref<16384x4x512xf32, #tpu.memory_space<hbm>> -> memref<8x4x512xf32, #tpu.memory_space<hbm>>
    tpu.enqueue_dma source(%arg4 : memref<8x4x512xf32, #tpu.memory_space<vmem>>) target(%dma_start3A_653 : memref<8x4x512xf32, #tpu.memory_space<hbm>>) target_semaphore(%arg6 : memref<!tpu.dma_semaphore, #tpu.memory_space<semaphore_mem>>)
    %dma_wait3A = arith.constant 0 : i32
    %dma_wait3A_654 = arith.constant 0 : i32
    %dma_wait3A_655 = tpu.memref_slice %arg3[%mul3A_18, %dma_wait3A, %dma_wait3A_654] : memref<16384x4x512xf32, #tpu.memory_space<hbm>> -> memref<8x4x512xf32, #tpu.memory_space<hbm>>
    %dma_wait3A_656 = arith.constant 0 : i32
    %dma_wait3A_657 = arith.constant 0 : i32
    %dma_wait3A_658 = tpu.memref_slice %arg3[%mul3A_18, %dma_wait3A_656, %dma_wait3A_657] : memref<16384x4x512xf32, #tpu.memory_space<hbm>> -> memref<8x4x512xf32, #tpu.memory_space<hbm>>
    tpu.wait_dma2 semaphore(%arg6 : memref<!tpu.dma_semaphore, #tpu.memory_space<semaphore_mem>>) src(%arg4 : memref<8x4x512xf32, #tpu.memory_space<vmem>>) dst(%dma_wait3A_658 : memref<8x4x512xf32, #tpu.memory_space<hbm>>)
    %dma_wait3A_659 = arith.constant 0 : i32
    %dma_wait3A_660 = arith.constant 0 : i32
    %dma_wait3A_661 = tpu.memref_slice %arg3[%mul3A_27, %dma_wait3A_659, %dma_wait3A_660] : memref<16384x4x512xf32, #tpu.memory_space<hbm>> -> memref<8x4x512xf32, #tpu.memory_space<hbm>>
    %dma_wait3A_662 = arith.constant 0 : i32
    %dma_wait3A_663 = arith.constant 0 : i32
    %dma_wait3A_664 = tpu.memref_slice %arg3[%mul3A_27, %dma_wait3A_662, %dma_wait3A_663] : memref<16384x4x512xf32, #tpu.memory_space<hbm>> -> memref<8x4x512xf32, #tpu.memory_space<hbm>>
    tpu.wait_dma2 semaphore(%arg6 : memref<!tpu.dma_semaphore, #tpu.memory_space<semaphore_mem>>) src(%arg4 : memref<8x4x512xf32, #tpu.memory_space<vmem>>) dst(%dma_wait3A_664 : memref<8x4x512xf32, #tpu.memory_space<hbm>>)
    %dma_wait3A_665 = arith.constant 0 : i32
    %dma_wait3A_666 = arith.constant 0 : i32
    %dma_wait3A_667 = tpu.memref_slice %arg3[%mul3A_37, %dma_wait3A_665, %dma_wait3A_666] : memref<16384x4x512xf32, #tpu.memory_space<hbm>> -> memref<8x4x512xf32, #tpu.memory_space<hbm>>
    %dma_wait3A_668 = arith.constant 0 : i32
    %dma_wait3A_669 = arith.constant 0 : i32
    %dma_wait3A_670 = tpu.memref_slice %arg3[%mul3A_37, %dma_wait3A_668, %dma_wait3A_669] : memref<16384x4x512xf32, #tpu.memory_space<hbm>> -> memref<8x4x512xf32, #tpu.memory_space<hbm>>
    tpu.wait_dma2 semaphore(%arg6 : memref<!tpu.dma_semaphore, #tpu.memory_space<semaphore_mem>>) src(%arg4 : memref<8x4x512xf32, #tpu.memory_space<vmem>>) dst(%dma_wait3A_670 : memref<8x4x512xf32, #tpu.memory_space<hbm>>)
    %dma_wait3A_671 = arith.constant 0 : i32
    %dma_wait3A_672 = arith.constant 0 : i32
    %dma_wait3A_673 = tpu.memref_slice %arg3[%mul3A_47, %dma_wait3A_671, %dma_wait3A_672] : memref<16384x4x512xf32, #tpu.memory_space<hbm>> -> memref<8x4x512xf32, #tpu.memory_space<hbm>>
    %dma_wait3A_674 = arith.constant 0 : i32
    %dma_wait3A_675 = arith.constant 0 : i32
    %dma_wait3A_676 = tpu.memref_slice %arg3[%mul3A_47, %dma_wait3A_674, %dma_wait3A_675] : memref<16384x4x512xf32, #tpu.memory_space<hbm>> -> memref<8x4x512xf32, #tpu.memory_space<hbm>>
    tpu.wait_dma2 semaphore(%arg6 : memref<!tpu.dma_semaphore, #tpu.memory_space<semaphore_mem>>) src(%arg4 : memref<8x4x512xf32, #tpu.memory_space<vmem>>) dst(%dma_wait3A_676 : memref<8x4x512xf32, #tpu.memory_space<hbm>>)
    %dma_wait3A_677 = arith.constant 0 : i32
    %dma_wait3A_678 = arith.constant 0 : i32
    %dma_wait3A_679 = tpu.memref_slice %arg3[%mul3A_57, %dma_wait3A_677, %dma_wait3A_678] : memref<16384x4x512xf32, #tpu.memory_space<hbm>> -> memref<8x4x512xf32, #tpu.memory_space<hbm>>
    %dma_wait3A_680 = arith.constant 0 : i32
    %dma_wait3A_681 = arith.constant 0 : i32
    %dma_wait3A_682 = tpu.memref_slice %arg3[%mul3A_57, %dma_wait3A_680, %dma_wait3A_681] : memref<16384x4x512xf32, #tpu.memory_space<hbm>> -> memref<8x4x512xf32, #tpu.memory_space<hbm>>
    tpu.wait_dma2 semaphore(%arg6 : memref<!tpu.dma_semaphore, #tpu.memory_space<semaphore_mem>>) src(%arg4 : memref<8x4x512xf32, #tpu.memory_space<vmem>>) dst(%dma_wait3A_682 : memref<8x4x512xf32, #tpu.memory_space<hbm>>)
    %dma_wait3A_683 = arith.constant 0 : i32
    %dma_wait3A_684 = arith.constant 0 : i32
    %dma_wait3A_685 = tpu.memref_slice %arg3[%mul3A_67, %dma_wait3A_683, %dma_wait3A_684] : memref<16384x4x512xf32, #tpu.memory_space<hbm>> -> memref<8x4x512xf32, #tpu.memory_space<hbm>>
    %dma_wait3A_686 = arith.constant 0 : i32
    %dma_wait3A_687 = arith.constant 0 : i32
    %dma_wait3A_688 = tpu.memref_slice %arg3[%mul3A_67, %dma_wait3A_686, %dma_wait3A_687] : memref<16384x4x512xf32, #tpu.memory_space<hbm>> -> memref<8x4x512xf32, #tpu.memory_space<hbm>>
    tpu.wait_dma2 semaphore(%arg6 : memref<!tpu.dma_semaphore, #tpu.memory_space<semaphore_mem>>) src(%arg4 : memref<8x4x512xf32, #tpu.memory_space<vmem>>) dst(%dma_wait3A_688 : memref<8x4x512xf32, #tpu.memory_space<hbm>>)
    %dma_wait3A_689 = arith.constant 0 : i32
    %dma_wait3A_690 = arith.constant 0 : i32
    %dma_wait3A_691 = tpu.memref_slice %arg3[%mul3A_77, %dma_wait3A_689, %dma_wait3A_690] : memref<16384x4x512xf32, #tpu.memory_space<hbm>> -> memref<8x4x512xf32, #tpu.memory_space<hbm>>
    %dma_wait3A_692 = arith.constant 0 : i32
    %dma_wait3A_693 = arith.constant 0 : i32
    %dma_wait3A_694 = tpu.memref_slice %arg3[%mul3A_77, %dma_wait3A_692, %dma_wait3A_693] : memref<16384x4x512xf32, #tpu.memory_space<hbm>> -> memref<8x4x512xf32, #tpu.memory_space<hbm>>
    tpu.wait_dma2 semaphore(%arg6 : memref<!tpu.dma_semaphore, #tpu.memory_space<semaphore_mem>>) src(%arg4 : memref<8x4x512xf32, #tpu.memory_space<vmem>>) dst(%dma_wait3A_694 : memref<8x4x512xf32, #tpu.memory_space<hbm>>)
    %dma_wait3A_695 = arith.constant 0 : i32
    %dma_wait3A_696 = arith.constant 0 : i32
    %dma_wait3A_697 = tpu.memref_slice %arg3[%mul3A_87, %dma_wait3A_695, %dma_wait3A_696] : memref<16384x4x512xf32, #tpu.memory_space<hbm>> -> memref<8x4x512xf32, #tpu.memory_space<hbm>>
    %dma_wait3A_698 = arith.constant 0 : i32
    %dma_wait3A_699 = arith.constant 0 : i32
    %dma_wait3A_700 = tpu.memref_slice %arg3[%mul3A_87, %dma_wait3A_698, %dma_wait3A_699] : memref<16384x4x512xf32, #tpu.memory_space<hbm>> -> memref<8x4x512xf32, #tpu.memory_space<hbm>>
    tpu.wait_dma2 semaphore(%arg6 : memref<!tpu.dma_semaphore, #tpu.memory_space<semaphore_mem>>) src(%arg4 : memref<8x4x512xf32, #tpu.memory_space<vmem>>) dst(%dma_wait3A_700 : memref<8x4x512xf32, #tpu.memory_space<hbm>>)
    %dma_wait3A_701 = arith.constant 0 : i32
    %dma_wait3A_702 = arith.constant 0 : i32
    %dma_wait3A_703 = tpu.memref_slice %arg3[%mul3A_97, %dma_wait3A_701, %dma_wait3A_702] : memref<16384x4x512xf32, #tpu.memory_space<hbm>> -> memref<8x4x512xf32, #tpu.memory_space<hbm>>
    %dma_wait3A_704 = arith.constant 0 : i32
    %dma_wait3A_705 = arith.constant 0 : i32
    %dma_wait3A_706 = tpu.memref_slice %arg3[%mul3A_97, %dma_wait3A_704, %dma_wait3A_705] : memref<16384x4x512xf32, #tpu.memory_space<hbm>> -> memref<8x4x512xf32, #tpu.memory_space<hbm>>
    tpu.wait_dma2 semaphore(%arg6 : memref<!tpu.dma_semaphore, #tpu.memory_space<semaphore_mem>>) src(%arg4 : memref<8x4x512xf32, #tpu.memory_space<vmem>>) dst(%dma_wait3A_706 : memref<8x4x512xf32, #tpu.memory_space<hbm>>)
    %dma_wait3A_707 = arith.constant 0 : i32
    %dma_wait3A_708 = arith.constant 0 : i32
    %dma_wait3A_709 = tpu.memref_slice %arg3[%mul3A_107, %dma_wait3A_707, %dma_wait3A_708] : memref<16384x4x512xf32, #tpu.memory_space<hbm>> -> memref<8x4x512xf32, #tpu.memory_space<hbm>>
    %dma_wait3A_710 = arith.constant 0 : i32
    %dma_wait3A_711 = arith.constant 0 : i32
    %dma_wait3A_712 = tpu.memref_slice %arg3[%mul3A_107, %dma_wait3A_710, %dma_wait3A_711] : memref<16384x4x512xf32, #tpu.memory_space<hbm>> -> memref<8x4x512xf32, #tpu.memory_space<hbm>>
    tpu.wait_dma2 semaphore(%arg6 : memref<!tpu.dma_semaphore, #tpu.memory_space<semaphore_mem>>) src(%arg4 : memref<8x4x512xf32, #tpu.memory_space<vmem>>) dst(%dma_wait3A_712 : memref<8x4x512xf32, #tpu.memory_space<hbm>>)
    %dma_wait3A_713 = arith.constant 0 : i32
    %dma_wait3A_714 = arith.constant 0 : i32
    %dma_wait3A_715 = tpu.memref_slice %arg3[%mul3A_117, %dma_wait3A_713, %dma_wait3A_714] : memref<16384x4x512xf32, #tpu.memory_space<hbm>> -> memref<8x4x512xf32, #tpu.memory_space<hbm>>
    %dma_wait3A_716 = arith.constant 0 : i32
    %dma_wait3A_717 = arith.constant 0 : i32
    %dma_wait3A_718 = tpu.memref_slice %arg3[%mul3A_117, %dma_wait3A_716, %dma_wait3A_717] : memref<16384x4x512xf32, #tpu.memory_space<hbm>> -> memref<8x4x512xf32, #tpu.memory_space<hbm>>
    tpu.wait_dma2 semaphore(%arg6 : memref<!tpu.dma_semaphore, #tpu.memory_space<semaphore_mem>>) src(%arg4 : memref<8x4x512xf32, #tpu.memory_space<vmem>>) dst(%dma_wait3A_718 : memref<8x4x512xf32, #tpu.memory_space<hbm>>)
    %dma_wait3A_719 = arith.constant 0 : i32
    %dma_wait3A_720 = arith.constant 0 : i32
    %dma_wait3A_721 = tpu.memref_slice %arg3[%mul3A_127, %dma_wait3A_719, %dma_wait3A_720] : memref<16384x4x512xf32, #tpu.memory_space<hbm>> -> memref<8x4x512xf32, #tpu.memory_space<hbm>>
    %dma_wait3A_722 = arith.constant 0 : i32
    %dma_wait3A_723 = arith.constant 0 : i32
    %dma_wait3A_724 = tpu.memref_slice %arg3[%mul3A_127, %dma_wait3A_722, %dma_wait3A_723] : memref<16384x4x512xf32, #tpu.memory_space<hbm>> -> memref<8x4x512xf32, #tpu.memory_space<hbm>>
    tpu.wait_dma2 semaphore(%arg6 : memref<!tpu.dma_semaphore, #tpu.memory_space<semaphore_mem>>) src(%arg4 : memref<8x4x512xf32, #tpu.memory_space<vmem>>) dst(%dma_wait3A_724 : memref<8x4x512xf32, #tpu.memory_space<hbm>>)
    %dma_wait3A_725 = arith.constant 0 : i32
    %dma_wait3A_726 = arith.constant 0 : i32
    %dma_wait3A_727 = tpu.memref_slice %arg3[%mul3A_137, %dma_wait3A_725, %dma_wait3A_726] : memref<16384x4x512xf32, #tpu.memory_space<hbm>> -> memref<8x4x512xf32, #tpu.memory_space<hbm>>
    %dma_wait3A_728 = arith.constant 0 : i32
    %dma_wait3A_729 = arith.constant 0 : i32
    %dma_wait3A_730 = tpu.memref_slice %arg3[%mul3A_137, %dma_wait3A_728, %dma_wait3A_729] : memref<16384x4x512xf32, #tpu.memory_space<hbm>> -> memref<8x4x512xf32, #tpu.memory_space<hbm>>
    tpu.wait_dma2 semaphore(%arg6 : memref<!tpu.dma_semaphore, #tpu.memory_space<semaphore_mem>>) src(%arg4 : memref<8x4x512xf32, #tpu.memory_space<vmem>>) dst(%dma_wait3A_730 : memref<8x4x512xf32, #tpu.memory_space<hbm>>)
    %dma_wait3A_731 = arith.constant 0 : i32
    %dma_wait3A_732 = arith.constant 0 : i32
    %dma_wait3A_733 = tpu.memref_slice %arg3[%mul3A_147, %dma_wait3A_731, %dma_wait3A_732] : memref<16384x4x512xf32, #tpu.memory_space<hbm>> -> memref<8x4x512xf32, #tpu.memory_space<hbm>>
    %dma_wait3A_734 = arith.constant 0 : i32
    %dma_wait3A_735 = arith.constant 0 : i32
    %dma_wait3A_736 = tpu.memref_slice %arg3[%mul3A_147, %dma_wait3A_734, %dma_wait3A_735] : memref<16384x4x512xf32, #tpu.memory_space<hbm>> -> memref<8x4x512xf32, #tpu.memory_space<hbm>>
    tpu.wait_dma2 semaphore(%arg6 : memref<!tpu.dma_semaphore, #tpu.memory_space<semaphore_mem>>) src(%arg4 : memref<8x4x512xf32, #tpu.memory_space<vmem>>) dst(%dma_wait3A_736 : memref<8x4x512xf32, #tpu.memory_space<hbm>>)
    %dma_wait3A_737 = arith.constant 0 : i32
    %dma_wait3A_738 = arith.constant 0 : i32
    %dma_wait3A_739 = tpu.memref_slice %arg3[%mul3A_157, %dma_wait3A_737, %dma_wait3A_738] : memref<16384x4x512xf32, #tpu.memory_space<hbm>> -> memref<8x4x512xf32, #tpu.memory_space<hbm>>
    %dma_wait3A_740 = arith.constant 0 : i32
    %dma_wait3A_741 = arith.constant 0 : i32
    %dma_wait3A_742 = tpu.memref_slice %arg3[%mul3A_157, %dma_wait3A_740, %dma_wait3A_741] : memref<16384x4x512xf32, #tpu.memory_space<hbm>> -> memref<8x4x512xf32, #tpu.memory_space<hbm>>
    tpu.wait_dma2 semaphore(%arg6 : memref<!tpu.dma_semaphore, #tpu.memory_space<semaphore_mem>>) src(%arg4 : memref<8x4x512xf32, #tpu.memory_space<vmem>>) dst(%dma_wait3A_742 : memref<8x4x512xf32, #tpu.memory_space<hbm>>)
    %dma_wait3A_743 = arith.constant 0 : i32
    %dma_wait3A_744 = arith.constant 0 : i32
    %dma_wait3A_745 = tpu.memref_slice %arg3[%mul3A_167, %dma_wait3A_743, %dma_wait3A_744] : memref<16384x4x512xf32, #tpu.memory_space<hbm>> -> memref<8x4x512xf32, #tpu.memory_space<hbm>>
    %dma_wait3A_746 = arith.constant 0 : i32
    %dma_wait3A_747 = arith.constant 0 : i32
    %dma_wait3A_748 = tpu.memref_slice %arg3[%mul3A_167, %dma_wait3A_746, %dma_wait3A_747] : memref<16384x4x512xf32, #tpu.memory_space<hbm>> -> memref<8x4x512xf32, #tpu.memory_space<hbm>>
    tpu.wait_dma2 semaphore(%arg6 : memref<!tpu.dma_semaphore, #tpu.memory_space<semaphore_mem>>) src(%arg4 : memref<8x4x512xf32, #tpu.memory_space<vmem>>) dst(%dma_wait3A_748 : memref<8x4x512xf32, #tpu.memory_space<hbm>>)
    %dma_wait3A_749 = arith.constant 0 : i32
    %dma_wait3A_750 = arith.constant 0 : i32
    %dma_wait3A_751 = tpu.memref_slice %arg3[%mul3A_177, %dma_wait3A_749, %dma_wait3A_750] : memref<16384x4x512xf32, #tpu.memory_space<hbm>> -> memref<8x4x512xf32, #tpu.memory_space<hbm>>
    %dma_wait3A_752 = arith.constant 0 : i32
    %dma_wait3A_753 = arith.constant 0 : i32
    %dma_wait3A_754 = tpu.memref_slice %arg3[%mul3A_177, %dma_wait3A_752, %dma_wait3A_753] : memref<16384x4x512xf32, #tpu.memory_space<hbm>> -> memref<8x4x512xf32, #tpu.memory_space<hbm>>
    tpu.wait_dma2 semaphore(%arg6 : memref<!tpu.dma_semaphore, #tpu.memory_space<semaphore_mem>>) src(%arg4 : memref<8x4x512xf32, #tpu.memory_space<vmem>>) dst(%dma_wait3A_754 : memref<8x4x512xf32, #tpu.memory_space<hbm>>)
    %dma_wait3A_755 = arith.constant 0 : i32
    %dma_wait3A_756 = arith.constant 0 : i32
    %dma_wait3A_757 = tpu.memref_slice %arg3[%mul3A_187, %dma_wait3A_755, %dma_wait3A_756] : memref<16384x4x512xf32, #tpu.memory_space<hbm>> -> memref<8x4x512xf32, #tpu.memory_space<hbm>>
    %dma_wait3A_758 = arith.constant 0 : i32
    %dma_wait3A_759 = arith.constant 0 : i32
    %dma_wait3A_760 = tpu.memref_slice %arg3[%mul3A_187, %dma_wait3A_758, %dma_wait3A_759] : memref<16384x4x512xf32, #tpu.memory_space<hbm>> -> memref<8x4x512xf32, #tpu.memory_space<hbm>>
    tpu.wait_dma2 semaphore(%arg6 : memref<!tpu.dma_semaphore, #tpu.memory_space<semaphore_mem>>) src(%arg4 : memref<8x4x512xf32, #tpu.memory_space<vmem>>) dst(%dma_wait3A_760 : memref<8x4x512xf32, #tpu.memory_space<hbm>>)
    %dma_wait3A_761 = arith.constant 0 : i32
    %dma_wait3A_762 = arith.constant 0 : i32
    %dma_wait3A_763 = tpu.memref_slice %arg3[%mul3A_197, %dma_wait3A_761, %dma_wait3A_762] : memref<16384x4x512xf32, #tpu.memory_space<hbm>> -> memref<8x4x512xf32, #tpu.memory_space<hbm>>
    %dma_wait3A_764 = arith.constant 0 : i32
    %dma_wait3A_765 = arith.constant 0 : i32
    %dma_wait3A_766 = tpu.memref_slice %arg3[%mul3A_197, %dma_wait3A_764, %dma_wait3A_765] : memref<16384x4x512xf32, #tpu.memory_space<hbm>> -> memref<8x4x512xf32, #tpu.memory_space<hbm>>
    tpu.wait_dma2 semaphore(%arg6 : memref<!tpu.dma_semaphore, #tpu.memory_space<semaphore_mem>>) src(%arg4 : memref<8x4x512xf32, #tpu.memory_space<vmem>>) dst(%dma_wait3A_766 : memref<8x4x512xf32, #tpu.memory_space<hbm>>)
    %dma_wait3A_767 = arith.constant 0 : i32
    %dma_wait3A_768 = arith.constant 0 : i32
    %dma_wait3A_769 = tpu.memref_slice %arg3[%mul3A_207, %dma_wait3A_767, %dma_wait3A_768] : memref<16384x4x512xf32, #tpu.memory_space<hbm>> -> memref<8x4x512xf32, #tpu.memory_space<hbm>>
    %dma_wait3A_770 = arith.constant 0 : i32
    %dma_wait3A_771 = arith.constant 0 : i32
    %dma_wait3A_772 = tpu.memref_slice %arg3[%mul3A_207, %dma_wait3A_770, %dma_wait3A_771] : memref<16384x4x512xf32, #tpu.memory_space<hbm>> -> memref<8x4x512xf32, #tpu.memory_space<hbm>>
    tpu.wait_dma2 semaphore(%arg6 : memref<!tpu.dma_semaphore, #tpu.memory_space<semaphore_mem>>) src(%arg4 : memref<8x4x512xf32, #tpu.memory_space<vmem>>) dst(%dma_wait3A_772 : memref<8x4x512xf32, #tpu.memory_space<hbm>>)
    %dma_wait3A_773 = arith.constant 0 : i32
    %dma_wait3A_774 = arith.constant 0 : i32
    %dma_wait3A_775 = tpu.memref_slice %arg3[%mul3A_217, %dma_wait3A_773, %dma_wait3A_774] : memref<16384x4x512xf32, #tpu.memory_space<hbm>> -> memref<8x4x512xf32, #tpu.memory_space<hbm>>
    %dma_wait3A_776 = arith.constant 0 : i32
    %dma_wait3A_777 = arith.constant 0 : i32
    %dma_wait3A_778 = tpu.memref_slice %arg3[%mul3A_217, %dma_wait3A_776, %dma_wait3A_777] : memref<16384x4x512xf32, #tpu.memory_space<hbm>> -> memref<8x4x512xf32, #tpu.memory_space<hbm>>
    tpu.wait_dma2 semaphore(%arg6 : memref<!tpu.dma_semaphore, #tpu.memory_space<semaphore_mem>>) src(%arg4 : memref<8x4x512xf32, #tpu.memory_space<vmem>>) dst(%dma_wait3A_778 : memref<8x4x512xf32, #tpu.memory_space<hbm>>)
    %dma_wait3A_779 = arith.constant 0 : i32
    %dma_wait3A_780 = arith.constant 0 : i32
    %dma_wait3A_781 = tpu.memref_slice %arg3[%mul3A_227, %dma_wait3A_779, %dma_wait3A_780] : memref<16384x4x512xf32, #tpu.memory_space<hbm>> -> memref<8x4x512xf32, #tpu.memory_space<hbm>>
    %dma_wait3A_782 = arith.constant 0 : i32
    %dma_wait3A_783 = arith.constant 0 : i32
    %dma_wait3A_784 = tpu.memref_slice %arg3[%mul3A_227, %dma_wait3A_782, %dma_wait3A_783] : memref<16384x4x512xf32, #tpu.memory_space<hbm>> -> memref<8x4x512xf32, #tpu.memory_space<hbm>>
    tpu.wait_dma2 semaphore(%arg6 : memref<!tpu.dma_semaphore, #tpu.memory_space<semaphore_mem>>) src(%arg4 : memref<8x4x512xf32, #tpu.memory_space<vmem>>) dst(%dma_wait3A_784 : memref<8x4x512xf32, #tpu.memory_space<hbm>>)
    %dma_wait3A_785 = arith.constant 0 : i32
    %dma_wait3A_786 = arith.constant 0 : i32
    %dma_wait3A_787 = tpu.memref_slice %arg3[%mul3A_237, %dma_wait3A_785, %dma_wait3A_786] : memref<16384x4x512xf32, #tpu.memory_space<hbm>> -> memref<8x4x512xf32, #tpu.memory_space<hbm>>
    %dma_wait3A_788 = arith.constant 0 : i32
    %dma_wait3A_789 = arith.constant 0 : i32
    %dma_wait3A_790 = tpu.memref_slice %arg3[%mul3A_237, %dma_wait3A_788, %dma_wait3A_789] : memref<16384x4x512xf32, #tpu.memory_space<hbm>> -> memref<8x4x512xf32, #tpu.memory_space<hbm>>
    tpu.wait_dma2 semaphore(%arg6 : memref<!tpu.dma_semaphore, #tpu.memory_space<semaphore_mem>>) src(%arg4 : memref<8x4x512xf32, #tpu.memory_space<vmem>>) dst(%dma_wait3A_790 : memref<8x4x512xf32, #tpu.memory_space<hbm>>)
    %dma_wait3A_791 = arith.constant 0 : i32
    %dma_wait3A_792 = arith.constant 0 : i32
    %dma_wait3A_793 = tpu.memref_slice %arg3[%mul3A_247, %dma_wait3A_791, %dma_wait3A_792] : memref<16384x4x512xf32, #tpu.memory_space<hbm>> -> memref<8x4x512xf32, #tpu.memory_space<hbm>>
    %dma_wait3A_794 = arith.constant 0 : i32
    %dma_wait3A_795 = arith.constant 0 : i32
    %dma_wait3A_796 = tpu.memref_slice %arg3[%mul3A_247, %dma_wait3A_794, %dma_wait3A_795] : memref<16384x4x512xf32, #tpu.memory_space<hbm>> -> memref<8x4x512xf32, #tpu.memory_space<hbm>>
    tpu.wait_dma2 semaphore(%arg6 : memref<!tpu.dma_semaphore, #tpu.memory_space<semaphore_mem>>) src(%arg4 : memref<8x4x512xf32, #tpu.memory_space<vmem>>) dst(%dma_wait3A_796 : memref<8x4x512xf32, #tpu.memory_space<hbm>>)
    %dma_wait3A_797 = arith.constant 0 : i32
    %dma_wait3A_798 = arith.constant 0 : i32
    %dma_wait3A_799 = tpu.memref_slice %arg3[%mul3A_257, %dma_wait3A_797, %dma_wait3A_798] : memref<16384x4x512xf32, #tpu.memory_space<hbm>> -> memref<8x4x512xf32, #tpu.memory_space<hbm>>
    %dma_wait3A_800 = arith.constant 0 : i32
    %dma_wait3A_801 = arith.constant 0 : i32
    %dma_wait3A_802 = tpu.memref_slice %arg3[%mul3A_257, %dma_wait3A_800, %dma_wait3A_801] : memref<16384x4x512xf32, #tpu.memory_space<hbm>> -> memref<8x4x512xf32, #tpu.memory_space<hbm>>
    tpu.wait_dma2 semaphore(%arg6 : memref<!tpu.dma_semaphore, #tpu.memory_space<semaphore_mem>>) src(%arg4 : memref<8x4x512xf32, #tpu.memory_space<vmem>>) dst(%dma_wait3A_802 : memref<8x4x512xf32, #tpu.memory_space<hbm>>)
    %dma_wait3A_803 = arith.constant 0 : i32
    %dma_wait3A_804 = arith.constant 0 : i32
    %dma_wait3A_805 = tpu.memref_slice %arg3[%mul3A_267, %dma_wait3A_803, %dma_wait3A_804] : memref<16384x4x512xf32, #tpu.memory_space<hbm>> -> memref<8x4x512xf32, #tpu.memory_space<hbm>>
    %dma_wait3A_806 = arith.constant 0 : i32
    %dma_wait3A_807 = arith.constant 0 : i32
    %dma_wait3A_808 = tpu.memref_slice %arg3[%mul3A_267, %dma_wait3A_806, %dma_wait3A_807] : memref<16384x4x512xf32, #tpu.memory_space<hbm>> -> memref<8x4x512xf32, #tpu.memory_space<hbm>>
    tpu.wait_dma2 semaphore(%arg6 : memref<!tpu.dma_semaphore, #tpu.memory_space<semaphore_mem>>) src(%arg4 : memref<8x4x512xf32, #tpu.memory_space<vmem>>) dst(%dma_wait3A_808 : memref<8x4x512xf32, #tpu.memory_space<hbm>>)
    %dma_wait3A_809 = arith.constant 0 : i32
    %dma_wait3A_810 = arith.constant 0 : i32
    %dma_wait3A_811 = tpu.memref_slice %arg3[%mul3A_277, %dma_wait3A_809, %dma_wait3A_810] : memref<16384x4x512xf32, #tpu.memory_space<hbm>> -> memref<8x4x512xf32, #tpu.memory_space<hbm>>
    %dma_wait3A_812 = arith.constant 0 : i32
    %dma_wait3A_813 = arith.constant 0 : i32
    %dma_wait3A_814 = tpu.memref_slice %arg3[%mul3A_277, %dma_wait3A_812, %dma_wait3A_813] : memref<16384x4x512xf32, #tpu.memory_space<hbm>> -> memref<8x4x512xf32, #tpu.memory_space<hbm>>
    tpu.wait_dma2 semaphore(%arg6 : memref<!tpu.dma_semaphore, #tpu.memory_space<semaphore_mem>>) src(%arg4 : memref<8x4x512xf32, #tpu.memory_space<vmem>>) dst(%dma_wait3A_814 : memref<8x4x512xf32, #tpu.memory_space<hbm>>)
    %dma_wait3A_815 = arith.constant 0 : i32
    %dma_wait3A_816 = arith.constant 0 : i32
    %dma_wait3A_817 = tpu.memref_slice %arg3[%mul3A_287, %dma_wait3A_815, %dma_wait3A_816] : memref<16384x4x512xf32, #tpu.memory_space<hbm>> -> memref<8x4x512xf32, #tpu.memory_space<hbm>>
    %dma_wait3A_818 = arith.constant 0 : i32
    %dma_wait3A_819 = arith.constant 0 : i32
    %dma_wait3A_820 = tpu.memref_slice %arg3[%mul3A_287, %dma_wait3A_818, %dma_wait3A_819] : memref<16384x4x512xf32, #tpu.memory_space<hbm>> -> memref<8x4x512xf32, #tpu.memory_space<hbm>>
    tpu.wait_dma2 semaphore(%arg6 : memref<!tpu.dma_semaphore, #tpu.memory_space<semaphore_mem>>) src(%arg4 : memref<8x4x512xf32, #tpu.memory_space<vmem>>) dst(%dma_wait3A_820 : memref<8x4x512xf32, #tpu.memory_space<hbm>>)
    %dma_wait3A_821 = arith.constant 0 : i32
    %dma_wait3A_822 = arith.constant 0 : i32
    %dma_wait3A_823 = tpu.memref_slice %arg3[%mul3A_297, %dma_wait3A_821, %dma_wait3A_822] : memref<16384x4x512xf32, #tpu.memory_space<hbm>> -> memref<8x4x512xf32, #tpu.memory_space<hbm>>
    %dma_wait3A_824 = arith.constant 0 : i32
    %dma_wait3A_825 = arith.constant 0 : i32
    %dma_wait3A_826 = tpu.memref_slice %arg3[%mul3A_297, %dma_wait3A_824, %dma_wait3A_825] : memref<16384x4x512xf32, #tpu.memory_space<hbm>> -> memref<8x4x512xf32, #tpu.memory_space<hbm>>
    tpu.wait_dma2 semaphore(%arg6 : memref<!tpu.dma_semaphore, #tpu.memory_space<semaphore_mem>>) src(%arg4 : memref<8x4x512xf32, #tpu.memory_space<vmem>>) dst(%dma_wait3A_826 : memref<8x4x512xf32, #tpu.memory_space<hbm>>)
    %dma_wait3A_827 = arith.constant 0 : i32
    %dma_wait3A_828 = arith.constant 0 : i32
    %dma_wait3A_829 = tpu.memref_slice %arg3[%mul3A_307, %dma_wait3A_827, %dma_wait3A_828] : memref<16384x4x512xf32, #tpu.memory_space<hbm>> -> memref<8x4x512xf32, #tpu.memory_space<hbm>>
    %dma_wait3A_830 = arith.constant 0 : i32
    %dma_wait3A_831 = arith.constant 0 : i32
    %dma_wait3A_832 = tpu.memref_slice %arg3[%mul3A_307, %dma_wait3A_830, %dma_wait3A_831] : memref<16384x4x512xf32, #tpu.memory_space<hbm>> -> memref<8x4x512xf32, #tpu.memory_space<hbm>>
    tpu.wait_dma2 semaphore(%arg6 : memref<!tpu.dma_semaphore, #tpu.memory_space<semaphore_mem>>) src(%arg4 : memref<8x4x512xf32, #tpu.memory_space<vmem>>) dst(%dma_wait3A_832 : memref<8x4x512xf32, #tpu.memory_space<hbm>>)
    %dma_wait3A_833 = arith.constant 0 : i32
    %dma_wait3A_834 = arith.constant 0 : i32
    %dma_wait3A_835 = tpu.memref_slice %arg3[%mul3A_317, %dma_wait3A_833, %dma_wait3A_834] : memref<16384x4x512xf32, #tpu.memory_space<hbm>> -> memref<8x4x512xf32, #tpu.memory_space<hbm>>
    %dma_wait3A_836 = arith.constant 0 : i32
    %dma_wait3A_837 = arith.constant 0 : i32
    %dma_wait3A_838 = tpu.memref_slice %arg3[%mul3A_317, %dma_wait3A_836, %dma_wait3A_837] : memref<16384x4x512xf32, #tpu.memory_space<hbm>> -> memref<8x4x512xf32, #tpu.memory_space<hbm>>
    tpu.wait_dma2 semaphore(%arg6 : memref<!tpu.dma_semaphore, #tpu.memory_space<semaphore_mem>>) src(%arg4 : memref<8x4x512xf32, #tpu.memory_space<vmem>>) dst(%dma_wait3A_838 : memref<8x4x512xf32, #tpu.memory_space<hbm>>)
    %dma_wait3A_839 = arith.constant 0 : i32
    %dma_wait3A_840 = arith.constant 0 : i32
    %dma_wait3A_841 = tpu.memref_slice %arg3[%mul3A_327, %dma_wait3A_839, %dma_wait3A_840] : memref<16384x4x512xf32, #tpu.memory_space<hbm>> -> memref<8x4x512xf32, #tpu.memory_space<hbm>>
    %dma_wait3A_842 = arith.constant 0 : i32
    %dma_wait3A_843 = arith.constant 0 : i32
    %dma_wait3A_844 = tpu.memref_slice %arg3[%mul3A_327, %dma_wait3A_842, %dma_wait3A_843] : memref<16384x4x512xf32, #tpu.memory_space<hbm>> -> memref<8x4x512xf32, #tpu.memory_space<hbm>>
    tpu.wait_dma2 semaphore(%arg6 : memref<!tpu.dma_semaphore, #tpu.memory_space<semaphore_mem>>) src(%arg4 : memref<8x4x512xf32, #tpu.memory_space<vmem>>) dst(%dma_wait3A_844 : memref<8x4x512xf32, #tpu.memory_space<hbm>>)
    %dma_wait3A_845 = arith.constant 0 : i32
    %dma_wait3A_846 = arith.constant 0 : i32
    %dma_wait3A_847 = tpu.memref_slice %arg3[%mul3A_337, %dma_wait3A_845, %dma_wait3A_846] : memref<16384x4x512xf32, #tpu.memory_space<hbm>> -> memref<8x4x512xf32, #tpu.memory_space<hbm>>
    %dma_wait3A_848 = arith.constant 0 : i32
    %dma_wait3A_849 = arith.constant 0 : i32
    %dma_wait3A_850 = tpu.memref_slice %arg3[%mul3A_337, %dma_wait3A_848, %dma_wait3A_849] : memref<16384x4x512xf32, #tpu.memory_space<hbm>> -> memref<8x4x512xf32, #tpu.memory_space<hbm>>
    tpu.wait_dma2 semaphore(%arg6 : memref<!tpu.dma_semaphore, #tpu.memory_space<semaphore_mem>>) src(%arg4 : memref<8x4x512xf32, #tpu.memory_space<vmem>>) dst(%dma_wait3A_850 : memref<8x4x512xf32, #tpu.memory_space<hbm>>)
    %dma_wait3A_851 = arith.constant 0 : i32
    %dma_wait3A_852 = arith.constant 0 : i32
    %dma_wait3A_853 = tpu.memref_slice %arg3[%mul3A_347, %dma_wait3A_851, %dma_wait3A_852] : memref<16384x4x512xf32, #tpu.memory_space<hbm>> -> memref<8x4x512xf32, #tpu.memory_space<hbm>>
    %dma_wait3A_854 = arith.constant 0 : i32
    %dma_wait3A_855 = arith.constant 0 : i32
    %dma_wait3A_856 = tpu.memref_slice %arg3[%mul3A_347, %dma_wait3A_854, %dma_wait3A_855] : memref<16384x4x512xf32, #tpu.memory_space<hbm>> -> memref<8x4x512xf32, #tpu.memory_space<hbm>>
    tpu.wait_dma2 semaphore(%arg6 : memref<!tpu.dma_semaphore, #tpu.memory_space<semaphore_mem>>) src(%arg4 : memref<8x4x512xf32, #tpu.memory_space<vmem>>) dst(%dma_wait3A_856 : memref<8x4x512xf32, #tpu.memory_space<hbm>>)
    %dma_wait3A_857 = arith.constant 0 : i32
    %dma_wait3A_858 = arith.constant 0 : i32
    %dma_wait3A_859 = tpu.memref_slice %arg3[%mul3A_357, %dma_wait3A_857, %dma_wait3A_858] : memref<16384x4x512xf32, #tpu.memory_space<hbm>> -> memref<8x4x512xf32, #tpu.memory_space<hbm>>
    %dma_wait3A_860 = arith.constant 0 : i32
    %dma_wait3A_861 = arith.constant 0 : i32
    %dma_wait3A_862 = tpu.memref_slice %arg3[%mul3A_357, %dma_wait3A_860, %dma_wait3A_861] : memref<16384x4x512xf32, #tpu.memory_space<hbm>> -> memref<8x4x512xf32, #tpu.memory_space<hbm>>
    tpu.wait_dma2 semaphore(%arg6 : memref<!tpu.dma_semaphore, #tpu.memory_space<semaphore_mem>>) src(%arg4 : memref<8x4x512xf32, #tpu.memory_space<vmem>>) dst(%dma_wait3A_862 : memref<8x4x512xf32, #tpu.memory_space<hbm>>)
    %dma_wait3A_863 = arith.constant 0 : i32
    %dma_wait3A_864 = arith.constant 0 : i32
    %dma_wait3A_865 = tpu.memref_slice %arg3[%mul3A_367, %dma_wait3A_863, %dma_wait3A_864] : memref<16384x4x512xf32, #tpu.memory_space<hbm>> -> memref<8x4x512xf32, #tpu.memory_space<hbm>>
    %dma_wait3A_866 = arith.constant 0 : i32
    %dma_wait3A_867 = arith.constant 0 : i32
    %dma_wait3A_868 = tpu.memref_slice %arg3[%mul3A_367, %dma_wait3A_866, %dma_wait3A_867] : memref<16384x4x512xf32, #tpu.memory_space<hbm>> -> memref<8x4x512xf32, #tpu.memory_space<hbm>>
    tpu.wait_dma2 semaphore(%arg6 : memref<!tpu.dma_semaphore, #tpu.memory_space<semaphore_mem>>) src(%arg4 : memref<8x4x512xf32, #tpu.memory_space<vmem>>) dst(%dma_wait3A_868 : memref<8x4x512xf32, #tpu.memory_space<hbm>>)
    %dma_wait3A_869 = arith.constant 0 : i32
    %dma_wait3A_870 = arith.constant 0 : i32
    %dma_wait3A_871 = tpu.memref_slice %arg3[%mul3A_377, %dma_wait3A_869, %dma_wait3A_870] : memref<16384x4x512xf32, #tpu.memory_space<hbm>> -> memref<8x4x512xf32, #tpu.memory_space<hbm>>
    %dma_wait3A_872 = arith.constant 0 : i32
    %dma_wait3A_873 = arith.constant 0 : i32
    %dma_wait3A_874 = tpu.memref_slice %arg3[%mul3A_377, %dma_wait3A_872, %dma_wait3A_873] : memref<16384x4x512xf32, #tpu.memory_space<hbm>> -> memref<8x4x512xf32, #tpu.memory_space<hbm>>
    tpu.wait_dma2 semaphore(%arg6 : memref<!tpu.dma_semaphore, #tpu.memory_space<semaphore_mem>>) src(%arg4 : memref<8x4x512xf32, #tpu.memory_space<vmem>>) dst(%dma_wait3A_874 : memref<8x4x512xf32, #tpu.memory_space<hbm>>)
    %dma_wait3A_875 = arith.constant 0 : i32
    %dma_wait3A_876 = arith.constant 0 : i32
    %dma_wait3A_877 = tpu.memref_slice %arg3[%mul3A_387, %dma_wait3A_875, %dma_wait3A_876] : memref<16384x4x512xf32, #tpu.memory_space<hbm>> -> memref<8x4x512xf32, #tpu.memory_space<hbm>>
    %dma_wait3A_878 = arith.constant 0 : i32
    %dma_wait3A_879 = arith.constant 0 : i32
    %dma_wait3A_880 = tpu.memref_slice %arg3[%mul3A_387, %dma_wait3A_878, %dma_wait3A_879] : memref<16384x4x512xf32, #tpu.memory_space<hbm>> -> memref<8x4x512xf32, #tpu.memory_space<hbm>>
    tpu.wait_dma2 semaphore(%arg6 : memref<!tpu.dma_semaphore, #tpu.memory_space<semaphore_mem>>) src(%arg4 : memref<8x4x512xf32, #tpu.memory_space<vmem>>) dst(%dma_wait3A_880 : memref<8x4x512xf32, #tpu.memory_space<hbm>>)
    %dma_wait3A_881 = arith.constant 0 : i32
    %dma_wait3A_882 = arith.constant 0 : i32
    %dma_wait3A_883 = tpu.memref_slice %arg3[%mul3A_397, %dma_wait3A_881, %dma_wait3A_882] : memref<16384x4x512xf32, #tpu.memory_space<hbm>> -> memref<8x4x512xf32, #tpu.memory_space<hbm>>
    %dma_wait3A_884 = arith.constant 0 : i32
    %dma_wait3A_885 = arith.constant 0 : i32
    %dma_wait3A_886 = tpu.memref_slice %arg3[%mul3A_397, %dma_wait3A_884, %dma_wait3A_885] : memref<16384x4x512xf32, #tpu.memory_space<hbm>> -> memref<8x4x512xf32, #tpu.memory_space<hbm>>
    tpu.wait_dma2 semaphore(%arg6 : memref<!tpu.dma_semaphore, #tpu.memory_space<semaphore_mem>>) src(%arg4 : memref<8x4x512xf32, #tpu.memory_space<vmem>>) dst(%dma_wait3A_886 : memref<8x4x512xf32, #tpu.memory_space<hbm>>)
    %dma_wait3A_887 = arith.constant 0 : i32
    %dma_wait3A_888 = arith.constant 0 : i32
    %dma_wait3A_889 = tpu.memref_slice %arg3[%mul3A_407, %dma_wait3A_887, %dma_wait3A_888] : memref<16384x4x512xf32, #tpu.memory_space<hbm>> -> memref<8x4x512xf32, #tpu.memory_space<hbm>>
    %dma_wait3A_890 = arith.constant 0 : i32
    %dma_wait3A_891 = arith.constant 0 : i32
    %dma_wait3A_892 = tpu.memref_slice %arg3[%mul3A_407, %dma_wait3A_890, %dma_wait3A_891] : memref<16384x4x512xf32, #tpu.memory_space<hbm>> -> memref<8x4x512xf32, #tpu.memory_space<hbm>>
    tpu.wait_dma2 semaphore(%arg6 : memref<!tpu.dma_semaphore, #tpu.memory_space<semaphore_mem>>) src(%arg4 : memref<8x4x512xf32, #tpu.memory_space<vmem>>) dst(%dma_wait3A_892 : memref<8x4x512xf32, #tpu.memory_space<hbm>>)
    %dma_wait3A_893 = arith.constant 0 : i32
    %dma_wait3A_894 = arith.constant 0 : i32
    %dma_wait3A_895 = tpu.memref_slice %arg3[%mul3A_417, %dma_wait3A_893, %dma_wait3A_894] : memref<16384x4x512xf32, #tpu.memory_space<hbm>> -> memref<8x4x512xf32, #tpu.memory_space<hbm>>
    %dma_wait3A_896 = arith.constant 0 : i32
    %dma_wait3A_897 = arith.constant 0 : i32
    %dma_wait3A_898 = tpu.memref_slice %arg3[%mul3A_417, %dma_wait3A_896, %dma_wait3A_897] : memref<16384x4x512xf32, #tpu.memory_space<hbm>> -> memref<8x4x512xf32, #tpu.memory_space<hbm>>
    tpu.wait_dma2 semaphore(%arg6 : memref<!tpu.dma_semaphore, #tpu.memory_space<semaphore_mem>>) src(%arg4 : memref<8x4x512xf32, #tpu.memory_space<vmem>>) dst(%dma_wait3A_898 : memref<8x4x512xf32, #tpu.memory_space<hbm>>)
    %dma_wait3A_899 = arith.constant 0 : i32
    %dma_wait3A_900 = arith.constant 0 : i32
    %dma_wait3A_901 = tpu.memref_slice %arg3[%mul3A_427, %dma_wait3A_899, %dma_wait3A_900] : memref<16384x4x512xf32, #tpu.memory_space<hbm>> -> memref<8x4x512xf32, #tpu.memory_space<hbm>>
    %dma_wait3A_902 = arith.constant 0 : i32
    %dma_wait3A_903 = arith.constant 0 : i32
    %dma_wait3A_904 = tpu.memref_slice %arg3[%mul3A_427, %dma_wait3A_902, %dma_wait3A_903] : memref<16384x4x512xf32, #tpu.memory_space<hbm>> -> memref<8x4x512xf32, #tpu.memory_space<hbm>>
    tpu.wait_dma2 semaphore(%arg6 : memref<!tpu.dma_semaphore, #tpu.memory_space<semaphore_mem>>) src(%arg4 : memref<8x4x512xf32, #tpu.memory_space<vmem>>) dst(%dma_wait3A_904 : memref<8x4x512xf32, #tpu.memory_space<hbm>>)
    %dma_wait3A_905 = arith.constant 0 : i32
    %dma_wait3A_906 = arith.constant 0 : i32
    %dma_wait3A_907 = tpu.memref_slice %arg3[%mul3A_437, %dma_wait3A_905, %dma_wait3A_906] : memref<16384x4x512xf32, #tpu.memory_space<hbm>> -> memref<8x4x512xf32, #tpu.memory_space<hbm>>
    %dma_wait3A_908 = arith.constant 0 : i32
    %dma_wait3A_909 = arith.constant 0 : i32
    %dma_wait3A_910 = tpu.memref_slice %arg3[%mul3A_437, %dma_wait3A_908, %dma_wait3A_909] : memref<16384x4x512xf32, #tpu.memory_space<hbm>> -> memref<8x4x512xf32, #tpu.memory_space<hbm>>
    tpu.wait_dma2 semaphore(%arg6 : memref<!tpu.dma_semaphore, #tpu.memory_space<semaphore_mem>>) src(%arg4 : memref<8x4x512xf32, #tpu.memory_space<vmem>>) dst(%dma_wait3A_910 : memref<8x4x512xf32, #tpu.memory_space<hbm>>)
    %dma_wait3A_911 = arith.constant 0 : i32
    %dma_wait3A_912 = arith.constant 0 : i32
    %dma_wait3A_913 = tpu.memref_slice %arg3[%mul3A_447, %dma_wait3A_911, %dma_wait3A_912] : memref<16384x4x512xf32, #tpu.memory_space<hbm>> -> memref<8x4x512xf32, #tpu.memory_space<hbm>>
    %dma_wait3A_914 = arith.constant 0 : i32
    %dma_wait3A_915 = arith.constant 0 : i32
    %dma_wait3A_916 = tpu.memref_slice %arg3[%mul3A_447, %dma_wait3A_914, %dma_wait3A_915] : memref<16384x4x512xf32, #tpu.memory_space<hbm>> -> memref<8x4x512xf32, #tpu.memory_space<hbm>>
    tpu.wait_dma2 semaphore(%arg6 : memref<!tpu.dma_semaphore, #tpu.memory_space<semaphore_mem>>) src(%arg4 : memref<8x4x512xf32, #tpu.memory_space<vmem>>) dst(%dma_wait3A_916 : memref<8x4x512xf32, #tpu.memory_space<hbm>>)
    %dma_wait3A_917 = arith.constant 0 : i32
    %dma_wait3A_918 = arith.constant 0 : i32
    %dma_wait3A_919 = tpu.memref_slice %arg3[%mul3A_457, %dma_wait3A_917, %dma_wait3A_918] : memref<16384x4x512xf32, #tpu.memory_space<hbm>> -> memref<8x4x512xf32, #tpu.memory_space<hbm>>
    %dma_wait3A_920 = arith.constant 0 : i32
    %dma_wait3A_921 = arith.constant 0 : i32
    %dma_wait3A_922 = tpu.memref_slice %arg3[%mul3A_457, %dma_wait3A_920, %dma_wait3A_921] : memref<16384x4x512xf32, #tpu.memory_space<hbm>> -> memref<8x4x512xf32, #tpu.memory_space<hbm>>
    tpu.wait_dma2 semaphore(%arg6 : memref<!tpu.dma_semaphore, #tpu.memory_space<semaphore_mem>>) src(%arg4 : memref<8x4x512xf32, #tpu.memory_space<vmem>>) dst(%dma_wait3A_922 : memref<8x4x512xf32, #tpu.memory_space<hbm>>)
    %dma_wait3A_923 = arith.constant 0 : i32
    %dma_wait3A_924 = arith.constant 0 : i32
    %dma_wait3A_925 = tpu.memref_slice %arg3[%mul3A_467, %dma_wait3A_923, %dma_wait3A_924] : memref<16384x4x512xf32, #tpu.memory_space<hbm>> -> memref<8x4x512xf32, #tpu.memory_space<hbm>>
    %dma_wait3A_926 = arith.constant 0 : i32
    %dma_wait3A_927 = arith.constant 0 : i32
    %dma_wait3A_928 = tpu.memref_slice %arg3[%mul3A_467, %dma_wait3A_926, %dma_wait3A_927] : memref<16384x4x512xf32, #tpu.memory_space<hbm>> -> memref<8x4x512xf32, #tpu.memory_space<hbm>>
    tpu.wait_dma2 semaphore(%arg6 : memref<!tpu.dma_semaphore, #tpu.memory_space<semaphore_mem>>) src(%arg4 : memref<8x4x512xf32, #tpu.memory_space<vmem>>) dst(%dma_wait3A_928 : memref<8x4x512xf32, #tpu.memory_space<hbm>>)
    %dma_wait3A_929 = arith.constant 0 : i32
    %dma_wait3A_930 = arith.constant 0 : i32
    %dma_wait3A_931 = tpu.memref_slice %arg3[%mul3A_477, %dma_wait3A_929, %dma_wait3A_930] : memref<16384x4x512xf32, #tpu.memory_space<hbm>> -> memref<8x4x512xf32, #tpu.memory_space<hbm>>
    %dma_wait3A_932 = arith.constant 0 : i32
    %dma_wait3A_933 = arith.constant 0 : i32
    %dma_wait3A_934 = tpu.memref_slice %arg3[%mul3A_477, %dma_wait3A_932, %dma_wait3A_933] : memref<16384x4x512xf32, #tpu.memory_space<hbm>> -> memref<8x4x512xf32, #tpu.memory_space<hbm>>
    tpu.wait_dma2 semaphore(%arg6 : memref<!tpu.dma_semaphore, #tpu.memory_space<semaphore_mem>>) src(%arg4 : memref<8x4x512xf32, #tpu.memory_space<vmem>>) dst(%dma_wait3A_934 : memref<8x4x512xf32, #tpu.memory_space<hbm>>)
    %dma_wait3A_935 = arith.constant 0 : i32
    %dma_wait3A_936 = arith.constant 0 : i32
    %dma_wait3A_937 = tpu.memref_slice %arg3[%mul3A_487, %dma_wait3A_935, %dma_wait3A_936] : memref<16384x4x512xf32, #tpu.memory_space<hbm>> -> memref<8x4x512xf32, #tpu.memory_space<hbm>>
    %dma_wait3A_938 = arith.constant 0 : i32
    %dma_wait3A_939 = arith.constant 0 : i32
    %dma_wait3A_940 = tpu.memref_slice %arg3[%mul3A_487, %dma_wait3A_938, %dma_wait3A_939] : memref<16384x4x512xf32, #tpu.memory_space<hbm>> -> memref<8x4x512xf32, #tpu.memory_space<hbm>>
    tpu.wait_dma2 semaphore(%arg6 : memref<!tpu.dma_semaphore, #tpu.memory_space<semaphore_mem>>) src(%arg4 : memref<8x4x512xf32, #tpu.memory_space<vmem>>) dst(%dma_wait3A_940 : memref<8x4x512xf32, #tpu.memory_space<hbm>>)
    %dma_wait3A_941 = arith.constant 0 : i32
    %dma_wait3A_942 = arith.constant 0 : i32
    %dma_wait3A_943 = tpu.memref_slice %arg3[%mul3A_497, %dma_wait3A_941, %dma_wait3A_942] : memref<16384x4x512xf32, #tpu.memory_space<hbm>> -> memref<8x4x512xf32, #tpu.memory_space<hbm>>
    %dma_wait3A_944 = arith.constant 0 : i32
    %dma_wait3A_945 = arith.constant 0 : i32
    %dma_wait3A_946 = tpu.memref_slice %arg3[%mul3A_497, %dma_wait3A_944, %dma_wait3A_945] : memref<16384x4x512xf32, #tpu.memory_space<hbm>> -> memref<8x4x512xf32, #tpu.memory_space<hbm>>
    tpu.wait_dma2 semaphore(%arg6 : memref<!tpu.dma_semaphore, #tpu.memory_space<semaphore_mem>>) src(%arg4 : memref<8x4x512xf32, #tpu.memory_space<vmem>>) dst(%dma_wait3A_946 : memref<8x4x512xf32, #tpu.memory_space<hbm>>)
    %dma_wait3A_947 = arith.constant 0 : i32
    %dma_wait3A_948 = arith.constant 0 : i32
    %dma_wait3A_949 = tpu.memref_slice %arg3[%mul3A_507, %dma_wait3A_947, %dma_wait3A_948] : memref<16384x4x512xf32, #tpu.memory_space<hbm>> -> memref<8x4x512xf32, #tpu.memory_space<hbm>>
    %dma_wait3A_950 = arith.constant 0 : i32
    %dma_wait3A_951 = arith.constant 0 : i32
    %dma_wait3A_952 = tpu.memref_slice %arg3[%mul3A_507, %dma_wait3A_950, %dma_wait3A_951] : memref<16384x4x512xf32, #tpu.memory_space<hbm>> -> memref<8x4x512xf32, #tpu.memory_space<hbm>>
    tpu.wait_dma2 semaphore(%arg6 : memref<!tpu.dma_semaphore, #tpu.memory_space<semaphore_mem>>) src(%arg4 : memref<8x4x512xf32, #tpu.memory_space<vmem>>) dst(%dma_wait3A_952 : memref<8x4x512xf32, #tpu.memory_space<hbm>>)
    %dma_wait3A_953 = arith.constant 0 : i32
    %dma_wait3A_954 = arith.constant 0 : i32
    %dma_wait3A_955 = tpu.memref_slice %arg3[%mul3A_517, %dma_wait3A_953, %dma_wait3A_954] : memref<16384x4x512xf32, #tpu.memory_space<hbm>> -> memref<8x4x512xf32, #tpu.memory_space<hbm>>
    %dma_wait3A_956 = arith.constant 0 : i32
    %dma_wait3A_957 = arith.constant 0 : i32
    %dma_wait3A_958 = tpu.memref_slice %arg3[%mul3A_517, %dma_wait3A_956, %dma_wait3A_957] : memref<16384x4x512xf32, #tpu.memory_space<hbm>> -> memref<8x4x512xf32, #tpu.memory_space<hbm>>
    tpu.wait_dma2 semaphore(%arg6 : memref<!tpu.dma_semaphore, #tpu.memory_space<semaphore_mem>>) src(%arg4 : memref<8x4x512xf32, #tpu.memory_space<vmem>>) dst(%dma_wait3A_958 : memref<8x4x512xf32, #tpu.memory_space<hbm>>)
    %dma_wait3A_959 = arith.constant 0 : i32
    %dma_wait3A_960 = arith.constant 0 : i32
    %dma_wait3A_961 = tpu.memref_slice %arg3[%mul3A_527, %dma_wait3A_959, %dma_wait3A_960] : memref<16384x4x512xf32, #tpu.memory_space<hbm>> -> memref<8x4x512xf32, #tpu.memory_space<hbm>>
    %dma_wait3A_962 = arith.constant 0 : i32
    %dma_wait3A_963 = arith.constant 0 : i32
    %dma_wait3A_964 = tpu.memref_slice %arg3[%mul3A_527, %dma_wait3A_962, %dma_wait3A_963] : memref<16384x4x512xf32, #tpu.memory_space<hbm>> -> memref<8x4x512xf32, #tpu.memory_space<hbm>>
    tpu.wait_dma2 semaphore(%arg6 : memref<!tpu.dma_semaphore, #tpu.memory_space<semaphore_mem>>) src(%arg4 : memref<8x4x512xf32, #tpu.memory_space<vmem>>) dst(%dma_wait3A_964 : memref<8x4x512xf32, #tpu.memory_space<hbm>>)
    %dma_wait3A_965 = arith.constant 0 : i32
    %dma_wait3A_966 = arith.constant 0 : i32
    %dma_wait3A_967 = tpu.memref_slice %arg3[%mul3A_537, %dma_wait3A_965, %dma_wait3A_966] : memref<16384x4x512xf32, #tpu.memory_space<hbm>> -> memref<8x4x512xf32, #tpu.memory_space<hbm>>
    %dma_wait3A_968 = arith.constant 0 : i32
    %dma_wait3A_969 = arith.constant 0 : i32
    %dma_wait3A_970 = tpu.memref_slice %arg3[%mul3A_537, %dma_wait3A_968, %dma_wait3A_969] : memref<16384x4x512xf32, #tpu.memory_space<hbm>> -> memref<8x4x512xf32, #tpu.memory_space<hbm>>
    tpu.wait_dma2 semaphore(%arg6 : memref<!tpu.dma_semaphore, #tpu.memory_space<semaphore_mem>>) src(%arg4 : memref<8x4x512xf32, #tpu.memory_space<vmem>>) dst(%dma_wait3A_970 : memref<8x4x512xf32, #tpu.memory_space<hbm>>)
    %dma_wait3A_971 = arith.constant 0 : i32
    %dma_wait3A_972 = arith.constant 0 : i32
    %dma_wait3A_973 = tpu.memref_slice %arg3[%mul3A_547, %dma_wait3A_971, %dma_wait3A_972] : memref<16384x4x512xf32, #tpu.memory_space<hbm>> -> memref<8x4x512xf32, #tpu.memory_space<hbm>>
    %dma_wait3A_974 = arith.constant 0 : i32
    %dma_wait3A_975 = arith.constant 0 : i32
    %dma_wait3A_976 = tpu.memref_slice %arg3[%mul3A_547, %dma_wait3A_974, %dma_wait3A_975] : memref<16384x4x512xf32, #tpu.memory_space<hbm>> -> memref<8x4x512xf32, #tpu.memory_space<hbm>>
    tpu.wait_dma2 semaphore(%arg6 : memref<!tpu.dma_semaphore, #tpu.memory_space<semaphore_mem>>) src(%arg4 : memref<8x4x512xf32, #tpu.memory_space<vmem>>) dst(%dma_wait3A_976 : memref<8x4x512xf32, #tpu.memory_space<hbm>>)
    %dma_wait3A_977 = arith.constant 0 : i32
    %dma_wait3A_978 = arith.constant 0 : i32
    %dma_wait3A_979 = tpu.memref_slice %arg3[%mul3A_557, %dma_wait3A_977, %dma_wait3A_978] : memref<16384x4x512xf32, #tpu.memory_space<hbm>> -> memref<8x4x512xf32, #tpu.memory_space<hbm>>
    %dma_wait3A_980 = arith.constant 0 : i32
    %dma_wait3A_981 = arith.constant 0 : i32
    %dma_wait3A_982 = tpu.memref_slice %arg3[%mul3A_557, %dma_wait3A_980, %dma_wait3A_981] : memref<16384x4x512xf32, #tpu.memory_space<hbm>> -> memref<8x4x512xf32, #tpu.memory_space<hbm>>
    tpu.wait_dma2 semaphore(%arg6 : memref<!tpu.dma_semaphore, #tpu.memory_space<semaphore_mem>>) src(%arg4 : memref<8x4x512xf32, #tpu.memory_space<vmem>>) dst(%dma_wait3A_982 : memref<8x4x512xf32, #tpu.memory_space<hbm>>)
    %dma_wait3A_983 = arith.constant 0 : i32
    %dma_wait3A_984 = arith.constant 0 : i32
    %dma_wait3A_985 = tpu.memref_slice %arg3[%mul3A_567, %dma_wait3A_983, %dma_wait3A_984] : memref<16384x4x512xf32, #tpu.memory_space<hbm>> -> memref<8x4x512xf32, #tpu.memory_space<hbm>>
    %dma_wait3A_986 = arith.constant 0 : i32
    %dma_wait3A_987 = arith.constant 0 : i32
    %dma_wait3A_988 = tpu.memref_slice %arg3[%mul3A_567, %dma_wait3A_986, %dma_wait3A_987] : memref<16384x4x512xf32, #tpu.memory_space<hbm>> -> memref<8x4x512xf32, #tpu.memory_space<hbm>>
    tpu.wait_dma2 semaphore(%arg6 : memref<!tpu.dma_semaphore, #tpu.memory_space<semaphore_mem>>) src(%arg4 : memref<8x4x512xf32, #tpu.memory_space<vmem>>) dst(%dma_wait3A_988 : memref<8x4x512xf32, #tpu.memory_space<hbm>>)
    %dma_wait3A_989 = arith.constant 0 : i32
    %dma_wait3A_990 = arith.constant 0 : i32
    %dma_wait3A_991 = tpu.memref_slice %arg3[%mul3A_577, %dma_wait3A_989, %dma_wait3A_990] : memref<16384x4x512xf32, #tpu.memory_space<hbm>> -> memref<8x4x512xf32, #tpu.memory_space<hbm>>
    %dma_wait3A_992 = arith.constant 0 : i32
    %dma_wait3A_993 = arith.constant 0 : i32
    %dma_wait3A_994 = tpu.memref_slice %arg3[%mul3A_577, %dma_wait3A_992, %dma_wait3A_993] : memref<16384x4x512xf32, #tpu.memory_space<hbm>> -> memref<8x4x512xf32, #tpu.memory_space<hbm>>
    tpu.wait_dma2 semaphore(%arg6 : memref<!tpu.dma_semaphore, #tpu.memory_space<semaphore_mem>>) src(%arg4 : memref<8x4x512xf32, #tpu.memory_space<vmem>>) dst(%dma_wait3A_994 : memref<8x4x512xf32, #tpu.memory_space<hbm>>)
    %dma_wait3A_995 = arith.constant 0 : i32
    %dma_wait3A_996 = arith.constant 0 : i32
    %dma_wait3A_997 = tpu.memref_slice %arg3[%mul3A_587, %dma_wait3A_995, %dma_wait3A_996] : memref<16384x4x512xf32, #tpu.memory_space<hbm>> -> memref<8x4x512xf32, #tpu.memory_space<hbm>>
    %dma_wait3A_998 = arith.constant 0 : i32
    %dma_wait3A_999 = arith.constant 0 : i32
    %dma_wait3A_1000 = tpu.memref_slice %arg3[%mul3A_587, %dma_wait3A_998, %dma_wait3A_999] : memref<16384x4x512xf32, #tpu.memory_space<hbm>> -> memref<8x4x512xf32, #tpu.memory_space<hbm>>
    tpu.wait_dma2 semaphore(%arg6 : memref<!tpu.dma_semaphore, #tpu.memory_space<semaphore_mem>>) src(%arg4 : memref<8x4x512xf32, #tpu.memory_space<vmem>>) dst(%dma_wait3A_1000 : memref<8x4x512xf32, #tpu.memory_space<hbm>>)
    %dma_wait3A_1001 = arith.constant 0 : i32
    %dma_wait3A_1002 = arith.constant 0 : i32
    %dma_wait3A_1003 = tpu.memref_slice %arg3[%mul3A_597, %dma_wait3A_1001, %dma_wait3A_1002] : memref<16384x4x512xf32, #tpu.memory_space<hbm>> -> memref<8x4x512xf32, #tpu.memory_space<hbm>>
    %dma_wait3A_1004 = arith.constant 0 : i32
    %dma_wait3A_1005 = arith.constant 0 : i32
    %dma_wait3A_1006 = tpu.memref_slice %arg3[%mul3A_597, %dma_wait3A_1004, %dma_wait3A_1005] : memref<16384x4x512xf32, #tpu.memory_space<hbm>> -> memref<8x4x512xf32, #tpu.memory_space<hbm>>
    tpu.wait_dma2 semaphore(%arg6 : memref<!tpu.dma_semaphore, #tpu.memory_space<semaphore_mem>>) src(%arg4 : memref<8x4x512xf32, #tpu.memory_space<vmem>>) dst(%dma_wait3A_1006 : memref<8x4x512xf32, #tpu.memory_space<hbm>>)
    %dma_wait3A_1007 = arith.constant 0 : i32
    %dma_wait3A_1008 = arith.constant 0 : i32
    %dma_wait3A_1009 = tpu.memref_slice %arg3[%mul3A_607, %dma_wait3A_1007, %dma_wait3A_1008] : memref<16384x4x512xf32, #tpu.memory_space<hbm>> -> memref<8x4x512xf32, #tpu.memory_space<hbm>>
    %dma_wait3A_1010 = arith.constant 0 : i32
    %dma_wait3A_1011 = arith.constant 0 : i32
    %dma_wait3A_1012 = tpu.memref_slice %arg3[%mul3A_607, %dma_wait3A_1010, %dma_wait3A_1011] : memref<16384x4x512xf32, #tpu.memory_space<hbm>> -> memref<8x4x512xf32, #tpu.memory_space<hbm>>
    tpu.wait_dma2 semaphore(%arg6 : memref<!tpu.dma_semaphore, #tpu.memory_space<semaphore_mem>>) src(%arg4 : memref<8x4x512xf32, #tpu.memory_space<vmem>>) dst(%dma_wait3A_1012 : memref<8x4x512xf32, #tpu.memory_space<hbm>>)
    %dma_wait3A_1013 = arith.constant 0 : i32
    %dma_wait3A_1014 = arith.constant 0 : i32
    %dma_wait3A_1015 = tpu.memref_slice %arg3[%mul3A_617, %dma_wait3A_1013, %dma_wait3A_1014] : memref<16384x4x512xf32, #tpu.memory_space<hbm>> -> memref<8x4x512xf32, #tpu.memory_space<hbm>>
    %dma_wait3A_1016 = arith.constant 0 : i32
    %dma_wait3A_1017 = arith.constant 0 : i32
    %dma_wait3A_1018 = tpu.memref_slice %arg3[%mul3A_617, %dma_wait3A_1016, %dma_wait3A_1017] : memref<16384x4x512xf32, #tpu.memory_space<hbm>> -> memref<8x4x512xf32, #tpu.memory_space<hbm>>
    tpu.wait_dma2 semaphore(%arg6 : memref<!tpu.dma_semaphore, #tpu.memory_space<semaphore_mem>>) src(%arg4 : memref<8x4x512xf32, #tpu.memory_space<vmem>>) dst(%dma_wait3A_1018 : memref<8x4x512xf32, #tpu.memory_space<hbm>>)
    %dma_wait3A_1019 = arith.constant 0 : i32
    %dma_wait3A_1020 = arith.constant 0 : i32
    %dma_wait3A_1021 = tpu.memref_slice %arg3[%mul3A_627, %dma_wait3A_1019, %dma_wait3A_1020] : memref<16384x4x512xf32, #tpu.memory_space<hbm>> -> memref<8x4x512xf32, #tpu.memory_space<hbm>>
    %dma_wait3A_1022 = arith.constant 0 : i32
    %dma_wait3A_1023 = arith.constant 0 : i32
    %dma_wait3A_1024 = tpu.memref_slice %arg3[%mul3A_627, %dma_wait3A_1022, %dma_wait3A_1023] : memref<16384x4x512xf32, #tpu.memory_space<hbm>> -> memref<8x4x512xf32, #tpu.memory_space<hbm>>
    tpu.wait_dma2 semaphore(%arg6 : memref<!tpu.dma_semaphore, #tpu.memory_space<semaphore_mem>>) src(%arg4 : memref<8x4x512xf32, #tpu.memory_space<vmem>>) dst(%dma_wait3A_1024 : memref<8x4x512xf32, #tpu.memory_space<hbm>>)
    %dma_wait3A_1025 = arith.constant 0 : i32
    %dma_wait3A_1026 = arith.constant 0 : i32
    %dma_wait3A_1027 = tpu.memref_slice %arg3[%mul3A_637, %dma_wait3A_1025, %dma_wait3A_1026] : memref<16384x4x512xf32, #tpu.memory_space<hbm>> -> memref<8x4x512xf32, #tpu.memory_space<hbm>>
    %dma_wait3A_1028 = arith.constant 0 : i32
    %dma_wait3A_1029 = arith.constant 0 : i32
    %dma_wait3A_1030 = tpu.memref_slice %arg3[%mul3A_637, %dma_wait3A_1028, %dma_wait3A_1029] : memref<16384x4x512xf32, #tpu.memory_space<hbm>> -> memref<8x4x512xf32, #tpu.memory_space<hbm>>
    tpu.wait_dma2 semaphore(%arg6 : memref<!tpu.dma_semaphore, #tpu.memory_space<semaphore_mem>>) src(%arg4 : memref<8x4x512xf32, #tpu.memory_space<vmem>>) dst(%dma_wait3A_1030 : memref<8x4x512xf32, #tpu.memory_space<hbm>>)
    %dma_wait3A_1031 = arith.constant 0 : i32
    %dma_wait3A_1032 = arith.constant 0 : i32
    %dma_wait3A_1033 = tpu.memref_slice %arg3[%mul3A_647, %dma_wait3A_1031, %dma_wait3A_1032] : memref<16384x4x512xf32, #tpu.memory_space<hbm>> -> memref<8x4x512xf32, #tpu.memory_space<hbm>>
    %dma_wait3A_1034 = arith.constant 0 : i32
    %dma_wait3A_1035 = arith.constant 0 : i32
    %dma_wait3A_1036 = tpu.memref_slice %arg3[%mul3A_647, %dma_wait3A_1034, %dma_wait3A_1035] : memref<16384x4x512xf32, #tpu.memory_space<hbm>> -> memref<8x4x512xf32, #tpu.memory_space<hbm>>
    tpu.wait_dma2 semaphore(%arg6 : memref<!tpu.dma_semaphore, #tpu.memory_space<semaphore_mem>>) src(%arg4 : memref<8x4x512xf32, #tpu.memory_space<vmem>>) dst(%dma_wait3A_1036 : memref<8x4x512xf32, #tpu.memory_space<hbm>>)
    return
  }
}

</mosaic_0001>

<sc_bundles>
// kernel: kernel.3.cloned.1.call-start
scs
__scs_entry_jumppad:
0x0: {  	(pc) =	sbr.rel $0x88, $3  }
0x1: {  	(tag) =	ssettag $0x0;
	lr =	simm.s32 $0x1  }
0x2: {  	[smem:$0x3FA0] =	sst lr;
	_ =	strace $0xD0000000  }
0x3: {  	_ = 	snop  }
0x4: {  	_ = 	snop  }
0x5: {  	_ = 	snop  }
0x6: {  	_ = 	snop  }
0x7: {  	_ = 	snop  }
__scs_overlays_trampoline_lowered:
0x8: {  	[smem:$0x3FAF] =	sst s0  }
0x9: {  	[smem:$0x3FB0] =	sst s1  }
0xa: {  	[smem:$0x3FB1] =	sst s2  }
0xb: {  	[smem:$0x3FB2] =	sst s3  }
0xc: {  	[smem:$0x3FB3] =	sst s4  }
0xd: {  	[smem:$0x3FB4] =	sst s5  }
0xe: {  	[smem:$0x3FB5] =	sst s6  }
0xf: {  	[smem:$0x3FB6] =	sst s7  }
0x10: {  	[smem:$0x3FB7] =	sst s8  }
0x11: {  	[smem:$0x3FB8] =	sst s9;
	s0 =	simm.s32 @!p0 $0x0  }
0x12: {  	s1 =	sld [smem:$0x3F9E];
	s0 =	simm.s32 @p0 $0x1  }
0x13: {  	[smem:$0x3FB9] =	sst s0;
	s0 =	simm.s32 @!p1 $0x0  }
0x14: {  	s2 =	sld [smem:$0x3F9D];
	s0 =	simm.s32 @p1 $0x1  }
0x15: {  	[smem:$0x3FBA] =	sst s0;
	s0 =	simm.s32 @!p2 $0x0  }
0x16: {  	s3 =	sld [smem:$0x3FDB];
	s0 =	simm.s32 @p2 $0x1  }
0x17: {  	s4 =	simm.s32 $0x1BF5;
	[smem:$0x3FBC] =	sst s0  }
0x18: {  	s0 =	sld [smem:$0x3F9F];
	_ =	swait.ge [sflag:s4], $0x0  }
0x19: {  	s7 =	sld [smem:$0x3FA0]  }
0x1a: {  	s8 =	sadd.s32 $0xFFFFE003, lr  }
0x1b: {  	s9 =	sadd.s32 $0xFFFFFEF7, lr;
	s5 =	simm.s32 $0xFFFFFFFF;
	p2 =	slt.u32 s8, $0xFFFFF086  }
0x1c: {  	p1 =	slt.u32 s9, $0xF7A;
	s5 =	simm.s32 @!p2 $0x0  }
0x1d: {  	s5 =	simm.s32 @p1 $0x1;
	p0 =	seq.s32 s7, s2  }
0x1e: {  	s7 =	smul.u32 @!p0 $0xF7A, s2;
	p2 =	seq.s32 @!p0 s5, $0x0  }
0x1f: {  	s9 =	smul.u32 $0xF7A, s1;
	s8 =	simm.s32 @!p0 $0x1BF5;
	p2 =	por !p2, p0  }
0x20: {  	[sflag:s8] =	ssyncset.s32 @!p0 $0xFFFFF086;
	s6 =	sadd.s32 @!p0 s3, s7;
	s7 =	simm.s32 @!p0 $0x108  }
0x21: {  	s3 =	sadd.s32 s3, s9;
	s6 =	sadd.s32 @!p0 $0x88, s6;
	s7 =	simm.s32 @p2 $0x1082  }
0x22: {  	[simem:s7], [sflag:s8] =	dma.local @!p0 [hbm:s6], $0xF7A  }
0x23: {  	s9 =	sor.u32 $0xD0000000, s2;
	s6 =	simm.s32 $0x108;
	_ =	swait.ge @!p0 [sflag:s8], $0x0  }
0x24: {  	s3 =	sadd.s32 $0x88, s3;
	s6 =	simm.s32 @!p1 $0x1082;
	[sflag:s4] =	ssyncset.s32 $0xFFFFF086  }
0x25: {  	[simem:s6], [sflag:s4] =	dma.local [hbm:s3], $0xF7A  }
0x26: {  	[smem:$0x3FA0] =	sst s1;
	(tag) =	ssettag s2;
	_ =	strace s9  }
0x27: {  	s1 =	sld [smem:$0x3FB0]  }
0x28: {  	s2 =	sld [smem:$0x3FB1]  }
0x29: {  	s4 =	sld [smem:$0x3FB3]  }
0x2a: {  	p0 =	seq.s32 s5, $0x0;
	s5 =	sld [smem:$0x3FB4]  }
0x2b: {  	s6 =	sld [smem:$0x3FB5]  }
0x2c: {  	s7 =	sld [smem:$0x3FB6]  }
0x2d: {  	s3 =	simm.s32 $0x108;
	s8 =	sld [smem:$0x3FB7]  }
0x2e: {  	s3 =	simm.s32 @!p0 $0x1082;
	s9 =	sld [smem:$0x3FB8]  }
0x2f: {  	lr =	sadd.s32 s0, s3;
	s0 =	sld [smem:$0x3FAF]  }
0x30: {  	s3 =	sld [smem:$0x3FB2]  }
0x31: {  	[smem:$0x3FBB] =	sst s10  }
0x32: {  	s10 =	sld [smem:$0x3FB9];
	_ =	sdelay $0x3  }
0x33: {  	p0 =	seq.s32 s10, $0x1;
	s10 =	sld [smem:$0x3FBB];
	_ =	sdelay $0x3  }
0x34: {  	[smem:$0x3FBB] =	sst s10  }
0x35: {  	s10 =	sld [smem:$0x3FBA];
	_ =	sdelay $0x3  }
0x36: {  	p1 =	seq.s32 s10, $0x1;
	s10 =	sld [smem:$0x3FBB];
	_ =	sdelay $0x3  }
0x37: {  	[smem:$0x3FBB] =	sst s10  }
0x38: {  	s10 =	sld [smem:$0x3FBC]  }
0x39: {  	_ = 	snop;
	(pc) =	sbr.ind lr, $3  }
0x3a: {  	_ = 	snop  }
0x3b: {  	_ = 	snop  }
0x3c: {  	p2 =	seq.s32 s10, $0x1;
	s10 =	sld [smem:$0x3FBB]  }
0x3d: {  	_ =	shalt  }
0x3e: {  	_ =	shalt  }
0x3f: {  	_ =	shalt  }
0x40: {  	_ =	shalt  }
0x41: {  	_ =	shalt  }
0x42: {  	_ =	shalt  }
0x43: {  	_ =	shalt  }
0x44: {  	_ =	shalt  }
0x45: {  	_ =	shalt  }
0x46: {  	_ =	shalt  }
0x47: {  	_ =	shalt  }
0x48: {  	_ =	shalt  }
0x49: {  	_ =	shalt  }
0x4a: {  	_ =	shalt  }
0x4b: {  	_ =	shalt  }
0x4c: {  	_ =	shalt  }
0x4d: {  	_ =	shalt  }
0x4e: {  	_ =	shalt  }
0x4f: {  	_ =	shalt  }
0x50: {  	_ =	shalt  }
0x51: {  	_ =	shalt  }
0x52: {  	_ =	shalt  }
0x53: {  	_ =	shalt  }
0x54: {  	_ =	shalt  }
0x55: {  	_ =	shalt  }
0x56: {  	_ =	shalt  }
0x57: {  	_ =	shalt  }
0x58: {  	_ =	shalt  }
0x59: {  	_ =	shalt  }
0x5a: {  	_ =	shalt  }
0x5b: {  	_ =	shalt  }
0x5c: {  	_ =	shalt  }
0x5d: {  	_ =	shalt  }
0x5e: {  	_ =	shalt  }
0x5f: {  	_ =	shalt  }
0x60: {  	_ =	shalt  }
0x61: {  	_ =	shalt  }
0x62: {  	_ =	shalt  }
0x63: {  	_ =	shalt  }
0x64: {  	_ =	shalt  }
0x65: {  	_ =	shalt  }
0x66: {  	_ =	shalt  }
0x67: {  	_ =	shalt  }
0x68: {  	_ =	shalt  }
0x69: {  	_ =	shalt  }
0x6a: {  	_ =	shalt  }
0x6b: {  	_ =	shalt  }
0x6c: {  	_ =	shalt  }
0x6d: {  	_ =	shalt  }
0x6e: {  	_ =	shalt  }
0x6f: {  	_ =	shalt  }
0x70: {  	_ =	shalt  }
0x71: {  	_ =	shalt  }
0x72: {  	_ =	shalt  }
0x73: {  	_ =	shalt  }
0x74: {  	_ =	shalt  }
0x75: {  	_ =	shalt  }
0x76: {  	_ =	shalt  }
0x77: {  	_ =	shalt  }
0x78: {  	_ =	shalt  }
0x79: {  	_ =	shalt  }
0x7a: {  	_ =	shalt  }
0x7b: {  	_ =	shalt  }
0x7c: {  	_ =	shalt  }
0x7d: {  	_ =	shalt  }
0x7e: {  	_ =	shalt  }
0x7f: {  	_ =	shalt  }
0x80: {  	_ =	shalt  }
0x81: {  	_ =	shalt  }
0x82: {  	_ =	shalt  }
0x83: {  	_ =	shalt  }
0x84: {  	_ =	shalt  }
0x85: {  	_ =	shalt  }
0x86: {  	_ =	shalt  }
0x87: {  	_ =	shalt  }
.Lfunc_end0:
.L_simem_size_0:
called_computation_lowered:
.L_overlay_start_0:
0x88: {  	s2 =	sld [smem:$0x3FD9]  }
0x89: {  	s3 =	sld [smem:$0x3FFE];
	_ =	sdelay $0x1  }
0x8a: {  	s1 =	srdreg.scid  }
0x8b: {  	s0 =	sand.u32 $0x1, s1  }
0x8c: {  	s18 =	sshll.u32 s0, $0xA;
	s2 =	sadd.s32 s3, s2  }
0x8d: {  	s2 =	sadd.s32 s2, s18  }
0x8e: {  	[smem:$0x3FC7] =	sst s2  }
0x8f: {  	_ = 	snop  }
0x90: {  	s2 =	sld [smem:$0x3FC9]  }
0x91: {  	s19 =	sld [smem:$0x3FD0];
	(tm) =	ssettm $0x1  }
0x92: {  	s4 =	sld [smem:$0x3FFB];
	_ =	sdelay $0x3  }
0x93: {  	_ =	strace s4  }
0x94: {  	s4 =	sld [smem:$0x3FFC];
	_ =	sdelay $0x3  }
0x95: {  	_ =	strace s4  }
0x96: {  	s4 =	sld [smem:$0x3FFD];
	_ =	sdelay $0x3  }
0x97: {  	_ =	strace s4  }
0x98: {  	_ =	strace $0x8FFFFFFF  }
0x99: {  	s20 =	sld [smem:$0x3FDB];
	_ =	sdelay $0x1  }
0x9a: {  	s5 =	simm.s32 $_scs_section_size  }
0x9b: {  	s6 =	simm.s32 $_size__tile_overlayer_lowered;
	s7 =	simm.s32 $_tile_overlayer_lowered  }
0x9c: {  	s23 =	simm.s32 $0x1BFF;
	s22 =	sshll.u32 s7, $0x1;
	s4 =	sadd.s32 s5, s20  }
0x9d: {  	s8 =	simm.s32 $0x0;
	s21 =	sshll.u32 s6, $0x1;
	s6 =	sadd.s32 s22, s4  }
0x9e: {  	[timem:s8], [sflag:s23] =	dma.local [hbm:s6], s21  }
0x9f: {  	_ =	swait.ge [sflag:s23], s21  }
0xa0: {  	s5 =	ssub.s32 $0x0, s21;
	[sflag:s23] =	ssyncset.done $0x0  }
0xa1: {  	[sflag:s23] =	ssyncadd.s32 s5;
	_ =	sdelay $0x1  }
0xa2: {  	s24 =	simm.s32 $0x1B8B  }
0xa3: {  	_ =	swait.ge [sflag:s24], $0x1  }
0xa4: {  	[sflag:s24] =	ssyncset.done $0x0  }
0xa5: {  	s25 =	simm.s32 $0x1B8E;
	[sflag:s24] =	ssyncadd.s32 $0xFFFFFFFF  }
0xa6: {  	s26 =	simm.s32 $execute0_lowered;
	[smem:$0x3FD2] =	sst s25  }
0xa7: {  	s5 =	sshll.u32 s26, $0x1;
	_ =	strace $0x80000046;
	[dreg:$0x1] =	wrdreg $0xFFFFFFFF  }
0xa8: {  	s28 =	simm.s32 $_size_execute0_lowered;
	s4 =	sadd.s32 s4, s5;
	[dreg:$0x0] =	wrdreg $0x0  }
0xa9: {  	s5 =	sshll.u32 s28, $0x1;
	[dreg:$0x2] =	wrdreg s4  }
0xaa: {  	[dreg:$0x3] =	wrdreg s5  }
0xab: {  	[dreg:$0x4] =	wrdreg $0xC0  }
0xac: {  	_ =	task [dreg:s8], $0x5FFFF  }
0xad: {  	[dreg:$0x1] =	wrdreg $0xFFFFFFFF  }
0xae: {  	[dreg:$0x0] =	wrdreg $0x60  }
0xaf: {  	[dreg:$0x2] =	wrdreg s2  }
0xb0: {  	[dreg:$0x3] =	wrdreg s19  }
0xb1: {  	[dreg:$0x4] =	wrdreg $0x40000  }
0xb2: {  	[dreg:$0x5] =	wrdreg $0x9  }
0xb3: {  	_ =	task.clear_ibuf [dreg:s8], $0x6FFFF;
	_ =	strace $0x90000046  }
0xb4: {  	s29 =	simm.s32 $0x9;
	_ =	strace $0x80000048  }
0xb5: {  	_ =	swait.ge [sflag:s29], $0x1  }
0xb6: {  	[sflag:s29] =	ssyncadd.s32 $0xFFFFFFFF  }
0xb7: {  	_ =	strace $0x90000048  }
0xb8: {  	_ =	sfence  }
0xb9: {  	s30 =	sld [smem:$0x0];
	_ =	sdelay $0x2  }
0xba: {  	s31 =	sshll.u32 s1, $0xD;
	s1 =	sshrl.u32 s1, $0x2  }
0xbb: {  	s3 =	sand.u32 $0x4000, s31;
	s1 =	sadd.s32 s1, s30  }
0xbc: {  	s0 =	sor.u32 s3, s0;
	s1 =	sshll.u32 s1, $0x11  }
0xbd: {  	s0 =	sor.u32 s1, s0  }
0xbe: {  	s0 =	sadd.s32 $0x8F2B, s0  }
0xbf: {  	[sflag:s0] =	ssyncadd.remote.s32 $0x1  }
0xc0: {  	_ =	sfence.sel $0xFFFF  }
0xc1: {  	[dreg:$0x0] =	wrdreg $0xFFFFFFFF;
	(pc) =	sbr.abs _section_cstart, $3  }
0xc2: {  	[dreg:$0x1] =	wrdreg $0xFFFFFFFF  }
0xc3: {  	_ =	task.clear_ibuf [dreg:s8], $0x2FFFF;
	_ =	strace $0x9FFFFFFF  }
0xc4: {  	(tm) =	ssettm $0x7FFFFFFF  }
0xc5: {  	_ =	shalt  }
tec
execute0_lowered:
.L_overlay_start_1:
0x0: {  	(tag) =	ssettag $0x1  }
0x1: {  	s20 =	srdreg.scid  }
0x2: {  	s0 =	rddreg [dreg:$0x0];
	s29 =	stileid.u32;
	s2 =	sand.u32 $0x1, s20  }
0x3: {  	s4 =	rddreg [dreg:$0x1];
	s21 =	sshll.u32 s29, $0xC;
	s5 =	sshll.u32 s2, $0xB  }
0x4: {  	[dreg:$0x4] =	wrdreg s0;
	s0 =	sor.u32 s5, s21  }
0x5: {  	s1 =	rddreg [dreg:$0x2];
	s3 =	simm.s32 $0x0;
	s4 =	sadd.s32 s4, s0  }
0x6: {  	[smem:$0x7FF] =	sst s3;
	s0 =	sadd.s32 $0x10000, s4  }
0x7: {  	_ =	strace $0x80000047;
	s22 =	sadd.s32 $0x20000, s4;
	[dreg:$0x5] =	wrdreg s0  }
0x8: {  	s23 =	sadd.s32 $0x30000, s4;
	[dreg:$0x6] =	wrdreg s22  }
0x9: {  	s24 =	sadd.s32 $0x40000, s4;
	[dreg:$0x7] =	wrdreg s23  }
0xa: {  	s25 =	sadd.s32 $0x50000, s4;
	[dreg:$0x8] =	wrdreg s24  }
0xb: {  	s26 =	sadd.s32 $0x60000, s4;
	[dreg:$0x9] =	wrdreg s25  }
0xc: {  	s5 =	sadd.s32 $0x70000, s4;
	[dreg:$0xa] =	wrdreg s26  }
0xd: {  	s6 =	sadd.s32 $0x80000, s4;
	[dreg:$0xb] =	wrdreg s5  }
0xe: {  	s7 =	sadd.s32 $0x90000, s4;
	[dreg:$0xc] =	wrdreg s6  }
0xf: {  	s8 =	sadd.s32 $0xA0000, s4;
	[dreg:$0xd] =	wrdreg s7  }
0x10: {  	s9 =	sadd.s32 $0xB0000, s4;
	[dreg:$0xe] =	wrdreg s8  }
0x11: {  	s10 =	sadd.s32 $0xC0000, s4;
	[dreg:$0xf] =	wrdreg s9  }
0x12: {  	s11 =	sadd.s32 $0xD0000, s4;
	[dreg:$0x10] =	wrdreg s10  }
0x13: {  	s12 =	sadd.s32 $0xE0000, s4;
	[dreg:$0x11] =	wrdreg s11  }
0x14: {  	s13 =	sadd.s32 $0xF0000, s4;
	[dreg:$0x12] =	wrdreg s12  }
0x15: {  	s14 =	sadd.s32 $0x100000, s4;
	[dreg:$0x13] =	wrdreg s13  }
0x16: {  	s15 =	sadd.s32 $0x110000, s4;
	[dreg:$0x14] =	wrdreg s14  }
0x17: {  	s16 =	sadd.s32 $0x120000, s4;
	[dreg:$0x15] =	wrdreg s15  }
0x18: {  	s17 =	sadd.s32 $0x130000, s4;
	[dreg:$0x16] =	wrdreg s16  }
0x19: {  	s18 =	sadd.s32 $0x140000, s4;
	[dreg:$0x17] =	wrdreg s17  }
0x1a: {  	s19 =	sadd.s32 $0x150000, s4;
	[dreg:$0x18] =	wrdreg s18  }
0x1b: {  	s20 =	sadd.s32 $0x160000, s4;
	[dreg:$0x19] =	wrdreg s19  }
0x1c: {  	s21 =	sadd.s32 $0x170000, s4;
	[dreg:$0x1a] =	wrdreg s20  }
0x1d: {  	[dreg:$0x1b] =	wrdreg s21;
	s22 =	sadd.s32 $0x180000, s4  }
0x1e: {  	s23 =	sadd.s32 $0x190000, s4;
	[dreg:$0x1c] =	wrdreg s22  }
0x1f: {  	s24 =	sadd.s32 $0x1A0000, s4;
	[dreg:$0x1d] =	wrdreg s23  }
0x20: {  	s25 =	sadd.s32 $0x1B0000, s4;
	[dreg:$0x1e] =	wrdreg s24  }
0x21: {  	s26 =	sadd.s32 $0x1C0000, s4;
	[dreg:$0x1f] =	wrdreg s25  }
0x22: {  	s5 =	sadd.s32 $0x1D0000, s4;
	[smem:$0x7EC] =	sst s26  }
0x23: {  	s6 =	sadd.s32 $0x1E0000, s4;
	[smem:$0x7ED] =	sst s5  }
0x24: {  	s7 =	sadd.s32 $0x1F0000, s4;
	[smem:$0x7EE] =	sst s6  }
0x25: {  	s8 =	sadd.s32 $0x200000, s4;
	[smem:$0x7EF] =	sst s7  }
0x26: {  	s9 =	sadd.s32 $0x210000, s4;
	[smem:$0x7F0] =	sst s8  }
0x27: {  	s10 =	sadd.s32 $0x220000, s4;
	[smem:$0x7F1] =	sst s9  }
0x28: {  	p0 =	por $0x0, $0x0;
	s11 =	sadd.s32 $0x230000, s4;
	[smem:$0x7F2] =	sst s10  }
0x29: {  	s28 =	simm.s32 $0x2;
	s12 =	sadd.s32 $0x240000, s4;
	[smem:$0x7F3] =	sst s11  }
0x2a: {  	s31 =	simm.s32 $0x800;
	s13 =	sadd.s32 $0x250000, s4;
	[smem:$0x7F4] =	sst s12  }
0x2b: {  	s30 =	simm.s32 $0x1000;
	s15 =	sadd.s32 $0x260000, s4;
	[smem:$0x7F5] =	sst s13  }
0x2c: {  	s2 =	ssub.s32 $0x2, s2;
	s16 =	sadd.s32 $0x270000, s4;
	[smem:$0x7F6] =	sst s15  }
0x2d: {  	s14 =	sshrl.u32 s2, $0x1;
	s18 =	sadd.s32 $0x280000, s4;
	[smem:$0x7F7] =	sst s16  }
0x2e: {  	s17 =	sshll.u32 s29, $0xE;
	s19 =	sadd.s32 $0x290000, s4;
	[smem:$0x7F8] =	sst s18  }
0x2f: {  	s20 =	sadd.s32 $0x2A0000, s4;
	s21 =	sadd.s32 $0x2B0000, s4;
	[smem:$0x7F9] =	sst s19  }
0x30: {  	s2 =	ssub.s32 s2, s14;
	s1 =	sadd.s32 s17, s1;
	[smem:$0x7FA] =	sst s20  }
0x31: {  	[smem:$0x7FB] =	sst s21;
	s22 =	sadd.s32 $0x2C0000, s4;
	s5 =	sadd.s32 $0x2D0000, s4  }
0x32: {  	s6 =	sadd.s32 $0x2E0000, s4;
	s7 =	sadd.s32 $0x2F0000, s4;
	s8 =	sadd.s32 $0x300000, s4  }
0x33: {  	s9 =	sadd.s32 $0x310000, s4;
	s10 =	sadd.s32 $0x320000, s4;
	s11 =	sadd.s32 $0x330000, s4  }
0x34: {  	s12 =	sadd.s32 $0x340000, s4;
	s13 =	sadd.s32 $0x350000, s4;
	s14 =	sadd.s32 $0x360000, s4  }
0x35: {  	s15 =	sadd.s32 $0x370000, s4;
	s16 =	sadd.s32 $0x380000, s4;
	s23 =	smax.u32 s2, $0x1  }
0x36: {  	s17 =	sadd.s32 $0x390000, s4;
	s18 =	sadd.s32 $0x3A0000, s4;
	p1 =	sne.s32 s23, $0x1  }
.Ltmp0:
0x37: {  	s19 =	sadd.s32 $0x3B0000, s4;
	s20 =	sadd.s32 $0x3C0000, s4;
	(pc) =	sbr.rel @!p1 .LBB2_5-.Ltmp0, $4  }
0x38: {  	s21 =	sadd.s32 $0x3D0000, s4;
	s26 =	sadd.s32 $0x800, s1;
	s25 =	sadd.s32 $0x1000, s1  }
0x39: {  	s24 =	sadd.s32 $0x2000, s1;
	[smem:$0x7FC] =	sst s22;
	s0 =	sadd.s32 $0xFFFFFFFF, s23  }
0x3a: {  	s22 =	sadd.s32 $0x3E0000, s4;
	s1 =	simm.s32 $0x2000;
	[smem:$0x7FD] =	sst s0  }
0x3b: {  	s2 =	simm.s32 $0x1;
	s23 =	sadd.s32 $0x3F0000, s4;
	s0 =	rddreg [dreg:$0x4]  }
0x3c: {  	[tilespmem:s3], [sflag:$0x2] =	stream.linear.gather [hbm4b:s0+s3], $0x800, $0x38;
	[tilespmem:$0x8000] =	vst v63  }
0x3d: {  	_ =	swait.ge [sflag:s28], $0x800  }
0x3e: {  	[sflag:s28] =	ssyncset.done $0x0  }
0x3f: {  	[sflag:s28] =	ssyncadd.s32 $0xFFFFF800  }
0x40: {  	[spmem:s26] =	stream.linear.scatter [tilespmem:s3], [sflag:$0x2], $0x800, $0x38;
	[tilespmem:$0x8000] =	vst v63  }
0x41: {  	_ =	swait.ge [sflag:s28], $0x800  }
0x42: {  	[sflag:s28] =	ssyncset.done $0x0  }
0x43: {  	[sflag:s28] =	ssyncadd.s32 $0xFFFFF800  }
0x44: {  	[tilespmem:s31], [sflag:$0x2] =	stream.linear.gather [spmem:s26], $0x800, $0x38;
	[tilespmem:$0x8000] =	vst v63  }
0x45: {  	_ =	swait.ge [sflag:s28], $0x800  }
0x46: {  	[sflag:s28] =	ssyncset.done $0x0  }
0x47: {  	[sflag:s28] =	ssyncadd.s32 $0xFFFFF800  }
0x48: {  	[spmem:s25] =	stream.linear.scatter [tilespmem:s3], [sflag:$0x2], $0x1000, $0x38;
	[tilespmem:$0x8000] =	vst v63  }
0x49: {  	_ =	swait.ge [sflag:s28], $0x1000  }
0x4a: {  	[sflag:s28] =	ssyncset.done $0x0  }
0x4b: {  	[sflag:s28] =	ssyncadd.s32 $0xFFFFF000  }
0x4c: {  	[tilespmem:s30], [sflag:$0x2] =	stream.linear.gather [spmem:s25], $0x1000, $0x38;
	[tilespmem:$0x8000] =	vst v63  }
0x4d: {  	_ =	swait.ge [sflag:s28], $0x1000  }
0x4e: {  	[sflag:s28] =	ssyncset.done $0x0  }
0x4f: {  	[sflag:s28] =	ssyncadd.s32 $0xFFFFF000  }
0x50: {  	[spmem:s24] =	stream.linear.scatter [tilespmem:s3], [sflag:$0x2], $0x2000, $0x38;
	[tilespmem:$0x8000] =	vst v63  }
0x51: {  	_ =	swait.ge [sflag:s28], $0x2000  }
0x52: {  	[sflag:s28] =	ssyncset.done $0x0  }
0x53: {  	[sflag:s28] =	ssyncadd.s32 $0xFFFFE000  }
0x54: {  	[tilespmem:s1], [sflag:$0x2] =	stream.linear.gather [spmem:s24], $0x2000, $0x38;
	[tilespmem:$0x8000] =	vst v63  }
0x55: {  	_ =	swait.ge [sflag:s28], $0x2000  }
0x56: {  	[sflag:s28] =	ssyncset.done $0x0  }
0x57: {  	s1 =	rddreg [dreg:$0x5];
	[sflag:s28] =	ssyncadd.s32 $0xFFFFE000  }
0x58: {  	[hbm4b:s4+s3] =	stream.linear.scatter [tilespmem:s3], [sflag:$0x1], $0x4000, $0x38;
	[tilespmem:$0x8000] =	vst v63  }
0x59: {  	s29 =	rddreg [dreg:$0x6]  }
0x5a: {  	[hbm4b:s1+s3] =	stream.linear.scatter [tilespmem:s3], [sflag:$0x1], $0x4000, $0x38;
	[tilespmem:$0x8000] =	vst v63  }
0x5b: {  	s0 =	rddreg [dreg:$0x7]  }
0x5c: {  	[hbm4b:s29+s3] =	stream.linear.scatter [tilespmem:s3], [sflag:$0x1], $0x4000, $0x38;
	[tilespmem:$0x8000] =	vst v63  }
0x5d: {  	s29 =	rddreg [dreg:$0x8]  }
0x5e: {  	[hbm4b:s0+s3] =	stream.linear.scatter [tilespmem:s3], [sflag:$0x1], $0x4000, $0x38;
	[tilespmem:$0x8000] =	vst v63  }
0x5f: {  	s0 =	rddreg [dreg:$0x9]  }
0x60: {  	[hbm4b:s29+s3] =	stream.linear.scatter [tilespmem:s3], [sflag:$0x1], $0x4000, $0x38;
	[tilespmem:$0x8000] =	vst v63  }
0x61: {  	s29 =	rddreg [dreg:$0xa]  }
0x62: {  	[hbm4b:s0+s3] =	stream.linear.scatter [tilespmem:s3], [sflag:$0x1], $0x4000, $0x38;
	[tilespmem:$0x8000] =	vst v63  }
0x63: {  	s0 =	rddreg [dreg:$0xb]  }
0x64: {  	[hbm4b:s29+s3] =	stream.linear.scatter [tilespmem:s3], [sflag:$0x1], $0x4000, $0x38;
	[tilespmem:$0x8000] =	vst v63  }
0x65: {  	s29 =	rddreg [dreg:$0xc]  }
0x66: {  	[hbm4b:s0+s3] =	stream.linear.scatter [tilespmem:s3], [sflag:$0x1], $0x4000, $0x38;
	[tilespmem:$0x8000] =	vst v63  }
0x67: {  	s0 =	rddreg [dreg:$0xd]  }
0x68: {  	[hbm4b:s29+s3] =	stream.linear.scatter [tilespmem:s3], [sflag:$0x1], $0x4000, $0x38;
	[tilespmem:$0x8000] =	vst v63  }
0x69: {  	s29 =	rddreg [dreg:$0xe]  }
0x6a: {  	[hbm4b:s0+s3] =	stream.linear.scatter [tilespmem:s3], [sflag:$0x1], $0x4000, $0x38;
	[tilespmem:$0x8000] =	vst v63  }
0x6b: {  	s0 =	rddreg [dreg:$0xf]  }
0x6c: {  	[hbm4b:s29+s3] =	stream.linear.scatter [tilespmem:s3], [sflag:$0x1], $0x4000, $0x38;
	[tilespmem:$0x8000] =	vst v63  }
0x6d: {  	s29 =	rddreg [dreg:$0x10]  }
0x6e: {  	[hbm4b:s0+s3] =	stream.linear.scatter [tilespmem:s3], [sflag:$0x1], $0x4000, $0x38;
	[tilespmem:$0x8000] =	vst v63  }
0x6f: {  	s0 =	rddreg [dreg:$0x11]  }
0x70: {  	[hbm4b:s29+s3] =	stream.linear.scatter [tilespmem:s3], [sflag:$0x1], $0x4000, $0x38;
	[tilespmem:$0x8000] =	vst v63  }
0x71: {  	s29 =	rddreg [dreg:$0x12]  }
0x72: {  	[hbm4b:s0+s3] =	stream.linear.scatter [tilespmem:s3], [sflag:$0x1], $0x4000, $0x38;
	[tilespmem:$0x8000] =	vst v63  }
0x73: {  	s0 =	rddreg [dreg:$0x13]  }
0x74: {  	[hbm4b:s29+s3] =	stream.linear.scatter [tilespmem:s3], [sflag:$0x1], $0x4000, $0x38;
	[tilespmem:$0x8000] =	vst v63  }
0x75: {  	s29 =	rddreg [dreg:$0x14]  }
0x76: {  	[hbm4b:s0+s3] =	stream.linear.scatter [tilespmem:s3], [sflag:$0x1], $0x4000, $0x38;
	[tilespmem:$0x8000] =	vst v63  }
0x77: {  	s0 =	rddreg [dreg:$0x15]  }
0x78: {  	[hbm4b:s29+s3] =	stream.linear.scatter [tilespmem:s3], [sflag:$0x1], $0x4000, $0x38;
	[tilespmem:$0x8000] =	vst v63  }
0x79: {  	s29 =	rddreg [dreg:$0x16]  }
0x7a: {  	[hbm4b:s0+s3] =	stream.linear.scatter [tilespmem:s3], [sflag:$0x1], $0x4000, $0x38;
	[tilespmem:$0x8000] =	vst v63  }
0x7b: {  	s0 =	rddreg [dreg:$0x17]  }
0x7c: {  	[hbm4b:s29+s3] =	stream.linear.scatter [tilespmem:s3], [sflag:$0x1], $0x4000, $0x38;
	[tilespmem:$0x8000] =	vst v63  }
0x7d: {  	s29 =	rddreg [dreg:$0x18]  }
0x7e: {  	[hbm4b:s0+s3] =	stream.linear.scatter [tilespmem:s3], [sflag:$0x1], $0x4000, $0x38;
	[tilespmem:$0x8000] =	vst v63  }
0x7f: {  	s0 =	rddreg [dreg:$0x19]  }
0x80: {  	[hbm4b:s29+s3] =	stream.linear.scatter [tilespmem:s3], [sflag:$0x1], $0x4000, $0x38;
	[tilespmem:$0x8000] =	vst v63  }
0x81: {  	s29 =	rddreg [dreg:$0x1a]  }
0x82: {  	[hbm4b:s0+s3] =	stream.linear.scatter [tilespmem:s3], [sflag:$0x1], $0x4000, $0x38;
	[tilespmem:$0x8000] =	vst v63  }
0x83: {  	s0 =	rddreg [dreg:$0x1b]  }
0x84: {  	[hbm4b:s29+s3] =	stream.linear.scatter [tilespmem:s3], [sflag:$0x1], $0x4000, $0x38;
	[tilespmem:$0x8000] =	vst v63  }
0x85: {  	s29 =	rddreg [dreg:$0x1c]  }
0x86: {  	[hbm4b:s0+s3] =	stream.linear.scatter [tilespmem:s3], [sflag:$0x1], $0x4000, $0x38;
	[tilespmem:$0x8000] =	vst v63  }
0x87: {  	s0 =	rddreg [dreg:$0x1d]  }
0x88: {  	[hbm4b:s29+s3] =	stream.linear.scatter [tilespmem:s3], [sflag:$0x1], $0x4000, $0x38;
	[tilespmem:$0x8000] =	vst v63  }
0x89: {  	s29 =	rddreg [dreg:$0x1e]  }
0x8a: {  	[hbm4b:s0+s3] =	stream.linear.scatter [tilespmem:s3], [sflag:$0x1], $0x4000, $0x38;
	[tilespmem:$0x8000] =	vst v63  }
0x8b: {  	s0 =	rddreg [dreg:$0x1f]  }
0x8c: {  	[hbm4b:s29+s3] =	stream.linear.scatter [tilespmem:s3], [sflag:$0x1], $0x4000, $0x38;
	[tilespmem:$0x8000] =	vst v63  }
0x8d: {  	s29 =	sld [smem:$0x7EC]  }
0x8e: {  	[hbm4b:s0+s3] =	stream.linear.scatter [tilespmem:s3], [sflag:$0x1], $0x4000, $0x38;
	[tilespmem:$0x8000] =	vst v63  }
0x8f: {  	s0 =	sld [smem:$0x7ED]  }
0x90: {  	[hbm4b:s29+s3] =	stream.linear.scatter [tilespmem:s3], [sflag:$0x1], $0x4000, $0x38;
	[tilespmem:$0x8000] =	vst v63  }
0x91: {  	s29 =	sld [smem:$0x7EE]  }
0x92: {  	[hbm4b:s0+s3] =	stream.linear.scatter [tilespmem:s3], [sflag:$0x1], $0x4000, $0x38;
	[tilespmem:$0x8000] =	vst v63  }
0x93: {  	s0 =	sld [smem:$0x7EF]  }
0x94: {  	[hbm4b:s29+s3] =	stream.linear.scatter [tilespmem:s3], [sflag:$0x1], $0x4000, $0x38;
	[tilespmem:$0x8000] =	vst v63  }
0x95: {  	s29 =	sld [smem:$0x7F0]  }
0x96: {  	[hbm4b:s0+s3] =	stream.linear.scatter [tilespmem:s3], [sflag:$0x1], $0x4000, $0x38;
	[tilespmem:$0x8000] =	vst v63  }
0x97: {  	s0 =	sld [smem:$0x7F1]  }
0x98: {  	[hbm4b:s29+s3] =	stream.linear.scatter [tilespmem:s3], [sflag:$0x1], $0x4000, $0x38;
	[tilespmem:$0x8000] =	vst v63  }
0x99: {  	s29 =	sld [smem:$0x7F2]  }
0x9a: {  	[hbm4b:s0+s3] =	stream.linear.scatter [tilespmem:s3], [sflag:$0x1], $0x4000, $0x38;
	[tilespmem:$0x8000] =	vst v63  }
0x9b: {  	s0 =	sld [smem:$0x7F3]  }
0x9c: {  	[hbm4b:s29+s3] =	stream.linear.scatter [tilespmem:s3], [sflag:$0x1], $0x4000, $0x38;
	[tilespmem:$0x8000] =	vst v63  }
0x9d: {  	s29 =	sld [smem:$0x7F4]  }
0x9e: {  	[hbm4b:s0+s3] =	stream.linear.scatter [tilespmem:s3], [sflag:$0x1], $0x4000, $0x38;
	[tilespmem:$0x8000] =	vst v63  }
0x9f: {  	s0 =	sld [smem:$0x7F5]  }
0xa0: {  	[hbm4b:s29+s3] =	stream.linear.scatter [tilespmem:s3], [sflag:$0x1], $0x4000, $0x38;
	[tilespmem:$0x8000] =	vst v63  }
0xa1: {  	s29 =	sld [smem:$0x7F6]  }
0xa2: {  	[hbm4b:s0+s3] =	stream.linear.scatter [tilespmem:s3], [sflag:$0x1], $0x4000, $0x38;
	[tilespmem:$0x8000] =	vst v63  }
0xa3: {  	s0 =	sld [smem:$0x7F7]  }
0xa4: {  	[hbm4b:s29+s3] =	stream.linear.scatter [tilespmem:s3], [sflag:$0x1], $0x4000, $0x38;
	[tilespmem:$0x8000] =	vst v63  }
0xa5: {  	s29 =	sld [smem:$0x7F8]  }
0xa6: {  	[hbm4b:s0+s3] =	stream.linear.scatter [tilespmem:s3], [sflag:$0x1], $0x4000, $0x38;
	[tilespmem:$0x8000] =	vst v63  }
0xa7: {  	s0 =	sld [smem:$0x7F9]  }
0xa8: {  	[hbm4b:s29+s3] =	stream.linear.scatter [tilespmem:s3], [sflag:$0x1], $0x4000, $0x38;
	[tilespmem:$0x8000] =	vst v63  }
0xa9: {  	s29 =	sld [smem:$0x7FA]  }
0xaa: {  	[hbm4b:s0+s3] =	stream.linear.scatter [tilespmem:s3], [sflag:$0x1], $0x4000, $0x38;
	[tilespmem:$0x8000] =	vst v63  }
0xab: {  	s0 =	sld [smem:$0x7FB]  }
0xac: {  	[hbm4b:s29+s3] =	stream.linear.scatter [tilespmem:s3], [sflag:$0x1], $0x4000, $0x38;
	[tilespmem:$0x8000] =	vst v63  }
0xad: {  	s29 =	sld [smem:$0x7FC]  }
0xae: {  	[hbm4b:s0+s3] =	stream.linear.scatter [tilespmem:s3], [sflag:$0x1], $0x4000, $0x38;
	[tilespmem:$0x8000] =	vst v63  }
0xaf: {  	_ = 	snop  }
0xb0: {  	[hbm4b:s29+s3] =	stream.linear.scatter [tilespmem:s3], [sflag:$0x1], $0x4000, $0x38;
	[tilespmem:$0x8000] =	vst v63  }
0xb1: {  	_ = 	snop  }
0xb2: {  	[hbm4b:s5+s3] =	stream.linear.scatter [tilespmem:s3], [sflag:$0x1], $0x4000, $0x38;
	[tilespmem:$0x8000] =	vst v63  }
0xb3: {  	_ = 	snop  }
0xb4: {  	[hbm4b:s6+s3] =	stream.linear.scatter [tilespmem:s3], [sflag:$0x1], $0x4000, $0x38;
	[tilespmem:$0x8000] =	vst v63  }
0xb5: {  	_ = 	snop  }
0xb6: {  	[hbm4b:s7+s3] =	stream.linear.scatter [tilespmem:s3], [sflag:$0x1], $0x4000, $0x38;
	[tilespmem:$0x8000] =	vst v63  }
0xb7: {  	_ = 	snop  }
0xb8: {  	[hbm4b:s8+s3] =	stream.linear.scatter [tilespmem:s3], [sflag:$0x1], $0x4000, $0x38;
	[tilespmem:$0x8000] =	vst v63  }
0xb9: {  	_ = 	snop  }
0xba: {  	[hbm4b:s9+s3] =	stream.linear.scatter [tilespmem:s3], [sflag:$0x1], $0x4000, $0x38;
	[tilespmem:$0x8000] =	vst v63  }
0xbb: {  	_ = 	snop  }
0xbc: {  	[hbm4b:s10+s3] =	stream.linear.scatter [tilespmem:s3], [sflag:$0x1], $0x4000, $0x38;
	[tilespmem:$0x8000] =	vst v63  }
0xbd: {  	_ = 	snop  }
0xbe: {  	[hbm4b:s11+s3] =	stream.linear.scatter [tilespmem:s3], [sflag:$0x1], $0x4000, $0x38;
	[tilespmem:$0x8000] =	vst v63  }
0xbf: {  	_ = 	snop  }
0xc0: {  	[hbm4b:s12+s3] =	stream.linear.scatter [tilespmem:s3], [sflag:$0x1], $0x4000, $0x38;
	[tilespmem:$0x8000] =	vst v63  }
0xc1: {  	_ = 	snop  }
0xc2: {  	[hbm4b:s13+s3] =	stream.linear.scatter [tilespmem:s3], [sflag:$0x1], $0x4000, $0x38;
	[tilespmem:$0x8000] =	vst v63  }
0xc3: {  	_ = 	snop  }
0xc4: {  	[hbm4b:s14+s3] =	stream.linear.scatter [tilespmem:s3], [sflag:$0x1], $0x4000, $0x38;
	[tilespmem:$0x8000] =	vst v63  }
0xc5: {  	_ = 	snop  }
0xc6: {  	[hbm4b:s15+s3] =	stream.linear.scatter [tilespmem:s3], [sflag:$0x1], $0x4000, $0x38;
	[tilespmem:$0x8000] =	vst v63  }
0xc7: {  	_ = 	snop  }
0xc8: {  	[hbm4b:s16+s3] =	stream.linear.scatter [tilespmem:s3], [sflag:$0x1], $0x4000, $0x38;
	[tilespmem:$0x8000] =	vst v63  }
0xc9: {  	_ = 	snop  }
0xca: {  	[hbm4b:s17+s3] =	stream.linear.scatter [tilespmem:s3], [sflag:$0x1], $0x4000, $0x38;
	[tilespmem:$0x8000] =	vst v63  }
0xcb: {  	_ = 	snop  }
0xcc: {  	[hbm4b:s18+s3] =	stream.linear.scatter [tilespmem:s3], [sflag:$0x1], $0x4000, $0x38;
	[tilespmem:$0x8000] =	vst v63  }
0xcd: {  	_ = 	snop  }
0xce: {  	[hbm4b:s19+s3] =	stream.linear.scatter [tilespmem:s3], [sflag:$0x1], $0x4000, $0x38;
	[tilespmem:$0x8000] =	vst v63  }
0xcf: {  	_ = 	snop  }
0xd0: {  	[hbm4b:s20+s3] =	stream.linear.scatter [tilespmem:s3], [sflag:$0x1], $0x4000, $0x38;
	[tilespmem:$0x8000] =	vst v63  }
0xd1: {  	_ = 	snop  }
0xd2: {  	[hbm4b:s21+s3] =	stream.linear.scatter [tilespmem:s3], [sflag:$0x1], $0x4000, $0x38;
	[tilespmem:$0x8000] =	vst v63  }
0xd3: {  	_ = 	snop  }
0xd4: {  	[hbm4b:s22+s3] =	stream.linear.scatter [tilespmem:s3], [sflag:$0x1], $0x4000, $0x38;
	[tilespmem:$0x8000] =	vst v63  }
0xd5: {  	_ = 	snop  }
0xd6: {  	[hbm4b:s23+s3] =	stream.linear.scatter [tilespmem:s3], [sflag:$0x1], $0x4000, $0x38;
	[tilespmem:$0x8000] =	vst v63  }
0xd7: {  	_ =	swait.ge [sflag:s2], $0x4000  }
0xd8: {  	[sflag:s2] =	ssyncset.done $0x0  }
0xd9: {  	[sflag:s2] =	ssyncadd.s32 $0xFFFFC000  }
0xda: {  	_ =	swait.ge [sflag:s2], $0x4000  }
0xdb: {  	[sflag:s2] =	ssyncset.done $0x0  }
0xdc: {  	[sflag:s2] =	ssyncadd.s32 $0xFFFFC000  }
0xdd: {  	_ =	swait.ge [sflag:s2], $0x4000  }
0xde: {  	[sflag:s2] =	ssyncset.done $0x0  }
0xdf: {  	[sflag:s2] =	ssyncadd.s32 $0xFFFFC000  }
0xe0: {  	_ =	swait.ge [sflag:s2], $0x4000  }
0xe1: {  	[sflag:s2] =	ssyncset.done $0x0  }
0xe2: {  	[sflag:s2] =	ssyncadd.s32 $0xFFFFC000  }
0xe3: {  	_ =	swait.ge [sflag:s2], $0x4000  }
0xe4: {  	[sflag:s2] =	ssyncset.done $0x0  }
0xe5: {  	[sflag:s2] =	ssyncadd.s32 $0xFFFFC000  }
0xe6: {  	_ =	swait.ge [sflag:s2], $0x4000  }
0xe7: {  	[sflag:s2] =	ssyncset.done $0x0  }
0xe8: {  	[sflag:s2] =	ssyncadd.s32 $0xFFFFC000  }
0xe9: {  	_ =	swait.ge [sflag:s2], $0x4000  }
0xea: {  	[sflag:s2] =	ssyncset.done $0x0  }
0xeb: {  	[sflag:s2] =	ssyncadd.s32 $0xFFFFC000  }
0xec: {  	_ =	swait.ge [sflag:s2], $0x4000  }
0xed: {  	[sflag:s2] =	ssyncset.done $0x0  }
0xee: {  	[sflag:s2] =	ssyncadd.s32 $0xFFFFC000  }
0xef: {  	_ =	swait.ge [sflag:s2], $0x4000  }
0xf0: {  	[sflag:s2] =	ssyncset.done $0x0  }
0xf1: {  	[sflag:s2] =	ssyncadd.s32 $0xFFFFC000  }
0xf2: {  	_ =	swait.ge [sflag:s2], $0x4000  }
0xf3: {  	[sflag:s2] =	ssyncset.done $0x0  }
0xf4: {  	[sflag:s2] =	ssyncadd.s32 $0xFFFFC000  }
0xf5: {  	_ =	swait.ge [sflag:s2], $0x4000  }
0xf6: {  	[sflag:s2] =	ssyncset.done $0x0  }
0xf7: {  	[sflag:s2] =	ssyncadd.s32 $0xFFFFC000  }
0xf8: {  	_ =	swait.ge [sflag:s2], $0x4000  }
0xf9: {  	[sflag:s2] =	ssyncset.done $0x0  }
0xfa: {  	[sflag:s2] =	ssyncadd.s32 $0xFFFFC000  }
0xfb: {  	_ =	swait.ge [sflag:s2], $0x4000  }
0xfc: {  	[sflag:s2] =	ssyncset.done $0x0  }
0xfd: {  	[sflag:s2] =	ssyncadd.s32 $0xFFFFC000  }
0xfe: {  	_ =	swait.ge [sflag:s2], $0x4000  }
0xff: {  	[sflag:s2] =	ssyncset.done $0x0  }
0x100: {  	[sflag:s2] =	ssyncadd.s32 $0xFFFFC000  }
0x101: {  	_ =	swait.ge [sflag:s2], $0x4000  }
0x102: {  	[sflag:s2] =	ssyncset.done $0x0  }
0x103: {  	[sflag:s2] =	ssyncadd.s32 $0xFFFFC000  }
0x104: {  	_ =	swait.ge [sflag:s2], $0x4000  }
0x105: {  	[sflag:s2] =	ssyncset.done $0x0  }
0x106: {  	[sflag:s2] =	ssyncadd.s32 $0xFFFFC000  }
0x107: {  	_ =	swait.ge [sflag:s2], $0x4000  }
0x108: {  	[sflag:s2] =	ssyncset.done $0x0  }
0x109: {  	[sflag:s2] =	ssyncadd.s32 $0xFFFFC000  }
0x10a: {  	_ =	swait.ge [sflag:s2], $0x4000  }
0x10b: {  	[sflag:s2] =	ssyncset.done $0x0  }
0x10c: {  	[sflag:s2] =	ssyncadd.s32 $0xFFFFC000  }
0x10d: {  	_ =	swait.ge [sflag:s2], $0x4000  }
0x10e: {  	[sflag:s2] =	ssyncset.done $0x0  }
0x10f: {  	[sflag:s2] =	ssyncadd.s32 $0xFFFFC000  }
0x110: {  	_ =	swait.ge [sflag:s2], $0x4000  }
0x111: {  	[sflag:s2] =	ssyncset.done $0x0  }
0x112: {  	[sflag:s2] =	ssyncadd.s32 $0xFFFFC000  }
0x113: {  	_ =	swait.ge [sflag:s2], $0x4000  }
0x114: {  	[sflag:s2] =	ssyncset.done $0x0  }
0x115: {  	[sflag:s2] =	ssyncadd.s32 $0xFFFFC000  }
0x116: {  	_ =	swait.ge [sflag:s2], $0x4000  }
0x117: {  	[sflag:s2] =	ssyncset.done $0x0  }
0x118: {  	[sflag:s2] =	ssyncadd.s32 $0xFFFFC000  }
0x119: {  	_ =	swait.ge [sflag:s2], $0x4000  }
0x11a: {  	[sflag:s2] =	ssyncset.done $0x0  }
0x11b: {  	[sflag:s2] =	ssyncadd.s32 $0xFFFFC000  }
0x11c: {  	_ =	swait.ge [sflag:s2], $0x4000  }
0x11d: {  	[sflag:s2] =	ssyncset.done $0x0  }
0x11e: {  	[sflag:s2] =	ssyncadd.s32 $0xFFFFC000  }
0x11f: {  	_ =	swait.ge [sflag:s2], $0x4000  }
0x120: {  	[sflag:s2] =	ssyncset.done $0x0  }
0x121: {  	[sflag:s2] =	ssyncadd.s32 $0xFFFFC000  }
0x122: {  	_ =	swait.ge [sflag:s2], $0x4000  }
0x123: {  	[sflag:s2] =	ssyncset.done $0x0  }
0x124: {  	[sflag:s2] =	ssyncadd.s32 $0xFFFFC000  }
0x125: {  	_ =	swait.ge [sflag:s2], $0x4000  }
0x126: {  	[sflag:s2] =	ssyncset.done $0x0  }
0x127: {  	[sflag:s2] =	ssyncadd.s32 $0xFFFFC000  }
0x128: {  	_ =	swait.ge [sflag:s2], $0x4000  }
0x129: {  	[sflag:s2] =	ssyncset.done $0x0  }
0x12a: {  	[sflag:s2] =	ssyncadd.s32 $0xFFFFC000  }
0x12b: {  	_ =	swait.ge [sflag:s2], $0x4000  }
0x12c: {  	[sflag:s2] =	ssyncset.done $0x0  }
0x12d: {  	[sflag:s2] =	ssyncadd.s32 $0xFFFFC000  }
0x12e: {  	_ =	swait.ge [sflag:s2], $0x4000  }
0x12f: {  	[sflag:s2] =	ssyncset.done $0x0  }
0x130: {  	[sflag:s2] =	ssyncadd.s32 $0xFFFFC000  }
0x131: {  	_ =	swait.ge [sflag:s2], $0x4000  }
0x132: {  	[sflag:s2] =	ssyncset.done $0x0  }
0x133: {  	[sflag:s2] =	ssyncadd.s32 $0xFFFFC000  }
0x134: {  	_ =	swait.ge [sflag:s2], $0x4000  }
0x135: {  	[sflag:s2] =	ssyncset.done $0x0  }
0x136: {  	[sflag:s2] =	ssyncadd.s32 $0xFFFFC000  }
0x137: {  	_ =	swait.ge [sflag:s2], $0x4000  }
0x138: {  	[sflag:s2] =	ssyncset.done $0x0  }
0x139: {  	[sflag:s2] =	ssyncadd.s32 $0xFFFFC000  }
0x13a: {  	_ =	swait.ge [sflag:s2], $0x4000  }
0x13b: {  	[sflag:s2] =	ssyncset.done $0x0  }
0x13c: {  	[sflag:s2] =	ssyncadd.s32 $0xFFFFC000  }
0x13d: {  	_ =	swait.ge [sflag:s2], $0x4000  }
0x13e: {  	[sflag:s2] =	ssyncset.done $0x0  }
0x13f: {  	[sflag:s2] =	ssyncadd.s32 $0xFFFFC000  }
0x140: {  	_ =	swait.ge [sflag:s2], $0x4000  }
0x141: {  	[sflag:s2] =	ssyncset.done $0x0  }
0x142: {  	[sflag:s2] =	ssyncadd.s32 $0xFFFFC000  }
0x143: {  	_ =	swait.ge [sflag:s2], $0x4000  }
0x144: {  	[sflag:s2] =	ssyncset.done $0x0  }
0x145: {  	[sflag:s2] =	ssyncadd.s32 $0xFFFFC000  }
0x146: {  	_ =	swait.ge [sflag:s2], $0x4000  }
0x147: {  	[sflag:s2] =	ssyncset.done $0x0  }
0x148: {  	[sflag:s2] =	ssyncadd.s32 $0xFFFFC000  }
0x149: {  	_ =	swait.ge [sflag:s2], $0x4000  }
0x14a: {  	[sflag:s2] =	ssyncset.done $0x0  }
0x14b: {  	[sflag:s2] =	ssyncadd.s32 $0xFFFFC000  }
0x14c: {  	_ =	swait.ge [sflag:s2], $0x4000  }
0x14d: {  	[sflag:s2] =	ssyncset.done $0x0  }
0x14e: {  	[sflag:s2] =	ssyncadd.s32 $0xFFFFC000  }
0x14f: {  	_ =	swait.ge [sflag:s2], $0x4000  }
0x150: {  	[sflag:s2] =	ssyncset.done $0x0  }
0x151: {  	[sflag:s2] =	ssyncadd.s32 $0xFFFFC000  }
0x152: {  	_ =	swait.ge [sflag:s2], $0x4000  }
0x153: {  	[sflag:s2] =	ssyncset.done $0x0  }
0x154: {  	[sflag:s2] =	ssyncadd.s32 $0xFFFFC000  }
0x155: {  	_ =	swait.ge [sflag:s2], $0x4000  }
0x156: {  	[sflag:s2] =	ssyncset.done $0x0  }
0x157: {  	[sflag:s2] =	ssyncadd.s32 $0xFFFFC000  }
0x158: {  	_ =	swait.ge [sflag:s2], $0x4000  }
0x159: {  	[sflag:s2] =	ssyncset.done $0x0  }
0x15a: {  	[sflag:s2] =	ssyncadd.s32 $0xFFFFC000  }
0x15b: {  	_ =	swait.ge [sflag:s2], $0x4000  }
0x15c: {  	[sflag:s2] =	ssyncset.done $0x0  }
0x15d: {  	[sflag:s2] =	ssyncadd.s32 $0xFFFFC000  }
0x15e: {  	_ =	swait.ge [sflag:s2], $0x4000  }
0x15f: {  	[sflag:s2] =	ssyncset.done $0x0  }
0x160: {  	[sflag:s2] =	ssyncadd.s32 $0xFFFFC000  }
0x161: {  	_ =	swait.ge [sflag:s2], $0x4000  }
0x162: {  	[sflag:s2] =	ssyncset.done $0x0  }
0x163: {  	[sflag:s2] =	ssyncadd.s32 $0xFFFFC000  }
0x164: {  	_ =	swait.ge [sflag:s2], $0x4000  }
0x165: {  	[sflag:s2] =	ssyncset.done $0x0  }
0x166: {  	[sflag:s2] =	ssyncadd.s32 $0xFFFFC000  }
0x167: {  	_ =	swait.ge [sflag:s2], $0x4000  }
0x168: {  	[sflag:s2] =	ssyncset.done $0x0  }
0x169: {  	[sflag:s2] =	ssyncadd.s32 $0xFFFFC000  }
0x16a: {  	_ =	swait.ge [sflag:s2], $0x4000  }
0x16b: {  	[sflag:s2] =	ssyncset.done $0x0  }
0x16c: {  	[sflag:s2] =	ssyncadd.s32 $0xFFFFC000  }
0x16d: {  	_ =	swait.ge [sflag:s2], $0x4000  }
0x16e: {  	[sflag:s2] =	ssyncset.done $0x0  }
0x16f: {  	[sflag:s2] =	ssyncadd.s32 $0xFFFFC000  }
0x170: {  	_ =	swait.ge [sflag:s2], $0x4000  }
0x171: {  	[sflag:s2] =	ssyncset.done $0x0  }
0x172: {  	[sflag:s2] =	ssyncadd.s32 $0xFFFFC000  }
0x173: {  	_ =	swait.ge [sflag:s2], $0x4000  }
0x174: {  	[sflag:s2] =	ssyncset.done $0x0  }
0x175: {  	[sflag:s2] =	ssyncadd.s32 $0xFFFFC000  }
0x176: {  	_ =	swait.ge [sflag:s2], $0x4000  }
0x177: {  	[sflag:s2] =	ssyncset.done $0x0  }
0x178: {  	[sflag:s2] =	ssyncadd.s32 $0xFFFFC000  }
0x179: {  	_ =	swait.ge [sflag:s2], $0x4000  }
0x17a: {  	[sflag:s2] =	ssyncset.done $0x0  }
0x17b: {  	[sflag:s2] =	ssyncadd.s32 $0xFFFFC000  }
0x17c: {  	_ =	swait.ge [sflag:s2], $0x4000  }
0x17d: {  	[sflag:s2] =	ssyncset.done $0x0  }
0x17e: {  	[sflag:s2] =	ssyncadd.s32 $0xFFFFC000  }
0x17f: {  	_ =	swait.ge [sflag:s2], $0x4000  }
0x180: {  	[sflag:s2] =	ssyncset.done $0x0  }
0x181: {  	[sflag:s2] =	ssyncadd.s32 $0xFFFFC000  }
0x182: {  	_ =	swait.ge [sflag:s2], $0x4000  }
0x183: {  	[sflag:s2] =	ssyncset.done $0x0  }
0x184: {  	[sflag:s2] =	ssyncadd.s32 $0xFFFFC000  }
0x185: {  	_ =	swait.ge [sflag:s2], $0x4000  }
0x186: {  	[sflag:s2] =	ssyncset.done $0x0  }
0x187: {  	[sflag:s2] =	ssyncadd.s32 $0xFFFFC000  }
0x188: {  	_ =	swait.ge [sflag:s2], $0x4000  }
0x189: {  	[sflag:s2] =	ssyncset.done $0x0  }
0x18a: {  	[sflag:s2] =	ssyncadd.s32 $0xFFFFC000  }
0x18b: {  	_ =	swait.ge [sflag:s2], $0x4000  }
0x18c: {  	[sflag:s2] =	ssyncset.done $0x0  }
0x18d: {  	[sflag:s2] =	ssyncadd.s32 $0xFFFFC000  }
0x18e: {  	_ =	swait.ge [sflag:s2], $0x4000  }
0x18f: {  	[sflag:s2] =	ssyncset.done $0x0  }
0x190: {  	[sflag:s2] =	ssyncadd.s32 $0xFFFFC000  }
0x191: {  	_ =	swait.ge [sflag:s2], $0x4000  }
0x192: {  	s29 =	sld [smem:$0x7FD];
	_ =	sdelay $0x2  }
0x193: {  	p1 =	sne.s32 s29, $0x1  }
.Ltmp1:
0x194: {  	_ = 	snop;
	(pc) =	sbr.rel @!p1 .LBB2_2-.Ltmp1, $4  }
0x195: {  	[sflag:s2] =	ssyncset.done $0x0  }
0x196: {  	p0 =	por $0x1, $0x1;
	[sflag:s2] =	ssyncadd.s32 $0xFFFFC000  }
0x197: {  	s31 =	simm.s32 $0x800;
	s30 =	simm.s32 $0x2000;
	_ =	swait.ge [sflag:s2], $0x4000  }
0x198: {  	s1 =	sadd.s32 $0xFFFFFFFF, s29;
	s0 =	rddreg [dreg:$0x4];
	[sflag:s2] =	ssyncset.done $0x0  }
.LBB2_3:
0x199: {  	[sflag:s2] =	ssyncadd.s32 $0xFFFFC000  }
0x19a: {  	[tilespmem:s3], [sflag:$0x2] =	stream.linear.gather [hbm4b:s0+s3], $0x800, $0x38;
	[tilespmem:$0x8000] =	vst v63  }
0x19b: {  	_ =	swait.ge [sflag:s28], $0x800  }
0x19c: {  	[sflag:s28] =	ssyncset.done $0x0  }
0x19d: {  	[sflag:s28] =	ssyncadd.s32 $0xFFFFF800  }
0x19e: {  	[spmem:s26] =	stream.linear.scatter [tilespmem:s3], [sflag:$0x2], $0x800, $0x38;
	[tilespmem:$0x8000] =	vst v63  }
0x19f: {  	_ =	swait.ge [sflag:s28], $0x800  }
0x1a0: {  	[sflag:s28] =	ssyncset.done $0x0  }
0x1a1: {  	[sflag:s28] =	ssyncadd.s32 $0xFFFFF800  }
0x1a2: {  	[tilespmem:s31], [sflag:$0x2] =	stream.linear.gather [spmem:s26], $0x800, $0x38;
	[tilespmem:$0x8000] =	vst v63  }
0x1a3: {  	_ =	swait.ge [sflag:s28], $0x800  }
0x1a4: {  	[sflag:s28] =	ssyncset.done $0x0  }
0x1a5: {  	[sflag:s28] =	ssyncadd.s32 $0xFFFFF800  }
0x1a6: {  	[spmem:s25] =	stream.linear.scatter [tilespmem:s3], [sflag:$0x2], $0x1000, $0x38;
	[tilespmem:$0x8000] =	vst v63  }
0x1a7: {  	_ =	swait.ge [sflag:s28], $0x1000  }
0x1a8: {  	[sflag:s28] =	ssyncset.done $0x0  }
0x1a9: {  	s29 =	simm.s32 $0x1000;
	[sflag:s28] =	ssyncadd.s32 $0xFFFFF000  }
0x1aa: {  	[tilespmem:s29], [sflag:$0x2] =	stream.linear.gather [spmem:s25], $0x1000, $0x38;
	[tilespmem:$0x8000] =	vst v63  }
0x1ab: {  	_ =	swait.ge [sflag:s28], $0x1000  }
0x1ac: {  	[sflag:s28] =	ssyncset.done $0x0  }
0x1ad: {  	[sflag:s28] =	ssyncadd.s32 $0xFFFFF000  }
0x1ae: {  	[spmem:s24] =	stream.linear.scatter [tilespmem:s3], [sflag:$0x2], $0x2000, $0x38;
	[tilespmem:$0x8000] =	vst v63  }
0x1af: {  	_ =	swait.ge [sflag:s28], $0x2000  }
0x1b0: {  	[sflag:s28] =	ssyncset.done $0x0  }
0x1b1: {  	[sflag:s28] =	ssyncadd.s32 $0xFFFFE000  }
0x1b2: {  	[tilespmem:s30], [sflag:$0x2] =	stream.linear.gather [spmem:s24], $0x2000, $0x38;
	[tilespmem:$0x8000] =	vst v63  }
0x1b3: {  	_ =	swait.ge [sflag:s28], $0x2000  }
0x1b4: {  	[sflag:s28] =	ssyncset.done $0x0  }
0x1b5: {  	s0 =	rddreg [dreg:$0x5];
	[sflag:s28] =	ssyncadd.s32 $0xFFFFE000  }
0x1b6: {  	[hbm4b:s4+s3] =	stream.linear.scatter [tilespmem:s3], [sflag:$0x1], $0x4000, $0x38;
	[tilespmem:$0x8000] =	vst v63  }
0x1b7: {  	s29 =	rddreg [dreg:$0x6]  }
0x1b8: {  	[hbm4b:s0+s3] =	stream.linear.scatter [tilespmem:s3], [sflag:$0x1], $0x4000, $0x38;
	[tilespmem:$0x8000] =	vst v63  }
0x1b9: {  	s0 =	rddreg [dreg:$0x7]  }
0x1ba: {  	[hbm4b:s29+s3] =	stream.linear.scatter [tilespmem:s3], [sflag:$0x1], $0x4000, $0x38;
	[tilespmem:$0x8000] =	vst v63  }
0x1bb: {  	s29 =	rddreg [dreg:$0x8]  }
0x1bc: {  	[hbm4b:s0+s3] =	stream.linear.scatter [tilespmem:s3], [sflag:$0x1], $0x4000, $0x38;
	[tilespmem:$0x8000] =	vst v63  }
0x1bd: {  	s0 =	rddreg [dreg:$0x9]  }
0x1be: {  	[hbm4b:s29+s3] =	stream.linear.scatter [tilespmem:s3], [sflag:$0x1], $0x4000, $0x38;
	[tilespmem:$0x8000] =	vst v63  }
0x1bf: {  	s29 =	rddreg [dreg:$0xa]  }
0x1c0: {  	[hbm4b:s0+s3] =	stream.linear.scatter [tilespmem:s3], [sflag:$0x1], $0x4000, $0x38;
	[tilespmem:$0x8000] =	vst v63  }
0x1c1: {  	s0 =	rddreg [dreg:$0xb]  }
0x1c2: {  	[hbm4b:s29+s3] =	stream.linear.scatter [tilespmem:s3], [sflag:$0x1], $0x4000, $0x38;
	[tilespmem:$0x8000] =	vst v63  }
0x1c3: {  	s29 =	rddreg [dreg:$0xc]  }
0x1c4: {  	[hbm4b:s0+s3] =	stream.linear.scatter [tilespmem:s3], [sflag:$0x1], $0x4000, $0x38;
	[tilespmem:$0x8000] =	vst v63  }
0x1c5: {  	s0 =	rddreg [dreg:$0xd]  }
0x1c6: {  	[hbm4b:s29+s3] =	stream.linear.scatter [tilespmem:s3], [sflag:$0x1], $0x4000, $0x38;
	[tilespmem:$0x8000] =	vst v63  }
0x1c7: {  	s29 =	rddreg [dreg:$0xe]  }
0x1c8: {  	[hbm4b:s0+s3] =	stream.linear.scatter [tilespmem:s3], [sflag:$0x1], $0x4000, $0x38;
	[tilespmem:$0x8000] =	vst v63  }
0x1c9: {  	s0 =	rddreg [dreg:$0xf]  }
0x1ca: {  	[hbm4b:s29+s3] =	stream.linear.scatter [tilespmem:s3], [sflag:$0x1], $0x4000, $0x38;
	[tilespmem:$0x8000] =	vst v63  }
0x1cb: {  	s29 =	rddreg [dreg:$0x10]  }
0x1cc: {  	[hbm4b:s0+s3] =	stream.linear.scatter [tilespmem:s3], [sflag:$0x1], $0x4000, $0x38;
	[tilespmem:$0x8000] =	vst v63  }
0x1cd: {  	s0 =	rddreg [dreg:$0x11]  }
0x1ce: {  	[hbm4b:s29+s3] =	stream.linear.scatter [tilespmem:s3], [sflag:$0x1], $0x4000, $0x38;
	[tilespmem:$0x8000] =	vst v63  }
0x1cf: {  	s29 =	rddreg [dreg:$0x12]  }
0x1d0: {  	[hbm4b:s0+s3] =	stream.linear.scatter [tilespmem:s3], [sflag:$0x1], $0x4000, $0x38;
	[tilespmem:$0x8000] =	vst v63  }
0x1d1: {  	s0 =	rddreg [dreg:$0x13]  }
0x1d2: {  	[hbm4b:s29+s3] =	stream.linear.scatter [tilespmem:s3], [sflag:$0x1], $0x4000, $0x38;
	[tilespmem:$0x8000] =	vst v63  }
0x1d3: {  	s29 =	rddreg [dreg:$0x14]  }
0x1d4: {  	[hbm4b:s0+s3] =	stream.linear.scatter [tilespmem:s3], [sflag:$0x1], $0x4000, $0x38;
	[tilespmem:$0x8000] =	vst v63  }
0x1d5: {  	s0 =	rddreg [dreg:$0x15]  }
0x1d6: {  	[hbm4b:s29+s3] =	stream.linear.scatter [tilespmem:s3], [sflag:$0x1], $0x4000, $0x38;
	[tilespmem:$0x8000] =	vst v63  }
0x1d7: {  	s29 =	rddreg [dreg:$0x16]  }
0x1d8: {  	[hbm4b:s0+s3] =	stream.linear.scatter [tilespmem:s3], [sflag:$0x1], $0x4000, $0x38;
	[tilespmem:$0x8000] =	vst v63  }
0x1d9: {  	s0 =	rddreg [dreg:$0x17]  }
0x1da: {  	[hbm4b:s29+s3] =	stream.linear.scatter [tilespmem:s3], [sflag:$0x1], $0x4000, $0x38;
	[tilespmem:$0x8000] =	vst v63  }
0x1db: {  	s29 =	rddreg [dreg:$0x18]  }
0x1dc: {  	[hbm4b:s0+s3] =	stream.linear.scatter [tilespmem:s3], [sflag:$0x1], $0x4000, $0x38;
	[tilespmem:$0x8000] =	vst v63  }
0x1dd: {  	s0 =	rddreg [dreg:$0x19]  }
0x1de: {  	[hbm4b:s29+s3] =	stream.linear.scatter [tilespmem:s3], [sflag:$0x1], $0x4000, $0x38;
	[tilespmem:$0x8000] =	vst v63  }
0x1df: {  	s29 =	rddreg [dreg:$0x1a]  }
0x1e0: {  	[hbm4b:s0+s3] =	stream.linear.scatter [tilespmem:s3], [sflag:$0x1], $0x4000, $0x38;
	[tilespmem:$0x8000] =	vst v63  }
0x1e1: {  	s0 =	rddreg [dreg:$0x1b]  }
0x1e2: {  	[hbm4b:s29+s3] =	stream.linear.scatter [tilespmem:s3], [sflag:$0x1], $0x4000, $0x38;
	[tilespmem:$0x8000] =	vst v63  }
0x1e3: {  	s29 =	rddreg [dreg:$0x1c]  }
0x1e4: {  	[hbm4b:s0+s3] =	stream.linear.scatter [tilespmem:s3], [sflag:$0x1], $0x4000, $0x38;
	[tilespmem:$0x8000] =	vst v63  }
0x1e5: {  	s0 =	rddreg [dreg:$0x1d]  }
0x1e6: {  	[hbm4b:s29+s3] =	stream.linear.scatter [tilespmem:s3], [sflag:$0x1], $0x4000, $0x38;
	[tilespmem:$0x8000] =	vst v63  }
0x1e7: {  	s29 =	rddreg [dreg:$0x1e]  }
0x1e8: {  	[hbm4b:s0+s3] =	stream.linear.scatter [tilespmem:s3], [sflag:$0x1], $0x4000, $0x38;
	[tilespmem:$0x8000] =	vst v63  }
0x1e9: {  	s0 =	rddreg [dreg:$0x1f]  }
0x1ea: {  	[hbm4b:s29+s3] =	stream.linear.scatter [tilespmem:s3], [sflag:$0x1], $0x4000, $0x38;
	[tilespmem:$0x8000] =	vst v63  }
0x1eb: {  	s29 =	sld [smem:$0x7EC]  }
0x1ec: {  	[hbm4b:s0+s3] =	stream.linear.scatter [tilespmem:s3], [sflag:$0x1], $0x4000, $0x38;
	[tilespmem:$0x8000] =	vst v63  }
0x1ed: {  	s0 =	sld [smem:$0x7ED]  }
0x1ee: {  	[hbm4b:s29+s3] =	stream.linear.scatter [tilespmem:s3], [sflag:$0x1], $0x4000, $0x38;
	[tilespmem:$0x8000] =	vst v63  }
0x1ef: {  	s29 =	sld [smem:$0x7EE]  }
0x1f0: {  	[hbm4b:s0+s3] =	stream.linear.scatter [tilespmem:s3], [sflag:$0x1], $0x4000, $0x38;
	[tilespmem:$0x8000] =	vst v63  }
0x1f1: {  	s0 =	sld [smem:$0x7EF]  }
0x1f2: {  	[hbm4b:s29+s3] =	stream.linear.scatter [tilespmem:s3], [sflag:$0x1], $0x4000, $0x38;
	[tilespmem:$0x8000] =	vst v63  }
0x1f3: {  	s29 =	sld [smem:$0x7F0]  }
0x1f4: {  	[hbm4b:s0+s3] =	stream.linear.scatter [tilespmem:s3], [sflag:$0x1], $0x4000, $0x38;
	[tilespmem:$0x8000] =	vst v63  }
0x1f5: {  	s0 =	sld [smem:$0x7F1]  }
0x1f6: {  	[hbm4b:s29+s3] =	stream.linear.scatter [tilespmem:s3], [sflag:$0x1], $0x4000, $0x38;
	[tilespmem:$0x8000] =	vst v63  }
0x1f7: {  	s29 =	sld [smem:$0x7F2]  }
0x1f8: {  	[hbm4b:s0+s3] =	stream.linear.scatter [tilespmem:s3], [sflag:$0x1], $0x4000, $0x38;
	[tilespmem:$0x8000] =	vst v63  }
0x1f9: {  	s0 =	sld [smem:$0x7F3]  }
0x1fa: {  	[hbm4b:s29+s3] =	stream.linear.scatter [tilespmem:s3], [sflag:$0x1], $0x4000, $0x38;
	[tilespmem:$0x8000] =	vst v63  }
0x1fb: {  	s29 =	sld [smem:$0x7F4]  }
0x1fc: {  	[hbm4b:s0+s3] =	stream.linear.scatter [tilespmem:s3], [sflag:$0x1], $0x4000, $0x38;
	[tilespmem:$0x8000] =	vst v63  }
0x1fd: {  	s0 =	sld [smem:$0x7F5]  }
0x1fe: {  	[hbm4b:s29+s3] =	stream.linear.scatter [tilespmem:s3], [sflag:$0x1], $0x4000, $0x38;
	[tilespmem:$0x8000] =	vst v63  }
0x1ff: {  	s29 =	sld [smem:$0x7F6]  }
0x200: {  	[hbm4b:s0+s3] =	stream.linear.scatter [tilespmem:s3], [sflag:$0x1], $0x4000, $0x38;
	[tilespmem:$0x8000] =	vst v63  }
0x201: {  	s0 =	sld [smem:$0x7F7]  }
0x202: {  	[hbm4b:s29+s3] =	stream.linear.scatter [tilespmem:s3], [sflag:$0x1], $0x4000, $0x38;
	[tilespmem:$0x8000] =	vst v63  }
0x203: {  	s29 =	sld [smem:$0x7F8]  }
0x204: {  	[hbm4b:s0+s3] =	stream.linear.scatter [tilespmem:s3], [sflag:$0x1], $0x4000, $0x38;
	[tilespmem:$0x8000] =	vst v63  }
0x205: {  	s0 =	sld [smem:$0x7F9]  }
0x206: {  	[hbm4b:s29+s3] =	stream.linear.scatter [tilespmem:s3], [sflag:$0x1], $0x4000, $0x38;
	[tilespmem:$0x8000] =	vst v63  }
0x207: {  	s29 =	sld [smem:$0x7FA]  }
0x208: {  	[hbm4b:s0+s3] =	stream.linear.scatter [tilespmem:s3], [sflag:$0x1], $0x4000, $0x38;
	[tilespmem:$0x8000] =	vst v63  }
0x209: {  	s0 =	sld [smem:$0x7FB]  }
0x20a: {  	[hbm4b:s29+s3] =	stream.linear.scatter [tilespmem:s3], [sflag:$0x1], $0x4000, $0x38;
	[tilespmem:$0x8000] =	vst v63  }
0x20b: {  	s29 =	sld [smem:$0x7FC]  }
0x20c: {  	[hbm4b:s0+s3] =	stream.linear.scatter [tilespmem:s3], [sflag:$0x1], $0x4000, $0x38;
	[tilespmem:$0x8000] =	vst v63  }
0x20d: {  	_ = 	snop  }
0x20e: {  	[hbm4b:s29+s3] =	stream.linear.scatter [tilespmem:s3], [sflag:$0x1], $0x4000, $0x38;
	[tilespmem:$0x8000] =	vst v63  }
0x20f: {  	_ = 	snop  }
0x210: {  	[hbm4b:s5+s3] =	stream.linear.scatter [tilespmem:s3], [sflag:$0x1], $0x4000, $0x38;
	[tilespmem:$0x8000] =	vst v63  }
0x211: {  	_ = 	snop  }
0x212: {  	[hbm4b:s6+s3] =	stream.linear.scatter [tilespmem:s3], [sflag:$0x1], $0x4000, $0x38;
	[tilespmem:$0x8000] =	vst v63  }
0x213: {  	_ = 	snop  }
0x214: {  	[hbm4b:s7+s3] =	stream.linear.scatter [tilespmem:s3], [sflag:$0x1], $0x4000, $0x38;
	[tilespmem:$0x8000] =	vst v63  }
0x215: {  	_ = 	snop  }
0x216: {  	[hbm4b:s8+s3] =	stream.linear.scatter [tilespmem:s3], [sflag:$0x1], $0x4000, $0x38;
	[tilespmem:$0x8000] =	vst v63  }
0x217: {  	_ = 	snop  }
0x218: {  	[hbm4b:s9+s3] =	stream.linear.scatter [tilespmem:s3], [sflag:$0x1], $0x4000, $0x38;
	[tilespmem:$0x8000] =	vst v63  }
0x219: {  	_ = 	snop  }
0x21a: {  	[hbm4b:s10+s3] =	stream.linear.scatter [tilespmem:s3], [sflag:$0x1], $0x4000, $0x38;
	[tilespmem:$0x8000] =	vst v63  }
0x21b: {  	_ = 	snop  }
0x21c: {  	[hbm4b:s11+s3] =	stream.linear.scatter [tilespmem:s3], [sflag:$0x1], $0x4000, $0x38;
	[tilespmem:$0x8000] =	vst v63  }
0x21d: {  	_ = 	snop  }
0x21e: {  	[hbm4b:s12+s3] =	stream.linear.scatter [tilespmem:s3], [sflag:$0x1], $0x4000, $0x38;
	[tilespmem:$0x8000] =	vst v63  }
0x21f: {  	_ = 	snop  }
0x220: {  	[hbm4b:s13+s3] =	stream.linear.scatter [tilespmem:s3], [sflag:$0x1], $0x4000, $0x38;
	[tilespmem:$0x8000] =	vst v63  }
0x221: {  	_ = 	snop  }
0x222: {  	[hbm4b:s14+s3] =	stream.linear.scatter [tilespmem:s3], [sflag:$0x1], $0x4000, $0x38;
	[tilespmem:$0x8000] =	vst v63  }
0x223: {  	_ = 	snop  }
0x224: {  	[hbm4b:s15+s3] =	stream.linear.scatter [tilespmem:s3], [sflag:$0x1], $0x4000, $0x38;
	[tilespmem:$0x8000] =	vst v63  }
0x225: {  	_ = 	snop  }
0x226: {  	[hbm4b:s16+s3] =	stream.linear.scatter [tilespmem:s3], [sflag:$0x1], $0x4000, $0x38;
	[tilespmem:$0x8000] =	vst v63  }
0x227: {  	_ = 	snop  }
0x228: {  	[hbm4b:s17+s3] =	stream.linear.scatter [tilespmem:s3], [sflag:$0x1], $0x4000, $0x38;
	[tilespmem:$0x8000] =	vst v63  }
0x229: {  	_ = 	snop  }
0x22a: {  	[hbm4b:s18+s3] =	stream.linear.scatter [tilespmem:s3], [sflag:$0x1], $0x4000, $0x38;
	[tilespmem:$0x8000] =	vst v63  }
0x22b: {  	_ = 	snop  }
0x22c: {  	[hbm4b:s19+s3] =	stream.linear.scatter [tilespmem:s3], [sflag:$0x1], $0x4000, $0x38;
	[tilespmem:$0x8000] =	vst v63  }
0x22d: {  	_ = 	snop  }
0x22e: {  	[hbm4b:s20+s3] =	stream.linear.scatter [tilespmem:s3], [sflag:$0x1], $0x4000, $0x38;
	[tilespmem:$0x8000] =	vst v63  }
0x22f: {  	_ = 	snop  }
0x230: {  	[hbm4b:s21+s3] =	stream.linear.scatter [tilespmem:s3], [sflag:$0x1], $0x4000, $0x38;
	[tilespmem:$0x8000] =	vst v63  }
0x231: {  	_ = 	snop  }
0x232: {  	[hbm4b:s22+s3] =	stream.linear.scatter [tilespmem:s3], [sflag:$0x1], $0x4000, $0x38;
	[tilespmem:$0x8000] =	vst v63  }
0x233: {  	_ = 	snop  }
0x234: {  	[hbm4b:s23+s3] =	stream.linear.scatter [tilespmem:s3], [sflag:$0x1], $0x4000, $0x38;
	[tilespmem:$0x8000] =	vst v63  }
0x235: {  	_ =	swait.ge [sflag:s2], $0x4000  }
0x236: {  	[sflag:s2] =	ssyncset.done $0x0  }
0x237: {  	[sflag:s2] =	ssyncadd.s32 $0xFFFFC000  }
0x238: {  	_ =	swait.ge [sflag:s2], $0x4000  }
0x239: {  	[sflag:s2] =	ssyncset.done $0x0  }
0x23a: {  	[sflag:s2] =	ssyncadd.s32 $0xFFFFC000  }
0x23b: {  	_ =	swait.ge [sflag:s2], $0x4000  }
0x23c: {  	[sflag:s2] =	ssyncset.done $0x0  }
0x23d: {  	[sflag:s2] =	ssyncadd.s32 $0xFFFFC000  }
0x23e: {  	_ =	swait.ge [sflag:s2], $0x4000  }
0x23f: {  	[sflag:s2] =	ssyncset.done $0x0  }
0x240: {  	[sflag:s2] =	ssyncadd.s32 $0xFFFFC000  }
0x241: {  	_ =	swait.ge [sflag:s2], $0x4000  }
0x242: {  	[sflag:s2] =	ssyncset.done $0x0  }
0x243: {  	[sflag:s2] =	ssyncadd.s32 $0xFFFFC000  }
0x244: {  	_ =	swait.ge [sflag:s2], $0x4000  }
0x245: {  	[sflag:s2] =	ssyncset.done $0x0  }
0x246: {  	[sflag:s2] =	ssyncadd.s32 $0xFFFFC000  }
0x247: {  	_ =	swait.ge [sflag:s2], $0x4000  }
0x248: {  	[sflag:s2] =	ssyncset.done $0x0  }
0x249: {  	[sflag:s2] =	ssyncadd.s32 $0xFFFFC000  }
0x24a: {  	_ =	swait.ge [sflag:s2], $0x4000  }
0x24b: {  	[sflag:s2] =	ssyncset.done $0x0  }
0x24c: {  	[sflag:s2] =	ssyncadd.s32 $0xFFFFC000  }
0x24d: {  	_ =	swait.ge [sflag:s2], $0x4000  }
0x24e: {  	[sflag:s2] =	ssyncset.done $0x0  }
0x24f: {  	[sflag:s2] =	ssyncadd.s32 $0xFFFFC000  }
0x250: {  	_ =	swait.ge [sflag:s2], $0x4000  }
0x251: {  	[sflag:s2] =	ssyncset.done $0x0  }
0x252: {  	[sflag:s2] =	ssyncadd.s32 $0xFFFFC000  }
0x253: {  	_ =	swait.ge [sflag:s2], $0x4000  }
0x254: {  	[sflag:s2] =	ssyncset.done $0x0  }
0x255: {  	[sflag:s2] =	ssyncadd.s32 $0xFFFFC000  }
0x256: {  	_ =	swait.ge [sflag:s2], $0x4000  }
0x257: {  	[sflag:s2] =	ssyncset.done $0x0  }
0x258: {  	[sflag:s2] =	ssyncadd.s32 $0xFFFFC000  }
0x259: {  	_ =	swait.ge [sflag:s2], $0x4000  }
0x25a: {  	[sflag:s2] =	ssyncset.done $0x0  }
0x25b: {  	[sflag:s2] =	ssyncadd.s32 $0xFFFFC000  }
0x25c: {  	_ =	swait.ge [sflag:s2], $0x4000  }
0x25d: {  	[sflag:s2] =	ssyncset.done $0x0  }
0x25e: {  	[sflag:s2] =	ssyncadd.s32 $0xFFFFC000  }
0x25f: {  	_ =	swait.ge [sflag:s2], $0x4000  }
0x260: {  	[sflag:s2] =	ssyncset.done $0x0  }
0x261: {  	[sflag:s2] =	ssyncadd.s32 $0xFFFFC000  }
0x262: {  	_ =	swait.ge [sflag:s2], $0x4000  }
0x263: {  	[sflag:s2] =	ssyncset.done $0x0  }
0x264: {  	[sflag:s2] =	ssyncadd.s32 $0xFFFFC000  }
0x265: {  	_ =	swait.ge [sflag:s2], $0x4000  }
0x266: {  	[sflag:s2] =	ssyncset.done $0x0  }
0x267: {  	[sflag:s2] =	ssyncadd.s32 $0xFFFFC000  }
0x268: {  	_ =	swait.ge [sflag:s2], $0x4000  }
0x269: {  	[sflag:s2] =	ssyncset.done $0x0  }
0x26a: {  	[sflag:s2] =	ssyncadd.s32 $0xFFFFC000  }
0x26b: {  	_ =	swait.ge [sflag:s2], $0x4000  }
0x26c: {  	[sflag:s2] =	ssyncset.done $0x0  }
0x26d: {  	[sflag:s2] =	ssyncadd.s32 $0xFFFFC000  }
0x26e: {  	_ =	swait.ge [sflag:s2], $0x4000  }
0x26f: {  	[sflag:s2] =	ssyncset.done $0x0  }
0x270: {  	[sflag:s2] =	ssyncadd.s32 $0xFFFFC000  }
0x271: {  	_ =	swait.ge [sflag:s2], $0x4000  }
0x272: {  	[sflag:s2] =	ssyncset.done $0x0  }
0x273: {  	[sflag:s2] =	ssyncadd.s32 $0xFFFFC000  }
0x274: {  	_ =	swait.ge [sflag:s2], $0x4000  }
0x275: {  	[sflag:s2] =	ssyncset.done $0x0  }
0x276: {  	[sflag:s2] =	ssyncadd.s32 $0xFFFFC000  }
0x277: {  	_ =	swait.ge [sflag:s2], $0x4000  }
0x278: {  	[sflag:s2] =	ssyncset.done $0x0  }
0x279: {  	[sflag:s2] =	ssyncadd.s32 $0xFFFFC000  }
0x27a: {  	_ =	swait.ge [sflag:s2], $0x4000  }
0x27b: {  	[sflag:s2] =	ssyncset.done $0x0  }
0x27c: {  	[sflag:s2] =	ssyncadd.s32 $0xFFFFC000  }
0x27d: {  	_ =	swait.ge [sflag:s2], $0x4000  }
0x27e: {  	[sflag:s2] =	ssyncset.done $0x0  }
0x27f: {  	[sflag:s2] =	ssyncadd.s32 $0xFFFFC000  }
0x280: {  	_ =	swait.ge [sflag:s2], $0x4000  }
0x281: {  	[sflag:s2] =	ssyncset.done $0x0  }
0x282: {  	[sflag:s2] =	ssyncadd.s32 $0xFFFFC000  }
0x283: {  	_ =	swait.ge [sflag:s2], $0x4000  }
0x284: {  	[sflag:s2] =	ssyncset.done $0x0  }
0x285: {  	[sflag:s2] =	ssyncadd.s32 $0xFFFFC000  }
0x286: {  	_ =	swait.ge [sflag:s2], $0x4000  }
0x287: {  	[sflag:s2] =	ssyncset.done $0x0  }
0x288: {  	[sflag:s2] =	ssyncadd.s32 $0xFFFFC000  }
0x289: {  	_ =	swait.ge [sflag:s2], $0x4000  }
0x28a: {  	[sflag:s2] =	ssyncset.done $0x0  }
0x28b: {  	[sflag:s2] =	ssyncadd.s32 $0xFFFFC000  }
0x28c: {  	_ =	swait.ge [sflag:s2], $0x4000  }
0x28d: {  	[sflag:s2] =	ssyncset.done $0x0  }
0x28e: {  	[sflag:s2] =	ssyncadd.s32 $0xFFFFC000  }
0x28f: {  	_ =	swait.ge [sflag:s2], $0x4000  }
0x290: {  	[sflag:s2] =	ssyncset.done $0x0  }
0x291: {  	[sflag:s2] =	ssyncadd.s32 $0xFFFFC000  }
0x292: {  	_ =	swait.ge [sflag:s2], $0x4000  }
0x293: {  	[sflag:s2] =	ssyncset.done $0x0  }
0x294: {  	[sflag:s2] =	ssyncadd.s32 $0xFFFFC000  }
0x295: {  	_ =	swait.ge [sflag:s2], $0x4000  }
0x296: {  	[sflag:s2] =	ssyncset.done $0x0  }
0x297: {  	[sflag:s2] =	ssyncadd.s32 $0xFFFFC000  }
0x298: {  	_ =	swait.ge [sflag:s2], $0x4000  }
0x299: {  	[sflag:s2] =	ssyncset.done $0x0  }
0x29a: {  	[sflag:s2] =	ssyncadd.s32 $0xFFFFC000  }
0x29b: {  	_ =	swait.ge [sflag:s2], $0x4000  }
0x29c: {  	[sflag:s2] =	ssyncset.done $0x0  }
0x29d: {  	[sflag:s2] =	ssyncadd.s32 $0xFFFFC000  }
0x29e: {  	_ =	swait.ge [sflag:s2], $0x4000  }
0x29f: {  	[sflag:s2] =	ssyncset.done $0x0  }
0x2a0: {  	[sflag:s2] =	ssyncadd.s32 $0xFFFFC000  }
0x2a1: {  	_ =	swait.ge [sflag:s2], $0x4000  }
0x2a2: {  	[sflag:s2] =	ssyncset.done $0x0  }
0x2a3: {  	[sflag:s2] =	ssyncadd.s32 $0xFFFFC000  }
0x2a4: {  	_ =	swait.ge [sflag:s2], $0x4000  }
0x2a5: {  	[sflag:s2] =	ssyncset.done $0x0  }
0x2a6: {  	[sflag:s2] =	ssyncadd.s32 $0xFFFFC000  }
0x2a7: {  	_ =	swait.ge [sflag:s2], $0x4000  }
0x2a8: {  	[sflag:s2] =	ssyncset.done $0x0  }
0x2a9: {  	[sflag:s2] =	ssyncadd.s32 $0xFFFFC000  }
0x2aa: {  	_ =	swait.ge [sflag:s2], $0x4000  }
0x2ab: {  	[sflag:s2] =	ssyncset.done $0x0  }
0x2ac: {  	[sflag:s2] =	ssyncadd.s32 $0xFFFFC000  }
0x2ad: {  	_ =	swait.ge [sflag:s2], $0x4000  }
0x2ae: {  	[sflag:s2] =	ssyncset.done $0x0  }
0x2af: {  	[sflag:s2] =	ssyncadd.s32 $0xFFFFC000  }
0x2b0: {  	_ =	swait.ge [sflag:s2], $0x4000  }
0x2b1: {  	[sflag:s2] =	ssyncset.done $0x0  }
0x2b2: {  	[sflag:s2] =	ssyncadd.s32 $0xFFFFC000  }
0x2b3: {  	_ =	swait.ge [sflag:s2], $0x4000  }
0x2b4: {  	[sflag:s2] =	ssyncset.done $0x0  }
0x2b5: {  	[sflag:s2] =	ssyncadd.s32 $0xFFFFC000  }
0x2b6: {  	_ =	swait.ge [sflag:s2], $0x4000  }
0x2b7: {  	[sflag:s2] =	ssyncset.done $0x0  }
0x2b8: {  	[sflag:s2] =	ssyncadd.s32 $0xFFFFC000  }
0x2b9: {  	_ =	swait.ge [sflag:s2], $0x4000  }
0x2ba: {  	[sflag:s2] =	ssyncset.done $0x0  }
0x2bb: {  	[sflag:s2] =	ssyncadd.s32 $0xFFFFC000  }
0x2bc: {  	_ =	swait.ge [sflag:s2], $0x4000  }
0x2bd: {  	[sflag:s2] =	ssyncset.done $0x0  }
0x2be: {  	[sflag:s2] =	ssyncadd.s32 $0xFFFFC000  }
0x2bf: {  	_ =	swait.ge [sflag:s2], $0x4000  }
0x2c0: {  	[sflag:s2] =	ssyncset.done $0x0  }
0x2c1: {  	[sflag:s2] =	ssyncadd.s32 $0xFFFFC000  }
0x2c2: {  	_ =	swait.ge [sflag:s2], $0x4000  }
0x2c3: {  	[sflag:s2] =	ssyncset.done $0x0  }
0x2c4: {  	[sflag:s2] =	ssyncadd.s32 $0xFFFFC000  }
0x2c5: {  	_ =	swait.ge [sflag:s2], $0x4000  }
0x2c6: {  	[sflag:s2] =	ssyncset.done $0x0  }
0x2c7: {  	[sflag:s2] =	ssyncadd.s32 $0xFFFFC000  }
0x2c8: {  	_ =	swait.ge [sflag:s2], $0x4000  }
0x2c9: {  	[sflag:s2] =	ssyncset.done $0x0  }
0x2ca: {  	[sflag:s2] =	ssyncadd.s32 $0xFFFFC000  }
0x2cb: {  	_ =	swait.ge [sflag:s2], $0x4000  }
0x2cc: {  	[sflag:s2] =	ssyncset.done $0x0  }
0x2cd: {  	[sflag:s2] =	ssyncadd.s32 $0xFFFFC000  }
0x2ce: {  	_ =	swait.ge [sflag:s2], $0x4000  }
0x2cf: {  	[sflag:s2] =	ssyncset.done $0x0  }
0x2d0: {  	[sflag:s2] =	ssyncadd.s32 $0xFFFFC000  }
0x2d1: {  	_ =	swait.ge [sflag:s2], $0x4000  }
0x2d2: {  	[sflag:s2] =	ssyncset.done $0x0  }
0x2d3: {  	[sflag:s2] =	ssyncadd.s32 $0xFFFFC000  }
0x2d4: {  	_ =	swait.ge [sflag:s2], $0x4000  }
0x2d5: {  	[sflag:s2] =	ssyncset.done $0x0  }
0x2d6: {  	[sflag:s2] =	ssyncadd.s32 $0xFFFFC000  }
0x2d7: {  	_ =	swait.ge [sflag:s2], $0x4000  }
0x2d8: {  	[sflag:s2] =	ssyncset.done $0x0  }
0x2d9: {  	[sflag:s2] =	ssyncadd.s32 $0xFFFFC000  }
0x2da: {  	_ =	swait.ge [sflag:s2], $0x4000  }
0x2db: {  	[sflag:s2] =	ssyncset.done $0x0  }
0x2dc: {  	[sflag:s2] =	ssyncadd.s32 $0xFFFFC000  }
0x2dd: {  	_ =	swait.ge [sflag:s2], $0x4000  }
0x2de: {  	[sflag:s2] =	ssyncset.done $0x0  }
0x2df: {  	[sflag:s2] =	ssyncadd.s32 $0xFFFFC000  }
0x2e0: {  	_ =	swait.ge [sflag:s2], $0x4000  }
0x2e1: {  	[sflag:s2] =	ssyncset.done $0x0  }
0x2e2: {  	[sflag:s2] =	ssyncadd.s32 $0xFFFFC000  }
0x2e3: {  	_ =	swait.ge [sflag:s2], $0x4000  }
0x2e4: {  	[sflag:s2] =	ssyncset.done $0x0  }
0x2e5: {  	[sflag:s2] =	ssyncadd.s32 $0xFFFFC000  }
0x2e6: {  	_ =	swait.ge [sflag:s2], $0x4000  }
0x2e7: {  	[sflag:s2] =	ssyncset.done $0x0  }
0x2e8: {  	[sflag:s2] =	ssyncadd.s32 $0xFFFFC000  }
0x2e9: {  	_ =	swait.ge [sflag:s2], $0x4000  }
0x2ea: {  	[sflag:s2] =	ssyncset.done $0x0  }
0x2eb: {  	[sflag:s2] =	ssyncadd.s32 $0xFFFFC000  }
0x2ec: {  	_ =	swait.ge [sflag:s2], $0x4000  }
0x2ed: {  	[sflag:s2] =	ssyncset.done $0x0  }
0x2ee: {  	p1 =	sne.s32 s1, $0x1;
	[sflag:s2] =	ssyncadd.s32 $0xFFFFC000  }
.Ltmp2:
0x2ef: {  	_ =	swait.ge [sflag:s2], $0x4000;
	(pc) =	sbr.rel @p1 .LBB2_3-.Ltmp2, $4  }
0x2f0: {  	[sflag:s2] =	ssyncset.done $0x0  }
0x2f1: {  	[sflag:s2] =	ssyncadd.s32 $0xFFFFC000  }
0x2f2: {  	_ =	swait.ge [sflag:s2], $0x4000  }
0x2f3: {  	s1 =	sadd.s32 $0xFFFFFFFF, s1;
	s0 =	rddreg [dreg:$0x4];
	[sflag:s2] =	ssyncset.done $0x0  }
0x2f4: {  	s29 =	stileid.u32  }
0x2f5: {  	s1 =	simm.s32 $0x2000;
	s30 =	simm.s32 $0x1000;
	s31 =	simm.s32 $0x800  }
.LBB2_5:
0x2f6: {  	[sflag:s2] =	ssyncadd.s32 @p0 $0xFFFFC000  }
0x2f7: {  	[tilespmem:s3], [sflag:$0x2] =	stream.linear.gather [hbm4b:s0+s3], $0x800, $0x38;
	[tilespmem:$0x8000] =	vst v63  }
0x2f8: {  	_ =	swait.ge [sflag:s28], $0x800  }
0x2f9: {  	[sflag:s28] =	ssyncset.done $0x0  }
0x2fa: {  	[sflag:s28] =	ssyncadd.s32 $0xFFFFF800  }
0x2fb: {  	[spmem:s26] =	stream.linear.scatter [tilespmem:s3], [sflag:$0x2], $0x800, $0x38;
	[tilespmem:$0x8000] =	vst v63  }
0x2fc: {  	_ =	swait.ge [sflag:s28], $0x800  }
0x2fd: {  	[sflag:s28] =	ssyncset.done $0x0  }
0x2fe: {  	[sflag:s28] =	ssyncadd.s32 $0xFFFFF800  }
0x2ff: {  	[tilespmem:s31], [sflag:$0x2] =	stream.linear.gather [spmem:s26], $0x800, $0x38;
	[tilespmem:$0x8000] =	vst v63  }
0x300: {  	_ =	swait.ge [sflag:s28], $0x800  }
0x301: {  	[sflag:s28] =	ssyncset.done $0x0  }
0x302: {  	[sflag:s28] =	ssyncadd.s32 $0xFFFFF800  }
0x303: {  	[spmem:s25] =	stream.linear.scatter [tilespmem:s3], [sflag:$0x2], $0x1000, $0x38;
	[tilespmem:$0x8000] =	vst v63  }
0x304: {  	_ =	swait.ge [sflag:s28], $0x1000  }
0x305: {  	[sflag:s28] =	ssyncset.done $0x0  }
0x306: {  	[sflag:s28] =	ssyncadd.s32 $0xFFFFF000  }
0x307: {  	[tilespmem:s30], [sflag:$0x2] =	stream.linear.gather [spmem:s25], $0x1000, $0x38;
	[tilespmem:$0x8000] =	vst v63  }
0x308: {  	_ =	swait.ge [sflag:s28], $0x1000  }
0x309: {  	[sflag:s28] =	ssyncset.done $0x0  }
0x30a: {  	[sflag:s28] =	ssyncadd.s32 $0xFFFFF000  }
0x30b: {  	[spmem:s24] =	stream.linear.scatter [tilespmem:s3], [sflag:$0x2], $0x2000, $0x38;
	[tilespmem:$0x8000] =	vst v63  }
0x30c: {  	_ =	swait.ge [sflag:s28], $0x2000  }
0x30d: {  	[sflag:s28] =	ssyncset.done $0x0  }
0x30e: {  	[sflag:s28] =	ssyncadd.s32 $0xFFFFE000  }
0x30f: {  	[tilespmem:s1], [sflag:$0x2] =	stream.linear.gather [spmem:s24], $0x2000, $0x38;
	[tilespmem:$0x8000] =	vst v63  }
0x310: {  	_ =	swait.ge [sflag:s28], $0x2000  }
0x311: {  	[sflag:s28] =	ssyncset.done $0x0  }
0x312: {  	s30 =	rddreg [dreg:$0x5];
	[sflag:s28] =	ssyncadd.s32 $0xFFFFE000  }
0x313: {  	[hbm4b:s4+s3] =	stream.linear.scatter [tilespmem:s3], [sflag:$0x1], $0x4000, $0x38;
	[tilespmem:$0x8000] =	vst v63  }
0x314: {  	s31 =	rddreg [dreg:$0x6]  }
0x315: {  	[hbm4b:s30+s3] =	stream.linear.scatter [tilespmem:s3], [sflag:$0x1], $0x4000, $0x38;
	[tilespmem:$0x8000] =	vst v63  }
0x316: {  	s24 =	rddreg [dreg:$0x8]  }
0x317: {  	[hbm4b:s31+s3] =	stream.linear.scatter [tilespmem:s3], [sflag:$0x1], $0x4000, $0x38;
	[tilespmem:$0x8000] =	vst v63  }
0x318: {  	s4 =	rddreg [dreg:$0x7]  }
0x319: {  	[hbm4b:s4+s3] =	stream.linear.scatter [tilespmem:s3], [sflag:$0x1], $0x4000, $0x38;
	[tilespmem:$0x8000] =	vst v63  }
0x31a: {  	s25 =	rddreg [dreg:$0x9]  }
0x31b: {  	[hbm4b:s24+s3] =	stream.linear.scatter [tilespmem:s3], [sflag:$0x1], $0x4000, $0x38;
	[tilespmem:$0x8000] =	vst v63  }
0x31c: {  	s26 =	rddreg [dreg:$0xa]  }
0x31d: {  	[hbm4b:s25+s3] =	stream.linear.scatter [tilespmem:s3], [sflag:$0x1], $0x4000, $0x38;
	[tilespmem:$0x8000] =	vst v63  }
0x31e: {  	s28 =	rddreg [dreg:$0xb]  }
0x31f: {  	[hbm4b:s26+s3] =	stream.linear.scatter [tilespmem:s3], [sflag:$0x1], $0x4000, $0x38;
	[tilespmem:$0x8000] =	vst v63  }
0x320: {  	s30 =	rddreg [dreg:$0xc]  }
0x321: {  	[hbm4b:s28+s3] =	stream.linear.scatter [tilespmem:s3], [sflag:$0x1], $0x4000, $0x38;
	[tilespmem:$0x8000] =	vst v63  }
0x322: {  	s31 =	rddreg [dreg:$0xd]  }
0x323: {  	[hbm4b:s30+s3] =	stream.linear.scatter [tilespmem:s3], [sflag:$0x1], $0x4000, $0x38;
	[tilespmem:$0x8000] =	vst v63  }
0x324: {  	s4 =	rddreg [dreg:$0xe]  }
0x325: {  	[hbm4b:s31+s3] =	stream.linear.scatter [tilespmem:s3], [sflag:$0x1], $0x4000, $0x38;
	[tilespmem:$0x8000] =	vst v63  }
0x326: {  	s24 =	rddreg [dreg:$0xf]  }
0x327: {  	[hbm4b:s4+s3] =	stream.linear.scatter [tilespmem:s3], [sflag:$0x1], $0x4000, $0x38;
	[tilespmem:$0x8000] =	vst v63  }
0x328: {  	s25 =	rddreg [dreg:$0x10]  }
0x329: {  	[hbm4b:s24+s3] =	stream.linear.scatter [tilespmem:s3], [sflag:$0x1], $0x4000, $0x38;
	[tilespmem:$0x8000] =	vst v63  }
0x32a: {  	s26 =	rddreg [dreg:$0x11]  }
0x32b: {  	[hbm4b:s25+s3] =	stream.linear.scatter [tilespmem:s3], [sflag:$0x1], $0x4000, $0x38;
	[tilespmem:$0x8000] =	vst v63  }
0x32c: {  	s28 =	rddreg [dreg:$0x12]  }
0x32d: {  	[hbm4b:s26+s3] =	stream.linear.scatter [tilespmem:s3], [sflag:$0x1], $0x4000, $0x38;
	[tilespmem:$0x8000] =	vst v63  }
0x32e: {  	s30 =	rddreg [dreg:$0x13]  }
0x32f: {  	[hbm4b:s28+s3] =	stream.linear.scatter [tilespmem:s3], [sflag:$0x1], $0x4000, $0x38;
	[tilespmem:$0x8000] =	vst v63  }
0x330: {  	s31 =	rddreg [dreg:$0x14]  }
0x331: {  	[hbm4b:s30+s3] =	stream.linear.scatter [tilespmem:s3], [sflag:$0x1], $0x4000, $0x38;
	[tilespmem:$0x8000] =	vst v63  }
0x332: {  	s4 =	rddreg [dreg:$0x15]  }
0x333: {  	[hbm4b:s31+s3] =	stream.linear.scatter [tilespmem:s3], [sflag:$0x1], $0x4000, $0x38;
	[tilespmem:$0x8000] =	vst v63  }
0x334: {  	s24 =	rddreg [dreg:$0x16]  }
0x335: {  	[hbm4b:s4+s3] =	stream.linear.scatter [tilespmem:s3], [sflag:$0x1], $0x4000, $0x38;
	[tilespmem:$0x8000] =	vst v63  }
0x336: {  	s25 =	rddreg [dreg:$0x17]  }
0x337: {  	[hbm4b:s24+s3] =	stream.linear.scatter [tilespmem:s3], [sflag:$0x1], $0x4000, $0x38;
	[tilespmem:$0x8000] =	vst v63  }
0x338: {  	s26 =	rddreg [dreg:$0x18]  }
0x339: {  	[hbm4b:s25+s3] =	stream.linear.scatter [tilespmem:s3], [sflag:$0x1], $0x4000, $0x38;
	[tilespmem:$0x8000] =	vst v63  }
0x33a: {  	s28 =	rddreg [dreg:$0x19]  }
0x33b: {  	[hbm4b:s26+s3] =	stream.linear.scatter [tilespmem:s3], [sflag:$0x1], $0x4000, $0x38;
	[tilespmem:$0x8000] =	vst v63  }
0x33c: {  	s30 =	rddreg [dreg:$0x1a]  }
0x33d: {  	[hbm4b:s28+s3] =	stream.linear.scatter [tilespmem:s3], [sflag:$0x1], $0x4000, $0x38;
	[tilespmem:$0x8000] =	vst v63  }
0x33e: {  	s31 =	rddreg [dreg:$0x1b]  }
0x33f: {  	[hbm4b:s30+s3] =	stream.linear.scatter [tilespmem:s3], [sflag:$0x1], $0x4000, $0x38;
	[tilespmem:$0x8000] =	vst v63  }
0x340: {  	s4 =	rddreg [dreg:$0x1c]  }
0x341: {  	[hbm4b:s31+s3] =	stream.linear.scatter [tilespmem:s3], [sflag:$0x1], $0x4000, $0x38;
	[tilespmem:$0x8000] =	vst v63  }
0x342: {  	s24 =	rddreg [dreg:$0x1d]  }
0x343: {  	[hbm4b:s4+s3] =	stream.linear.scatter [tilespmem:s3], [sflag:$0x1], $0x4000, $0x38;
	[tilespmem:$0x8000] =	vst v63  }
0x344: {  	s25 =	rddreg [dreg:$0x1e]  }
0x345: {  	[hbm4b:s24+s3] =	stream.linear.scatter [tilespmem:s3], [sflag:$0x1], $0x4000, $0x38;
	[tilespmem:$0x8000] =	vst v63  }
0x346: {  	s26 =	rddreg [dreg:$0x1f]  }
0x347: {  	[hbm4b:s25+s3] =	stream.linear.scatter [tilespmem:s3], [sflag:$0x1], $0x4000, $0x38;
	[tilespmem:$0x8000] =	vst v63  }
0x348: {  	s28 =	sld [smem:$0x7EC]  }
0x349: {  	[hbm4b:s26+s3] =	stream.linear.scatter [tilespmem:s3], [sflag:$0x1], $0x4000, $0x38;
	[tilespmem:$0x8000] =	vst v63  }
0x34a: {  	s30 =	sld [smem:$0x7ED]  }
0x34b: {  	[hbm4b:s28+s3] =	stream.linear.scatter [tilespmem:s3], [sflag:$0x1], $0x4000, $0x38;
	[tilespmem:$0x8000] =	vst v63  }
0x34c: {  	s31 =	sld [smem:$0x7EE]  }
0x34d: {  	[hbm4b:s30+s3] =	stream.linear.scatter [tilespmem:s3], [sflag:$0x1], $0x4000, $0x38;
	[tilespmem:$0x8000] =	vst v63  }
0x34e: {  	s4 =	sld [smem:$0x7EF]  }
0x34f: {  	[hbm4b:s31+s3] =	stream.linear.scatter [tilespmem:s3], [sflag:$0x1], $0x4000, $0x38;
	[tilespmem:$0x8000] =	vst v63  }
0x350: {  	s24 =	sld [smem:$0x7F0]  }
0x351: {  	[hbm4b:s4+s3] =	stream.linear.scatter [tilespmem:s3], [sflag:$0x1], $0x4000, $0x38;
	[tilespmem:$0x8000] =	vst v63  }
0x352: {  	s25 =	sld [smem:$0x7F1]  }
0x353: {  	[hbm4b:s24+s3] =	stream.linear.scatter [tilespmem:s3], [sflag:$0x1], $0x4000, $0x38;
	[tilespmem:$0x8000] =	vst v63  }
0x354: {  	s26 =	sld [smem:$0x7F2]  }
0x355: {  	[hbm4b:s25+s3] =	stream.linear.scatter [tilespmem:s3], [sflag:$0x1], $0x4000, $0x38;
	[tilespmem:$0x8000] =	vst v63  }
0x356: {  	s28 =	sld [smem:$0x7F3]  }
0x357: {  	[hbm4b:s26+s3] =	stream.linear.scatter [tilespmem:s3], [sflag:$0x1], $0x4000, $0x38;
	[tilespmem:$0x8000] =	vst v63  }
0x358: {  	s30 =	sld [smem:$0x7F4]  }
0x359: {  	[hbm4b:s28+s3] =	stream.linear.scatter [tilespmem:s3], [sflag:$0x1], $0x4000, $0x38;
	[tilespmem:$0x8000] =	vst v63  }
0x35a: {  	s31 =	sld [smem:$0x7F5]  }
0x35b: {  	[hbm4b:s30+s3] =	stream.linear.scatter [tilespmem:s3], [sflag:$0x1], $0x4000, $0x38;
	[tilespmem:$0x8000] =	vst v63  }
0x35c: {  	s4 =	sld [smem:$0x7F6]  }
0x35d: {  	[hbm4b:s31+s3] =	stream.linear.scatter [tilespmem:s3], [sflag:$0x1], $0x4000, $0x38;
	[tilespmem:$0x8000] =	vst v63  }
0x35e: {  	s24 =	sld [smem:$0x7F7]  }
0x35f: {  	[hbm4b:s4+s3] =	stream.linear.scatter [tilespmem:s3], [sflag:$0x1], $0x4000, $0x38;
	[tilespmem:$0x8000] =	vst v63  }
0x360: {  	s25 =	sld [smem:$0x7F8]  }
0x361: {  	[hbm4b:s24+s3] =	stream.linear.scatter [tilespmem:s3], [sflag:$0x1], $0x4000, $0x38;
	[tilespmem:$0x8000] =	vst v63  }
0x362: {  	s26 =	sld [smem:$0x7F9]  }
0x363: {  	[hbm4b:s25+s3] =	stream.linear.scatter [tilespmem:s3], [sflag:$0x1], $0x4000, $0x38;
	[tilespmem:$0x8000] =	vst v63  }
0x364: {  	s28 =	sld [smem:$0x7FA]  }
0x365: {  	[hbm4b:s26+s3] =	stream.linear.scatter [tilespmem:s3], [sflag:$0x1], $0x4000, $0x38;
	[tilespmem:$0x8000] =	vst v63  }
0x366: {  	s30 =	sld [smem:$0x7FB]  }
0x367: {  	[hbm4b:s28+s3] =	stream.linear.scatter [tilespmem:s3], [sflag:$0x1], $0x4000, $0x38;
	[tilespmem:$0x8000] =	vst v63  }
0x368: {  	s31 =	sld [smem:$0x7FC]  }
0x369: {  	[hbm4b:s30+s3] =	stream.linear.scatter [tilespmem:s3], [sflag:$0x1], $0x4000, $0x38;
	[tilespmem:$0x8000] =	vst v63  }
0x36a: {  	_ = 	snop  }
0x36b: {  	[hbm4b:s31+s3] =	stream.linear.scatter [tilespmem:s3], [sflag:$0x1], $0x4000, $0x38;
	[tilespmem:$0x8000] =	vst v63  }
0x36c: {  	_ = 	snop  }
0x36d: {  	[hbm4b:s5+s3] =	stream.linear.scatter [tilespmem:s3], [sflag:$0x1], $0x4000, $0x38;
	[tilespmem:$0x8000] =	vst v63  }
0x36e: {  	_ = 	snop  }
0x36f: {  	[hbm4b:s6+s3] =	stream.linear.scatter [tilespmem:s3], [sflag:$0x1], $0x4000, $0x38;
	[tilespmem:$0x8000] =	vst v63  }
0x370: {  	_ = 	snop  }
0x371: {  	[hbm4b:s7+s3] =	stream.linear.scatter [tilespmem:s3], [sflag:$0x1], $0x4000, $0x38;
	[tilespmem:$0x8000] =	vst v63  }
0x372: {  	_ = 	snop  }
0x373: {  	[hbm4b:s8+s3] =	stream.linear.scatter [tilespmem:s3], [sflag:$0x1], $0x4000, $0x38;
	[tilespmem:$0x8000] =	vst v63  }
0x374: {  	_ = 	snop  }
0x375: {  	[hbm4b:s9+s3] =	stream.linear.scatter [tilespmem:s3], [sflag:$0x1], $0x4000, $0x38;
	[tilespmem:$0x8000] =	vst v63  }
0x376: {  	_ = 	snop  }
0x377: {  	[hbm4b:s10+s3] =	stream.linear.scatter [tilespmem:s3], [sflag:$0x1], $0x4000, $0x38;
	[tilespmem:$0x8000] =	vst v63  }
0x378: {  	_ = 	snop  }
0x379: {  	[hbm4b:s11+s3] =	stream.linear.scatter [tilespmem:s3], [sflag:$0x1], $0x4000, $0x38;
	[tilespmem:$0x8000] =	vst v63  }
0x37a: {  	_ = 	snop  }
0x37b: {  	[hbm4b:s12+s3] =	stream.linear.scatter [tilespmem:s3], [sflag:$0x1], $0x4000, $0x38;
	[tilespmem:$0x8000] =	vst v63  }
0x37c: {  	_ = 	snop  }
0x37d: {  	[hbm4b:s13+s3] =	stream.linear.scatter [tilespmem:s3], [sflag:$0x1], $0x4000, $0x38;
	[tilespmem:$0x8000] =	vst v63  }
0x37e: {  	_ = 	snop  }
0x37f: {  	[hbm4b:s14+s3] =	stream.linear.scatter [tilespmem:s3], [sflag:$0x1], $0x4000, $0x38;
	[tilespmem:$0x8000] =	vst v63  }
0x380: {  	_ = 	snop  }
0x381: {  	[hbm4b:s15+s3] =	stream.linear.scatter [tilespmem:s3], [sflag:$0x1], $0x4000, $0x38;
	[tilespmem:$0x8000] =	vst v63  }
0x382: {  	_ = 	snop  }
0x383: {  	[hbm4b:s16+s3] =	stream.linear.scatter [tilespmem:s3], [sflag:$0x1], $0x4000, $0x38;
	[tilespmem:$0x8000] =	vst v63  }
0x384: {  	_ = 	snop  }
0x385: {  	[hbm4b:s17+s3] =	stream.linear.scatter [tilespmem:s3], [sflag:$0x1], $0x4000, $0x38;
	[tilespmem:$0x8000] =	vst v63  }
0x386: {  	_ = 	snop  }
0x387: {  	[hbm4b:s18+s3] =	stream.linear.scatter [tilespmem:s3], [sflag:$0x1], $0x4000, $0x38;
	[tilespmem:$0x8000] =	vst v63  }
0x388: {  	_ = 	snop  }
0x389: {  	[hbm4b:s19+s3] =	stream.linear.scatter [tilespmem:s3], [sflag:$0x1], $0x4000, $0x38;
	[tilespmem:$0x8000] =	vst v63  }
0x38a: {  	_ = 	snop  }
0x38b: {  	[hbm4b:s20+s3] =	stream.linear.scatter [tilespmem:s3], [sflag:$0x1], $0x4000, $0x38;
	[tilespmem:$0x8000] =	vst v63  }
0x38c: {  	_ = 	snop  }
0x38d: {  	[hbm4b:s21+s3] =	stream.linear.scatter [tilespmem:s3], [sflag:$0x1], $0x4000, $0x38;
	[tilespmem:$0x8000] =	vst v63  }
0x38e: {  	_ = 	snop  }
0x38f: {  	[hbm4b:s22+s3] =	stream.linear.scatter [tilespmem:s3], [sflag:$0x1], $0x4000, $0x38;
	[tilespmem:$0x8000] =	vst v63  }
0x390: {  	_ = 	snop  }
0x391: {  	[hbm4b:s23+s3] =	stream.linear.scatter [tilespmem:s3], [sflag:$0x1], $0x4000, $0x38;
	[tilespmem:$0x8000] =	vst v63  }
0x392: {  	_ =	swait.ge [sflag:s2], $0x4000  }
0x393: {  	[sflag:s2] =	ssyncset.done $0x0  }
0x394: {  	[sflag:s2] =	ssyncadd.s32 $0xFFFFC000  }
0x395: {  	_ =	swait.ge [sflag:s2], $0x4000  }
0x396: {  	[sflag:s2] =	ssyncset.done $0x0  }
0x397: {  	[sflag:s2] =	ssyncadd.s32 $0xFFFFC000  }
0x398: {  	_ =	swait.ge [sflag:s2], $0x4000  }
0x399: {  	[sflag:s2] =	ssyncset.done $0x0  }
0x39a: {  	[sflag:s2] =	ssyncadd.s32 $0xFFFFC000  }
0x39b: {  	_ =	swait.ge [sflag:s2], $0x4000  }
0x39c: {  	[sflag:s2] =	ssyncset.done $0x0  }
0x39d: {  	[sflag:s2] =	ssyncadd.s32 $0xFFFFC000  }
0x39e: {  	_ =	swait.ge [sflag:s2], $0x4000  }
0x39f: {  	[sflag:s2] =	ssyncset.done $0x0  }
0x3a0: {  	[sflag:s2] =	ssyncadd.s32 $0xFFFFC000  }
0x3a1: {  	_ =	swait.ge [sflag:s2], $0x4000  }
0x3a2: {  	[sflag:s2] =	ssyncset.done $0x0  }
0x3a3: {  	[sflag:s2] =	ssyncadd.s32 $0xFFFFC000  }
0x3a4: {  	_ =	swait.ge [sflag:s2], $0x4000  }
0x3a5: {  	[sflag:s2] =	ssyncset.done $0x0  }
0x3a6: {  	[sflag:s2] =	ssyncadd.s32 $0xFFFFC000  }
0x3a7: {  	_ =	swait.ge [sflag:s2], $0x4000  }
0x3a8: {  	[sflag:s2] =	ssyncset.done $0x0  }
0x3a9: {  	[sflag:s2] =	ssyncadd.s32 $0xFFFFC000  }
0x3aa: {  	_ =	swait.ge [sflag:s2], $0x4000  }
0x3ab: {  	[sflag:s2] =	ssyncset.done $0x0  }
0x3ac: {  	[sflag:s2] =	ssyncadd.s32 $0xFFFFC000  }
0x3ad: {  	_ =	swait.ge [sflag:s2], $0x4000  }
0x3ae: {  	[sflag:s2] =	ssyncset.done $0x0  }
0x3af: {  	[sflag:s2] =	ssyncadd.s32 $0xFFFFC000  }
0x3b0: {  	_ =	swait.ge [sflag:s2], $0x4000  }
0x3b1: {  	[sflag:s2] =	ssyncset.done $0x0  }
0x3b2: {  	[sflag:s2] =	ssyncadd.s32 $0xFFFFC000  }
0x3b3: {  	_ =	swait.ge [sflag:s2], $0x4000  }
0x3b4: {  	[sflag:s2] =	ssyncset.done $0x0  }
0x3b5: {  	[sflag:s2] =	ssyncadd.s32 $0xFFFFC000  }
0x3b6: {  	_ =	swait.ge [sflag:s2], $0x4000  }
0x3b7: {  	[sflag:s2] =	ssyncset.done $0x0  }
0x3b8: {  	[sflag:s2] =	ssyncadd.s32 $0xFFFFC000  }
0x3b9: {  	_ =	swait.ge [sflag:s2], $0x4000  }
0x3ba: {  	[sflag:s2] =	ssyncset.done $0x0  }
0x3bb: {  	[sflag:s2] =	ssyncadd.s32 $0xFFFFC000  }
0x3bc: {  	_ =	swait.ge [sflag:s2], $0x4000  }
0x3bd: {  	[sflag:s2] =	ssyncset.done $0x0  }
0x3be: {  	[sflag:s2] =	ssyncadd.s32 $0xFFFFC000  }
0x3bf: {  	_ =	swait.ge [sflag:s2], $0x4000  }
0x3c0: {  	[sflag:s2] =	ssyncset.done $0x0  }
0x3c1: {  	[sflag:s2] =	ssyncadd.s32 $0xFFFFC000  }
0x3c2: {  	_ =	swait.ge [sflag:s2], $0x4000  }
0x3c3: {  	[sflag:s2] =	ssyncset.done $0x0  }
0x3c4: {  	[sflag:s2] =	ssyncadd.s32 $0xFFFFC000  }
0x3c5: {  	_ =	swait.ge [sflag:s2], $0x4000  }
0x3c6: {  	[sflag:s2] =	ssyncset.done $0x0  }
0x3c7: {  	[sflag:s2] =	ssyncadd.s32 $0xFFFFC000  }
0x3c8: {  	_ =	swait.ge [sflag:s2], $0x4000  }
0x3c9: {  	[sflag:s2] =	ssyncset.done $0x0  }
0x3ca: {  	[sflag:s2] =	ssyncadd.s32 $0xFFFFC000  }
0x3cb: {  	_ =	swait.ge [sflag:s2], $0x4000  }
0x3cc: {  	[sflag:s2] =	ssyncset.done $0x0  }
0x3cd: {  	[sflag:s2] =	ssyncadd.s32 $0xFFFFC000  }
0x3ce: {  	_ =	swait.ge [sflag:s2], $0x4000  }
0x3cf: {  	[sflag:s2] =	ssyncset.done $0x0  }
0x3d0: {  	[sflag:s2] =	ssyncadd.s32 $0xFFFFC000  }
0x3d1: {  	_ =	swait.ge [sflag:s2], $0x4000  }
0x3d2: {  	[sflag:s2] =	ssyncset.done $0x0  }
0x3d3: {  	[sflag:s2] =	ssyncadd.s32 $0xFFFFC000  }
0x3d4: {  	_ =	swait.ge [sflag:s2], $0x4000  }
0x3d5: {  	[sflag:s2] =	ssyncset.done $0x0  }
0x3d6: {  	[sflag:s2] =	ssyncadd.s32 $0xFFFFC000  }
0x3d7: {  	_ =	swait.ge [sflag:s2], $0x4000  }
0x3d8: {  	[sflag:s2] =	ssyncset.done $0x0  }
0x3d9: {  	[sflag:s2] =	ssyncadd.s32 $0xFFFFC000  }
0x3da: {  	_ =	swait.ge [sflag:s2], $0x4000  }
0x3db: {  	[sflag:s2] =	ssyncset.done $0x0  }
0x3dc: {  	[sflag:s2] =	ssyncadd.s32 $0xFFFFC000  }
0x3dd: {  	_ =	swait.ge [sflag:s2], $0x4000  }
0x3de: {  	[sflag:s2] =	ssyncset.done $0x0  }
0x3df: {  	[sflag:s2] =	ssyncadd.s32 $0xFFFFC000  }
0x3e0: {  	_ =	swait.ge [sflag:s2], $0x4000  }
0x3e1: {  	[sflag:s2] =	ssyncset.done $0x0  }
0x3e2: {  	[sflag:s2] =	ssyncadd.s32 $0xFFFFC000  }
0x3e3: {  	_ =	swait.ge [sflag:s2], $0x4000  }
0x3e4: {  	[sflag:s2] =	ssyncset.done $0x0  }
0x3e5: {  	[sflag:s2] =	ssyncadd.s32 $0xFFFFC000  }
0x3e6: {  	_ =	swait.ge [sflag:s2], $0x4000  }
0x3e7: {  	[sflag:s2] =	ssyncset.done $0x0  }
0x3e8: {  	[sflag:s2] =	ssyncadd.s32 $0xFFFFC000  }
0x3e9: {  	_ =	swait.ge [sflag:s2], $0x4000  }
0x3ea: {  	[sflag:s2] =	ssyncset.done $0x0  }
0x3eb: {  	[sflag:s2] =	ssyncadd.s32 $0xFFFFC000  }
0x3ec: {  	_ =	swait.ge [sflag:s2], $0x4000  }
0x3ed: {  	[sflag:s2] =	ssyncset.done $0x0  }
0x3ee: {  	[sflag:s2] =	ssyncadd.s32 $0xFFFFC000  }
0x3ef: {  	_ =	swait.ge [sflag:s2], $0x4000  }
0x3f0: {  	[sflag:s2] =	ssyncset.done $0x0  }
0x3f1: {  	[sflag:s2] =	ssyncadd.s32 $0xFFFFC000  }
0x3f2: {  	_ =	swait.ge [sflag:s2], $0x4000  }
0x3f3: {  	[sflag:s2] =	ssyncset.done $0x0  }
0x3f4: {  	[sflag:s2] =	ssyncadd.s32 $0xFFFFC000  }
0x3f5: {  	_ =	swait.ge [sflag:s2], $0x4000  }
0x3f6: {  	[sflag:s2] =	ssyncset.done $0x0  }
0x3f7: {  	[sflag:s2] =	ssyncadd.s32 $0xFFFFC000  }
0x3f8: {  	_ =	swait.ge [sflag:s2], $0x4000  }
0x3f9: {  	[sflag:s2] =	ssyncset.done $0x0  }
0x3fa: {  	[sflag:s2] =	ssyncadd.s32 $0xFFFFC000  }
0x3fb: {  	_ =	swait.ge [sflag:s2], $0x4000  }
0x3fc: {  	[sflag:s2] =	ssyncset.done $0x0  }
0x3fd: {  	[sflag:s2] =	ssyncadd.s32 $0xFFFFC000  }
0x3fe: {  	_ =	swait.ge [sflag:s2], $0x4000  }
0x3ff: {  	[sflag:s2] =	ssyncset.done $0x0  }
0x400: {  	[sflag:s2] =	ssyncadd.s32 $0xFFFFC000  }
0x401: {  	_ =	swait.ge [sflag:s2], $0x4000  }
0x402: {  	[sflag:s2] =	ssyncset.done $0x0  }
0x403: {  	[sflag:s2] =	ssyncadd.s32 $0xFFFFC000  }
0x404: {  	_ =	swait.ge [sflag:s2], $0x4000  }
0x405: {  	[sflag:s2] =	ssyncset.done $0x0  }
0x406: {  	[sflag:s2] =	ssyncadd.s32 $0xFFFFC000  }
0x407: {  	_ =	swait.ge [sflag:s2], $0x4000  }
0x408: {  	[sflag:s2] =	ssyncset.done $0x0  }
0x409: {  	[sflag:s2] =	ssyncadd.s32 $0xFFFFC000  }
0x40a: {  	_ =	swait.ge [sflag:s2], $0x4000  }
0x40b: {  	[sflag:s2] =	ssyncset.done $0x0  }
0x40c: {  	[sflag:s2] =	ssyncadd.s32 $0xFFFFC000  }
0x40d: {  	_ =	swait.ge [sflag:s2], $0x4000  }
0x40e: {  	[sflag:s2] =	ssyncset.done $0x0  }
0x40f: {  	[sflag:s2] =	ssyncadd.s32 $0xFFFFC000  }
0x410: {  	_ =	swait.ge [sflag:s2], $0x4000  }
0x411: {  	[sflag:s2] =	ssyncset.done $0x0  }
0x412: {  	[sflag:s2] =	ssyncadd.s32 $0xFFFFC000  }
0x413: {  	_ =	swait.ge [sflag:s2], $0x4000  }
0x414: {  	[sflag:s2] =	ssyncset.done $0x0  }
0x415: {  	[sflag:s2] =	ssyncadd.s32 $0xFFFFC000  }
0x416: {  	_ =	swait.ge [sflag:s2], $0x4000  }
0x417: {  	[sflag:s2] =	ssyncset.done $0x0  }
0x418: {  	[sflag:s2] =	ssyncadd.s32 $0xFFFFC000  }
0x419: {  	_ =	swait.ge [sflag:s2], $0x4000  }
0x41a: {  	[sflag:s2] =	ssyncset.done $0x0  }
0x41b: {  	[sflag:s2] =	ssyncadd.s32 $0xFFFFC000  }
0x41c: {  	_ =	swait.ge [sflag:s2], $0x4000  }
0x41d: {  	[sflag:s2] =	ssyncset.done $0x0  }
0x41e: {  	[sflag:s2] =	ssyncadd.s32 $0xFFFFC000  }
0x41f: {  	_ =	swait.ge [sflag:s2], $0x4000  }
0x420: {  	[sflag:s2] =	ssyncset.done $0x0  }
0x421: {  	[sflag:s2] =	ssyncadd.s32 $0xFFFFC000  }
0x422: {  	_ =	swait.ge [sflag:s2], $0x4000  }
0x423: {  	[sflag:s2] =	ssyncset.done $0x0  }
0x424: {  	[sflag:s2] =	ssyncadd.s32 $0xFFFFC000  }
0x425: {  	_ =	swait.ge [sflag:s2], $0x4000  }
0x426: {  	[sflag:s2] =	ssyncset.done $0x0  }
0x427: {  	[sflag:s2] =	ssyncadd.s32 $0xFFFFC000  }
0x428: {  	_ =	swait.ge [sflag:s2], $0x4000  }
0x429: {  	[sflag:s2] =	ssyncset.done $0x0  }
0x42a: {  	[sflag:s2] =	ssyncadd.s32 $0xFFFFC000  }
0x42b: {  	_ =	swait.ge [sflag:s2], $0x4000  }
0x42c: {  	[sflag:s2] =	ssyncset.done $0x0  }
0x42d: {  	[sflag:s2] =	ssyncadd.s32 $0xFFFFC000  }
0x42e: {  	_ =	swait.ge [sflag:s2], $0x4000  }
0x42f: {  	[sflag:s2] =	ssyncset.done $0x0  }
0x430: {  	[sflag:s2] =	ssyncadd.s32 $0xFFFFC000  }
0x431: {  	_ =	swait.ge [sflag:s2], $0x4000  }
0x432: {  	[sflag:s2] =	ssyncset.done $0x0  }
0x433: {  	[sflag:s2] =	ssyncadd.s32 $0xFFFFC000  }
0x434: {  	_ =	swait.ge [sflag:s2], $0x4000  }
0x435: {  	[sflag:s2] =	ssyncset.done $0x0  }
0x436: {  	[sflag:s2] =	ssyncadd.s32 $0xFFFFC000  }
0x437: {  	_ =	swait.ge [sflag:s2], $0x4000  }
0x438: {  	[sflag:s2] =	ssyncset.done $0x0  }
0x439: {  	[sflag:s2] =	ssyncadd.s32 $0xFFFFC000  }
0x43a: {  	_ =	swait.ge [sflag:s2], $0x4000  }
0x43b: {  	[sflag:s2] =	ssyncset.done $0x0  }
0x43c: {  	[sflag:s2] =	ssyncadd.s32 $0xFFFFC000  }
0x43d: {  	_ =	swait.ge [sflag:s2], $0x4000  }
0x43e: {  	[sflag:s2] =	ssyncset.done $0x0  }
0x43f: {  	[sflag:s2] =	ssyncadd.s32 $0xFFFFC000  }
0x440: {  	_ =	swait.ge [sflag:s2], $0x4000  }
0x441: {  	[sflag:s2] =	ssyncset.done $0x0  }
0x442: {  	[sflag:s2] =	ssyncadd.s32 $0xFFFFC000  }
0x443: {  	_ =	swait.ge [sflag:s2], $0x4000  }
0x444: {  	[sflag:s2] =	ssyncset.done $0x0  }
0x445: {  	[sflag:s2] =	ssyncadd.s32 $0xFFFFC000  }
0x446: {  	_ =	swait.ge [sflag:s2], $0x4000  }
0x447: {  	[sflag:s2] =	ssyncset.done $0x0  }
0x448: {  	[sflag:s2] =	ssyncadd.s32 $0xFFFFC000  }
0x449: {  	_ =	swait.ge [sflag:s2], $0x4000  }
0x44a: {  	[sflag:s2] =	ssyncset.done $0x0  }
0x44b: {  	[sflag:s2] =	ssyncadd.s32 $0xFFFFC000  }
0x44c: {  	_ =	swait.ge [sflag:s2], $0x4000  }
0x44d: {  	[sflag:s2] =	ssyncset.done $0x0  }
0x44e: {  	[sflag:s2] =	ssyncadd.s32 $0xFFFFC000  }
0x44f: {  	_ =	swait.ge [sflag:s2], $0x4000  }
0x450: {  	[sflag:s2] =	ssyncset.done $0x0  }
0x451: {  	[sflag:s2] =	ssyncadd.s32 $0xFFFFC000  }
0x452: {  	_ =	sfence.sel $0x180000  }
0x453: {  	[bflag:$0x0] =	sbarrier.arrive $0xFFFF  }
0x454: {  	_ =	strace $0x90000047  }
0x455: {  	[bflag:$0x2] =	sbarrier.arrive $0xFFFF  }
0x456: {  	p0 =	sne.s32 s29, $0x0;
	s0 =	rddreg [dreg:$0x3]  }
0x457: {  	s0 =	sadd.s32 @!p0 $0x100000, s0  }
0x458: {  	[sflag:s0] =	ssyncadd.tile.s32 @!p0 $0x1;
	_ =	shalt  }
.LBB2_2:
.Ltmp3:
0x459: {  	(pc) =	sbr.rel .LBB2_5-.Ltmp3, $3  }
0x45a: {  	_ =	sdelay $0x1  }
0x45b: {  	s29 =	stileid.u32  }
0x45c: {  	s1 =	simm.s32 $0x2000;
	s30 =	simm.s32 $0x1000;
	s31 =	simm.s32 $0x800  }
.Lfunc_end2:
_tile_overlayer_lowered:
.L_overlay_start_2:
0x45d: {  	(tag) =	ssettag $0x2  }
0x45e: {  	s0 =	rddreg [dreg:$0x0];
	s2 =	stileid.u32  }
0x45f: {  	s1 =	rddreg [dreg:$0x1];
	p0 =	sne.s32 s2, $0x0  }
0x460: {  	s3 =	rddreg [dreg:$0x2];
	[bflag:$0x3] =	sbarrier.arrive $0xFFFF;
	s2 =	simm.s32 @!p0 $0x1C02  }
0x461: {  	[timem:s3], [sflag:s2] =	dma.local @!p0 [hbm:s0], s1  }
0x462: {  	s0 =	simm.s32 @!p0 $0x2  }
0x463: {  	_ =	swait.ge @!p0 [sflag:s0], s1  }
0x464: {  	s1 =	ssub.s32 @!p0 $0x0, s1;
	[sflag:s0] =	ssyncset.done @!p0 $0x0  }
0x465: {  	[sflag:s0] =	ssyncadd.s32 @!p0 s1  }
0x466: {  	[bflag:$0x3] =	sbarrier.arrive $0xFFFF  }
0x467: {  	_ =	shalt  }

</sc_bundles>
